<compile_context>
chip_gen: v7x
topology: tpu7x:2x2x1
jax: 0.10.2.dev20260603
libtpu: 0.0.44.dev20260713+nightly
codegen_flags: <defaults>
</compile_context>

<pallas_src>
import functools

import jax
import jax.numpy as jnp
from jax import lax
from jax.experimental import pallas as pl
from jax.experimental.pallas import tpu as pltpu
from jax.experimental.pallas import tpu_sc as plsc

N_NODES = 50000
N_EDGES = 1600000
NUM_GRAPHS = 16
IN_CH = 3
HIDDEN = 64
OUT_CH = 24

NPAD = 51200
NROW = NPAD // 128
NCORES = 2
NSUB = 16
NTILES = NCORES * NSUB
C = 1024
CHUNKS = 51
E_TILE = C * CHUNKS
E_TOTAL = E_TILE * NTILES
NP16 = NPAD // NSUB
W2SZ = NUM_GRAPHS * NPAD
W2T = W2SZ // NSUB
RW = 8

_MESH = dict(core_axis_name="c", subcore_axis_name="s",
             num_cores=NCORES, num_subcores=NSUB)
_SC_PARAMS = pltpu.CompilerParams(needs_layout_passes=False,
                                  use_tc_tiling_on_sc=False)


def _wid():
    return lax.axis_index("c") * NSUB + lax.axis_index("s")


def _k1_body(dst_hbm, zw_hbm, deg_out, dst_a, dst_b, ones_v, deg_sh,
             sem_a, sem_b):
    cid = lax.axis_index("c")
    sid = lax.axis_index("s")
    w = _wid()
    for g in range(C // 16):
        ones_v[pl.ds(g * 16, 16)] = jnp.ones((16,), jnp.float32)
    pltpu.sync_copy(zw_hbm.at[pl.ds(0, NP16)],
                    deg_sh.at[pl.ds(sid * NP16, NP16)])
    plsc.subcore_barrier()

    def ebase(i):
        return pl.multiple_of(w * E_TILE + i * C, C)

    l0 = pltpu.async_copy(dst_hbm.at[pl.ds(ebase(0), C)], dst_a, sem_a)
    l0.wait()

    def pair(p, _):
        sa = pltpu.async_copy(ones_v, deg_sh.at[dst_a], sem_a, add=True)
        lb = pltpu.async_copy(dst_hbm.at[pl.ds(ebase(2 * p + 1), C)],
                              dst_b, sem_b)
        lb.wait()
        sb = pltpu.async_copy(ones_v, deg_sh.at[dst_b], sem_b, add=True)
        sa.wait()
        la = pltpu.async_copy(dst_hbm.at[pl.ds(ebase(2 * p + 2), C)],
                              dst_a, sem_a)
        la.wait()
        sb.wait()
        return ()

    lax.fori_loop(0, CHUNKS // 2, pair, ())
    pltpu.sync_copy(ones_v, deg_sh.at[dst_a], add=True)
    plsc.subcore_barrier()
    pltpu.sync_copy(deg_sh.at[pl.ds(sid * NP16, NP16)],
                    deg_out.at[cid, pl.ds(sid * NP16, NP16)])


_k1 = functools.partial(
    pl.kernel,
    out_type=jax.ShapeDtypeStruct((NCORES, NPAD), jnp.float32),
    mesh=plsc.VectorSubcoreMesh(**_MESH),
    scratch_types=[
        pltpu.VMEM((C,), jnp.int32),
        pltpu.VMEM((C,), jnp.int32),
        pltpu.VMEM((C,), jnp.float32),
        pltpu.VMEM_SHARED((NPAD,), jnp.float32),
        pltpu.SemaphoreType.DMA,
        pltpu.SemaphoreType.DMA,
    ],
    compiler_params=_SC_PARAMS,
)(_k1_body)


def _k2_body(deg2_ref, batch_ref, posi_ref, dinv_ref, qi_ref, combo_ref,
             cnt_ref):
    deg = deg2_ref[0] + deg2_ref[1]
    dinv = jnp.where(deg > 0, lax.rsqrt(deg), 0.0)
    dinv_ref[...] = dinv
    qi_ref[...] = jnp.repeat(dinv, RW, axis=1) * posi_ref[...]
    b = batch_ref[...]
    bits = lax.bitcast_convert_type(dinv, jnp.int32)
    combo_ref[...] = (bits & ~jnp.int32(15)) | b
    nid = (lax.broadcasted_iota(jnp.int32, (NROW, 128), 0) * 128
           + lax.broadcasted_iota(jnp.int32, (NROW, 128), 1))
    real = nid < N_NODES
    for g in range(NUM_GRAPHS):
        cnt_ref[0, g] = jnp.sum(jnp.where((b == g) & real, 1.0, 0.0))


def _k2(deg2, batch2d, posi):
    return pl.pallas_call(
        _k2_body,
        out_shape=[
            jax.ShapeDtypeStruct((NROW, 128), jnp.float32),
            jax.ShapeDtypeStruct((NROW, 128 * RW), jnp.float32),
            jax.ShapeDtypeStruct((NROW, 128), jnp.int32),
            jax.ShapeDtypeStruct((1, NUM_GRAPHS), jnp.float32),
        ],
        out_specs=[
            pl.BlockSpec(memory_space=pltpu.VMEM),
            pl.BlockSpec(memory_space=pltpu.VMEM),
            pl.BlockSpec(memory_space=pltpu.VMEM),
            pl.BlockSpec(memory_space=pltpu.SMEM),
        ],
    )(deg2, batch2d, posi)


def _k3_body(src_hbm, dst_hbm, q_hbm, combo_hbm, zs_hbm, zw_hbm,
             s_out, w2_out,
             src_v, dst_v, cb_v, val_v, idx_v, qrow_v,
             q_sh, s_sh, combo_sh, w2_sh, sem_a, sem_b):
    cid = lax.axis_index("c")
    sid = lax.axis_index("s")
    w = _wid()

    pltpu.sync_copy(q_hbm.at[pl.ds(sid * NP16, NP16)],
                    q_sh.at[pl.ds(sid * NP16, NP16)])
    pltpu.sync_copy(combo_hbm.at[pl.ds(sid * NP16, NP16)],
                    combo_sh.at[pl.ds(sid * NP16, NP16)])
    for r in range(4):
        pltpu.sync_copy(zs_hbm,
                        s_sh.at[pl.ds(sid * NP16 + r * (NP16 // 4), NP16 // 4)])
    pltpu.sync_copy(zw_hbm, w2_sh.at[pl.ds(sid * W2T, W2T)])
    plsc.subcore_barrier()

    def chunk(i, _):
        eb = pl.multiple_of(w * E_TILE + i * C, C)
        c1 = pltpu.async_copy(src_hbm.at[pl.ds(eb, C)], src_v, sem_a)
        c2 = pltpu.async_copy(dst_hbm.at[pl.ds(eb, C)], dst_v, sem_b)
        c1.wait()
        c2.wait()
        g1 = pltpu.async_copy(q_sh.at[src_v], qrow_v, sem_a)
        g2 = pltpu.async_copy(combo_sh.at[dst_v], cb_v, sem_b)
        g2.wait()
        for g in range(C // 16):
            cb = cb_v[pl.ds(g * 16, 16)]
            gid = cb & 15
            val_v[pl.ds(g * 16, 16)] = plsc.bitcast(cb & ~jnp.int32(15),
                                                    jnp.float32)
            idx_v[pl.ds(g * 16, 16)] = gid * NPAD + src_v[pl.ds(g * 16, 16)]
        g1.wait()
        s1 = pltpu.async_copy(qrow_v, s_sh.at[dst_v], sem_a, add=True)
        s2 = pltpu.async_copy(val_v, w2_sh.at[idx_v], sem_b, add=True)
        s1.wait()
        s2.wait()
        return ()

    lax.fori_loop(0, CHUNKS, chunk, ())
    plsc.subcore_barrier()
    pltpu.sync_copy(s_sh.at[pl.ds(sid * NP16, NP16)],
                    s_out.at[cid, pl.ds(sid * NP16, NP16)])
    pltpu.sync_copy(w2_sh.at[pl.ds(sid * W2T, W2T)],
                    w2_out.at[cid, pl.ds(sid * W2T, W2T)])


_k3 = functools.partial(
    pl.kernel,
    out_type=[
        jax.ShapeDtypeStruct((NCORES, NPAD, RW), jnp.float32),
        jax.ShapeDtypeStruct((NCORES, W2SZ), jnp.float32),
    ],
    mesh=plsc.VectorSubcoreMesh(**_MESH),
    scratch_types=[
        pltpu.VMEM((C,), jnp.int32),
        pltpu.VMEM((C,), jnp.int32),
        pltpu.VMEM((C,), jnp.int32),
        pltpu.VMEM((C,), jnp.float32),
        pltpu.VMEM((C,), jnp.int32),
        pltpu.VMEM((C, RW), jnp.float32),
        pltpu.VMEM_SHARED((NPAD, RW), jnp.float32),
        pltpu.VMEM_SHARED((NPAD, RW), jnp.float32),
        pltpu.VMEM_SHARED((NPAD,), jnp.int32),
        pltpu.VMEM_SHARED((W2SZ,), jnp.float32),
        pltpu.SemaphoreType.DMA,
        pltpu.SemaphoreType.DMA,
    ],
    compiler_params=_SC_PARAMS,
)(_k3_body)


BLK = 2048
NB = NPAD // BLK


def _k4_body(s2_ref, w2_ref, dinv_ref, w0_ref, b0_ref, w1_ref, b1_ref,
             cnt_ref, out_ref, acc_ref):
    i = pl.program_id(0)

    @pl.when(i == 0)
    def _():
        acc_ref[...] = jnp.zeros_like(acc_ref)

    s = s2_ref[0] + s2_ref[1]
    dv = dinv_ref[...]
    a = s * dv
    x1 = jnp.dot(a, w0_ref[...], preferred_element_type=jnp.float32)
    x1 = jnp.maximum(x1 + b0_ref[...], 0.0)
    nid = i * BLK + lax.broadcasted_iota(jnp.int32, (BLK, 1), 0)
    z = jnp.where(nid < N_NODES, x1 * dv, 0.0)
    t = w2_ref[0] + w2_ref[1]
    acc_ref[...] += jnp.dot(t, z, preferred_element_type=jnp.float32)

    @pl.when(i == NB - 1)
    def _():
        m = jnp.dot(acc_ref[...], w1_ref[...],
                    preferred_element_type=jnp.float32)
        rows = lax.broadcasted_iota(jnp.int32, (NUM_GRAPHS, OUT_CH), 0)
        den = jnp.ones((NUM_GRAPHS, OUT_CH), jnp.float32)
        for g in range(NUM_GRAPHS):
            den = jnp.where(rows == g, jnp.maximum(cnt_ref[0, g], 1.0), den)
        out_ref[...] = m / den + b1_ref[...]


def _k4(s2, w2, dinv, w0p, b0, w1, b1, cnt):
    return pl.pallas_call(
        _k4_body,
        grid=(NB,),
        in_specs=[
            pl.BlockSpec((NCORES, BLK, RW), lambda i: (0, i, 0)),
            pl.BlockSpec((NCORES, NUM_GRAPHS, BLK), lambda i: (0, 0, i)),
            pl.BlockSpec((BLK, 1), lambda i: (i, 0)),
            pl.BlockSpec((RW, HIDDEN), lambda i: (0, 0)),
            pl.BlockSpec((1, HIDDEN), lambda i: (0, 0)),
            pl.BlockSpec((HIDDEN, OUT_CH), lambda i: (0, 0)),
            pl.BlockSpec((1, OUT_CH), lambda i: (0, 0)),
            pl.BlockSpec(memory_space=pltpu.SMEM),
        ],
        out_specs=pl.BlockSpec((NUM_GRAPHS, OUT_CH), lambda i: (0, 0)),
        out_shape=jax.ShapeDtypeStruct((NUM_GRAPHS, OUT_CH), jnp.float32),
        scratch_shapes=[pltpu.VMEM((NUM_GRAPHS, HIDDEN), jnp.float32)],
        compiler_params=pltpu.CompilerParams(
            dimension_semantics=("arbitrary",)),
    )(s2, w2, dinv, w0p, b0, w1, b1, cnt)


def kernel(pos, edge_index, batch, W0, b0, W1, b1):
    src = edge_index[0].astype(jnp.int32)
    dst = edge_index[1].astype(jnp.int32)
    loop = jnp.arange(N_NODES, dtype=jnp.int32)
    npad_e = E_TOTAL - (N_EDGES + N_NODES)
    padidx = (N_NODES + (jnp.arange(npad_e, dtype=jnp.int32) % 64))
    srcp = jnp.concatenate([src, loop, padidx])
    dstp = jnp.concatenate([dst, loop, padidx])
    batchp = jnp.concatenate([
        batch.astype(jnp.int32),
        jnp.zeros((NPAD - N_NODES,), jnp.int32)])
    posi = (jnp.zeros((NPAD, RW), jnp.float32).at[:N_NODES, :IN_CH].set(pos)
            .reshape(NROW, 128 * RW))
    zs = jnp.zeros((NP16 // 4, RW), jnp.float32)
    zw = jnp.zeros((W2T,), jnp.float32)

    deg2 = _k1(dstp, zw)
    dinv2d, qi, combo, cnt = _k2(deg2.reshape(NCORES, NROW, 128),
                                 batchp.reshape(NROW, 128), posi)
    dinv = dinv2d.reshape(NPAD)
    s2, w2 = _k3(srcp, dstp, qi.reshape(NPAD, RW), combo.reshape(NPAD),
                 zs, zw)
    w2g = w2.reshape(NCORES, NUM_GRAPHS, NPAD)
    W0p = jnp.concatenate(
        [W0, jnp.zeros((RW - IN_CH, HIDDEN), jnp.float32)], axis=0)
    return _k4(s2, w2g, dinv.reshape(NPAD, 1), W0p, b0.reshape(1, HIDDEN),
               W1, b1.reshape(1, OUT_CH), cnt)

# --- scband reference (transcript-rebuilt; emitter-appended) ---
"""Pipeline reference for scband-graph-regressor-8787503088060 (READ-ONLY COPY).

The authoritative reference and input builder live on the scoring server;
editing this copy changes nothing except your own understanding.
"""

import jax, jax.numpy as jnp
import numpy as np

N_NODES = 50000
N_EDGES = 1600000
NUM_GRAPHS = 16
IN_CH = 3
HIDDEN = 64
OUT_CH = 24


def setup_inputs(seed: int = 0) -> dict:
    key = jax.random.key(seed)
    k_pos, k_ei, k_b, k_w0, k_w1 = jax.random.split(key, 5)
    pos = jax.random.normal(k_pos, (N_NODES, IN_CH), dtype=jnp.float32)
    edge_index = jax.random.randint(k_ei, (2, N_EDGES), 0, N_NODES, dtype=jnp.int64)
    batch = jnp.sort(jax.random.randint(k_b, (N_NODES,), 0, NUM_GRAPHS, dtype=jnp.int64))
    W0 = jax.random.normal(k_w0, (IN_CH, HIDDEN), dtype=jnp.float32) * (1.0 / np.sqrt(IN_CH))
    b0 = jnp.zeros((HIDDEN,), dtype=jnp.float32)
    W1 = jax.random.normal(k_w1, (HIDDEN, OUT_CH), dtype=jnp.float32) * (1.0 / np.sqrt(HIDDEN))
    b1 = jnp.zeros((OUT_CH,), dtype=jnp.float32)
    return {"pos": pos, "edge_index": edge_index, "batch": batch,
            "W0": W0, "b0": b0, "W1": W1, "b1": b1}


def _gcn_conv(x, W, b, src, dst, n_nodes):
    # add self loops
    loop = jnp.arange(n_nodes, dtype=src.dtype)
    src = jnp.concatenate([src, loop])
    dst = jnp.concatenate([dst, loop])
    # symmetric normalization D^-1/2 (A+I) D^-1/2
    deg = jnp.zeros((n_nodes,), dtype=x.dtype).at[dst].add(1.0)
    dinv = jnp.where(deg > 0, deg ** -0.5, 0.0)
    norm = dinv[src] * dinv[dst]
    h = x @ W
    msg = h[src] * norm[:, None]
    out = jnp.zeros((n_nodes, W.shape[1]), dtype=x.dtype).at[dst].add(msg)
    return out + b


def reference(pos, edge_index, batch, W0, b0, W1, b1):
    src, dst = edge_index[0], edge_index[1]
    h = _gcn_conv(pos, W0, b0, src, dst, N_NODES)
    h = jax.nn.relu(h)
    h = _gcn_conv(h, W1, b1, src, dst, N_NODES)
    # global_mean_pool over batch assignment
    s = jax.ops.segment_sum(h, batch, num_segments=NUM_GRAPHS)
    cnt = jax.ops.segment_sum(jnp.ones((N_NODES,), dtype=h.dtype), batch, num_segments=NUM_GRAPHS)
    return s / jnp.maximum(cnt, 1.0)[:, None]

if __name__ == "__main__":
    import jax
    _d = setup_inputs()
    print(jax.jit(kernel)(*tuple(_d.values())))

</pallas_src>

<mosaic_0001>
#map = affine_map<(d0, d1) -> (0)>
#map1 = affine_map<(d0, d1) -> (0, 0)>
module attributes {stable_mosaic.version = 14 : i64} {
  func.func @_k1_body(%arg0: i32, %arg1: i32, %arg2: memref<1671168xi32, #tpu.memory_space<hbm>>, %arg3: memref<51200xf32, #tpu.memory_space<hbm>>, %arg4: memref<2x51200xf32, #tpu.memory_space<hbm>>, %arg5: memref<1024xi32, #tpu.memory_space<vmem>>, %arg6: memref<1024xi32, #tpu.memory_space<vmem>>, %arg7: memref<1024xf32, #tpu.memory_space<vmem>>, %arg8: memref<51200xf32, #tpu.memory_space<vmem_shared>>, %arg9: memref<!tpu.dma_semaphore, #tpu.memory_space<semaphore_mem>>, %arg10: memref<!tpu.dma_semaphore, #tpu.memory_space<semaphore_mem>>) attributes {dimension_semantics = [#tpu.dimension_semantics<core_parallel>, #tpu.dimension_semantics<subcore_parallel>], iteration_bounds = array<i64: 2, 16>, scalar_prefetch = 0 : i64, scratch_operands = 6 : i64, tpu.core_type = #tpu.core_type<sc_vector_subcore>, window_params = [{transform_indices = #map}, {transform_indices = #map}, {transform_indices = #map1}]} {
    %mul3A = arith.constant 16 : i32
    %mul3A_0 = arith.muli %arg0, %mul3A : i32
    %add3A = arith.addi %mul3A_0, %arg1 : i32
    %broadcast_in_dim3A = arith.constant 1.000000e+00 : f32
    %broadcast_in_dim3A_1 = vector.broadcast %broadcast_in_dim3A : f32 to vector<16xf32>
    %swap3A = arith.constant 0 : index
    %swap3A_2 = tpu.vector_load %arg7[%swap3A] {strides = array<i32>} : memref<1024xf32, #tpu.memory_space<vmem>>, vector<16xf32>,
    tpu.vector_store %arg7[%swap3A], %broadcast_in_dim3A_1 {strides = array<i32>} : memref<1024xf32, #tpu.memory_space<vmem>>, vector<16xf32>,
    %broadcast_in_dim3A_3 = arith.constant 1.000000e+00 : f32
    %broadcast_in_dim3A_4 = vector.broadcast %broadcast_in_dim3A_3 : f32 to vector<16xf32>
    %swap3A_5 = arith.constant 16 : index
    %swap3A_6 = tpu.vector_load %arg7[%swap3A_5] {strides = array<i32>} : memref<1024xf32, #tpu.memory_space<vmem>>, vector<16xf32>,
    tpu.vector_store %arg7[%swap3A_5], %broadcast_in_dim3A_4 {strides = array<i32>} : memref<1024xf32, #tpu.memory_space<vmem>>, vector<16xf32>,
    %broadcast_in_dim3A_7 = arith.constant 1.000000e+00 : f32
    %broadcast_in_dim3A_8 = vector.broadcast %broadcast_in_dim3A_7 : f32 to vector<16xf32>
    %swap3A_9 = arith.constant 32 : index
    %swap3A_10 = tpu.vector_load %arg7[%swap3A_9] {strides = array<i32>} : memref<1024xf32, #tpu.memory_space<vmem>>, vector<16xf32>,
    tpu.vector_store %arg7[%swap3A_9], %broadcast_in_dim3A_8 {strides = array<i32>} : memref<1024xf32, #tpu.memory_space<vmem>>, vector<16xf32>,
    %broadcast_in_dim3A_11 = arith.constant 1.000000e+00 : f32
    %broadcast_in_dim3A_12 = vector.broadcast %broadcast_in_dim3A_11 : f32 to vector<16xf32>
    %swap3A_13 = arith.constant 48 : index
    %swap3A_14 = tpu.vector_load %arg7[%swap3A_13] {strides = array<i32>} : memref<1024xf32, #tpu.memory_space<vmem>>, vector<16xf32>,
    tpu.vector_store %arg7[%swap3A_13], %broadcast_in_dim3A_12 {strides = array<i32>} : memref<1024xf32, #tpu.memory_space<vmem>>, vector<16xf32>,
    %broadcast_in_dim3A_15 = arith.constant 1.000000e+00 : f32
    %broadcast_in_dim3A_16 = vector.broadcast %broadcast_in_dim3A_15 : f32 to vector<16xf32>
    %swap3A_17 = arith.constant 64 : index
    %swap3A_18 = tpu.vector_load %arg7[%swap3A_17] {strides = array<i32>} : memref<1024xf32, #tpu.memory_space<vmem>>, vector<16xf32>,
    tpu.vector_store %arg7[%swap3A_17], %broadcast_in_dim3A_16 {strides = array<i32>} : memref<1024xf32, #tpu.memory_space<vmem>>, vector<16xf32>,
    %broadcast_in_dim3A_19 = arith.constant 1.000000e+00 : f32
    %broadcast_in_dim3A_20 = vector.broadcast %broadcast_in_dim3A_19 : f32 to vector<16xf32>
    %swap3A_21 = arith.constant 80 : index
    %swap3A_22 = tpu.vector_load %arg7[%swap3A_21] {strides = array<i32>} : memref<1024xf32, #tpu.memory_space<vmem>>, vector<16xf32>,
    tpu.vector_store %arg7[%swap3A_21], %broadcast_in_dim3A_20 {strides = array<i32>} : memref<1024xf32, #tpu.memory_space<vmem>>, vector<16xf32>,
    %broadcast_in_dim3A_23 = arith.constant 1.000000e+00 : f32
    %broadcast_in_dim3A_24 = vector.broadcast %broadcast_in_dim3A_23 : f32 to vector<16xf32>
    %swap3A_25 = arith.constant 96 : index
    %swap3A_26 = tpu.vector_load %arg7[%swap3A_25] {strides = array<i32>} : memref<1024xf32, #tpu.memory_space<vmem>>, vector<16xf32>,
    tpu.vector_store %arg7[%swap3A_25], %broadcast_in_dim3A_24 {strides = array<i32>} : memref<1024xf32, #tpu.memory_space<vmem>>, vector<16xf32>,
    %broadcast_in_dim3A_27 = arith.constant 1.000000e+00 : f32
    %broadcast_in_dim3A_28 = vector.broadcast %broadcast_in_dim3A_27 : f32 to vector<16xf32>
    %swap3A_29 = arith.constant 112 : index
    %swap3A_30 = tpu.vector_load %arg7[%swap3A_29] {strides = array<i32>} : memref<1024xf32, #tpu.memory_space<vmem>>, vector<16xf32>,
    tpu.vector_store %arg7[%swap3A_29], %broadcast_in_dim3A_28 {strides = array<i32>} : memref<1024xf32, #tpu.memory_space<vmem>>, vector<16xf32>,
    %broadcast_in_dim3A_31 = arith.constant 1.000000e+00 : f32
    %broadcast_in_dim3A_32 = vector.broadcast %broadcast_in_dim3A_31 : f32 to vector<16xf32>
    %swap3A_33 = arith.constant 128 : index
    %swap3A_34 = tpu.vector_load %arg7[%swap3A_33] {strides = array<i32>} : memref<1024xf32, #tpu.memory_space<vmem>>, vector<16xf32>,
    tpu.vector_store %arg7[%swap3A_33], %broadcast_in_dim3A_32 {strides = array<i32>} : memref<1024xf32, #tpu.memory_space<vmem>>, vector<16xf32>,
    %broadcast_in_dim3A_35 = arith.constant 1.000000e+00 : f32
    %broadcast_in_dim3A_36 = vector.broadcast %broadcast_in_dim3A_35 : f32 to vector<16xf32>
    %swap3A_37 = arith.constant 144 : index
    %swap3A_38 = tpu.vector_load %arg7[%swap3A_37] {strides = array<i32>} : memref<1024xf32, #tpu.memory_space<vmem>>, vector<16xf32>,
    tpu.vector_store %arg7[%swap3A_37], %broadcast_in_dim3A_36 {strides = array<i32>} : memref<1024xf32, #tpu.memory_space<vmem>>, vector<16xf32>,
    %broadcast_in_dim3A_39 = arith.constant 1.000000e+00 : f32
    %broadcast_in_dim3A_40 = vector.broadcast %broadcast_in_dim3A_39 : f32 to vector<16xf32>
    %swap3A_41 = arith.constant 160 : index
    %swap3A_42 = tpu.vector_load %arg7[%swap3A_41] {strides = array<i32>} : memref<1024xf32, #tpu.memory_space<vmem>>, vector<16xf32>,
    tpu.vector_store %arg7[%swap3A_41], %broadcast_in_dim3A_40 {strides = array<i32>} : memref<1024xf32, #tpu.memory_space<vmem>>, vector<16xf32>,
    %broadcast_in_dim3A_43 = arith.constant 1.000000e+00 : f32
    %broadcast_in_dim3A_44 = vector.broadcast %broadcast_in_dim3A_43 : f32 to vector<16xf32>
    %swap3A_45 = arith.constant 176 : index
    %swap3A_46 = tpu.vector_load %arg7[%swap3A_45] {strides = array<i32>} : memref<1024xf32, #tpu.memory_space<vmem>>, vector<16xf32>,
    tpu.vector_store %arg7[%swap3A_45], %broadcast_in_dim3A_44 {strides = array<i32>} : memref<1024xf32, #tpu.memory_space<vmem>>, vector<16xf32>,
    %broadcast_in_dim3A_47 = arith.constant 1.000000e+00 : f32
    %broadcast_in_dim3A_48 = vector.broadcast %broadcast_in_dim3A_47 : f32 to vector<16xf32>
    %swap3A_49 = arith.constant 192 : index
    %swap3A_50 = tpu.vector_load %arg7[%swap3A_49] {strides = array<i32>} : memref<1024xf32, #tpu.memory_space<vmem>>, vector<16xf32>,
    tpu.vector_store %arg7[%swap3A_49], %broadcast_in_dim3A_48 {strides = array<i32>} : memref<1024xf32, #tpu.memory_space<vmem>>, vector<16xf32>,
    %broadcast_in_dim3A_51 = arith.constant 1.000000e+00 : f32
    %broadcast_in_dim3A_52 = vector.broadcast %broadcast_in_dim3A_51 : f32 to vector<16xf32>
    %swap3A_53 = arith.constant 208 : index
    %swap3A_54 = tpu.vector_load %arg7[%swap3A_53] {strides = array<i32>} : memref<1024xf32, #tpu.memory_space<vmem>>, vector<16xf32>,
    tpu.vector_store %arg7[%swap3A_53], %broadcast_in_dim3A_52 {strides = array<i32>} : memref<1024xf32, #tpu.memory_space<vmem>>, vector<16xf32>,
    %broadcast_in_dim3A_55 = arith.constant 1.000000e+00 : f32
    %broadcast_in_dim3A_56 = vector.broadcast %broadcast_in_dim3A_55 : f32 to vector<16xf32>
    %swap3A_57 = arith.constant 224 : index
    %swap3A_58 = tpu.vector_load %arg7[%swap3A_57] {strides = array<i32>} : memref<1024xf32, #tpu.memory_space<vmem>>, vector<16xf32>,
    tpu.vector_store %arg7[%swap3A_57], %broadcast_in_dim3A_56 {strides = array<i32>} : memref<1024xf32, #tpu.memory_space<vmem>>, vector<16xf32>,
    %broadcast_in_dim3A_59 = arith.constant 1.000000e+00 : f32
    %broadcast_in_dim3A_60 = vector.broadcast %broadcast_in_dim3A_59 : f32 to vector<16xf32>
    %swap3A_61 = arith.constant 240 : index
    %swap3A_62 = tpu.vector_load %arg7[%swap3A_61] {strides = array<i32>} : memref<1024xf32, #tpu.memory_space<vmem>>, vector<16xf32>,
    tpu.vector_store %arg7[%swap3A_61], %broadcast_in_dim3A_60 {strides = array<i32>} : memref<1024xf32, #tpu.memory_space<vmem>>, vector<16xf32>,
    %broadcast_in_dim3A_63 = arith.constant 1.000000e+00 : f32
    %broadcast_in_dim3A_64 = vector.broadcast %broadcast_in_dim3A_63 : f32 to vector<16xf32>
    %swap3A_65 = arith.constant 256 : index
    %swap3A_66 = tpu.vector_load %arg7[%swap3A_65] {strides = array<i32>} : memref<1024xf32, #tpu.memory_space<vmem>>, vector<16xf32>,
    tpu.vector_store %arg7[%swap3A_65], %broadcast_in_dim3A_64 {strides = array<i32>} : memref<1024xf32, #tpu.memory_space<vmem>>, vector<16xf32>,
    %broadcast_in_dim3A_67 = arith.constant 1.000000e+00 : f32
    %broadcast_in_dim3A_68 = vector.broadcast %broadcast_in_dim3A_67 : f32 to vector<16xf32>
    %swap3A_69 = arith.constant 272 : index
    %swap3A_70 = tpu.vector_load %arg7[%swap3A_69] {strides = array<i32>} : memref<1024xf32, #tpu.memory_space<vmem>>, vector<16xf32>,
    tpu.vector_store %arg7[%swap3A_69], %broadcast_in_dim3A_68 {strides = array<i32>} : memref<1024xf32, #tpu.memory_space<vmem>>, vector<16xf32>,
    %broadcast_in_dim3A_71 = arith.constant 1.000000e+00 : f32
    %broadcast_in_dim3A_72 = vector.broadcast %broadcast_in_dim3A_71 : f32 to vector<16xf32>
    %swap3A_73 = arith.constant 288 : index
    %swap3A_74 = tpu.vector_load %arg7[%swap3A_73] {strides = array<i32>} : memref<1024xf32, #tpu.memory_space<vmem>>, vector<16xf32>,
    tpu.vector_store %arg7[%swap3A_73], %broadcast_in_dim3A_72 {strides = array<i32>} : memref<1024xf32, #tpu.memory_space<vmem>>, vector<16xf32>,
    %broadcast_in_dim3A_75 = arith.constant 1.000000e+00 : f32
    %broadcast_in_dim3A_76 = vector.broadcast %broadcast_in_dim3A_75 : f32 to vector<16xf32>
    %swap3A_77 = arith.constant 304 : index
    %swap3A_78 = tpu.vector_load %arg7[%swap3A_77] {strides = array<i32>} : memref<1024xf32, #tpu.memory_space<vmem>>, vector<16xf32>,
    tpu.vector_store %arg7[%swap3A_77], %broadcast_in_dim3A_76 {strides = array<i32>} : memref<1024xf32, #tpu.memory_space<vmem>>, vector<16xf32>,
    %broadcast_in_dim3A_79 = arith.constant 1.000000e+00 : f32
    %broadcast_in_dim3A_80 = vector.broadcast %broadcast_in_dim3A_79 : f32 to vector<16xf32>
    %swap3A_81 = arith.constant 320 : index
    %swap3A_82 = tpu.vector_load %arg7[%swap3A_81] {strides = array<i32>} : memref<1024xf32, #tpu.memory_space<vmem>>, vector<16xf32>,
    tpu.vector_store %arg7[%swap3A_81], %broadcast_in_dim3A_80 {strides = array<i32>} : memref<1024xf32, #tpu.memory_space<vmem>>, vector<16xf32>,
    %broadcast_in_dim3A_83 = arith.constant 1.000000e+00 : f32
    %broadcast_in_dim3A_84 = vector.broadcast %broadcast_in_dim3A_83 : f32 to vector<16xf32>
    %swap3A_85 = arith.constant 336 : index
    %swap3A_86 = tpu.vector_load %arg7[%swap3A_85] {strides = array<i32>} : memref<1024xf32, #tpu.memory_space<vmem>>, vector<16xf32>,
    tpu.vector_store %arg7[%swap3A_85], %broadcast_in_dim3A_84 {strides = array<i32>} : memref<1024xf32, #tpu.memory_space<vmem>>, vector<16xf32>,
    %broadcast_in_dim3A_87 = arith.constant 1.000000e+00 : f32
    %broadcast_in_dim3A_88 = vector.broadcast %broadcast_in_dim3A_87 : f32 to vector<16xf32>
    %swap3A_89 = arith.constant 352 : index
    %swap3A_90 = tpu.vector_load %arg7[%swap3A_89] {strides = array<i32>} : memref<1024xf32, #tpu.memory_space<vmem>>, vector<16xf32>,
    tpu.vector_store %arg7[%swap3A_89], %broadcast_in_dim3A_88 {strides = array<i32>} : memref<1024xf32, #tpu.memory_space<vmem>>, vector<16xf32>,
    %broadcast_in_dim3A_91 = arith.constant 1.000000e+00 : f32
    %broadcast_in_dim3A_92 = vector.broadcast %broadcast_in_dim3A_91 : f32 to vector<16xf32>
    %swap3A_93 = arith.constant 368 : index
    %swap3A_94 = tpu.vector_load %arg7[%swap3A_93] {strides = array<i32>} : memref<1024xf32, #tpu.memory_space<vmem>>, vector<16xf32>,
    tpu.vector_store %arg7[%swap3A_93], %broadcast_in_dim3A_92 {strides = array<i32>} : memref<1024xf32, #tpu.memory_space<vmem>>, vector<16xf32>,
    %broadcast_in_dim3A_95 = arith.constant 1.000000e+00 : f32
    %broadcast_in_dim3A_96 = vector.broadcast %broadcast_in_dim3A_95 : f32 to vector<16xf32>
    %swap3A_97 = arith.constant 384 : index
    %swap3A_98 = tpu.vector_load %arg7[%swap3A_97] {strides = array<i32>} : memref<1024xf32, #tpu.memory_space<vmem>>, vector<16xf32>,
    tpu.vector_store %arg7[%swap3A_97], %broadcast_in_dim3A_96 {strides = array<i32>} : memref<1024xf32, #tpu.memory_space<vmem>>, vector<16xf32>,
    %broadcast_in_dim3A_99 = arith.constant 1.000000e+00 : f32
    %broadcast_in_dim3A_100 = vector.broadcast %broadcast_in_dim3A_99 : f32 to vector<16xf32>
    %swap3A_101 = arith.constant 400 : index
    %swap3A_102 = tpu.vector_load %arg7[%swap3A_101] {strides = array<i32>} : memref<1024xf32, #tpu.memory_space<vmem>>, vector<16xf32>,
    tpu.vector_store %arg7[%swap3A_101], %broadcast_in_dim3A_100 {strides = array<i32>} : memref<1024xf32, #tpu.memory_space<vmem>>, vector<16xf32>,
    %broadcast_in_dim3A_103 = arith.constant 1.000000e+00 : f32
    %broadcast_in_dim3A_104 = vector.broadcast %broadcast_in_dim3A_103 : f32 to vector<16xf32>
    %swap3A_105 = arith.constant 416 : index
    %swap3A_106 = tpu.vector_load %arg7[%swap3A_105] {strides = array<i32>} : memref<1024xf32, #tpu.memory_space<vmem>>, vector<16xf32>,
    tpu.vector_store %arg7[%swap3A_105], %broadcast_in_dim3A_104 {strides = array<i32>} : memref<1024xf32, #tpu.memory_space<vmem>>, vector<16xf32>,
    %broadcast_in_dim3A_107 = arith.constant 1.000000e+00 : f32
    %broadcast_in_dim3A_108 = vector.broadcast %broadcast_in_dim3A_107 : f32 to vector<16xf32>
    %swap3A_109 = arith.constant 432 : index
    %swap3A_110 = tpu.vector_load %arg7[%swap3A_109] {strides = array<i32>} : memref<1024xf32, #tpu.memory_space<vmem>>, vector<16xf32>,
    tpu.vector_store %arg7[%swap3A_109], %broadcast_in_dim3A_108 {strides = array<i32>} : memref<1024xf32, #tpu.memory_space<vmem>>, vector<16xf32>,
    %broadcast_in_dim3A_111 = arith.constant 1.000000e+00 : f32
    %broadcast_in_dim3A_112 = vector.broadcast %broadcast_in_dim3A_111 : f32 to vector<16xf32>
    %swap3A_113 = arith.constant 448 : index
    %swap3A_114 = tpu.vector_load %arg7[%swap3A_113] {strides = array<i32>} : memref<1024xf32, #tpu.memory_space<vmem>>, vector<16xf32>,
    tpu.vector_store %arg7[%swap3A_113], %broadcast_in_dim3A_112 {strides = array<i32>} : memref<1024xf32, #tpu.memory_space<vmem>>, vector<16xf32>,
    %broadcast_in_dim3A_115 = arith.constant 1.000000e+00 : f32
    %broadcast_in_dim3A_116 = vector.broadcast %broadcast_in_dim3A_115 : f32 to vector<16xf32>
    %swap3A_117 = arith.constant 464 : index
    %swap3A_118 = tpu.vector_load %arg7[%swap3A_117] {strides = array<i32>} : memref<1024xf32, #tpu.memory_space<vmem>>, vector<16xf32>,
    tpu.vector_store %arg7[%swap3A_117], %broadcast_in_dim3A_116 {strides = array<i32>} : memref<1024xf32, #tpu.memory_space<vmem>>, vector<16xf32>,
    %broadcast_in_dim3A_119 = arith.constant 1.000000e+00 : f32
    %broadcast_in_dim3A_120 = vector.broadcast %broadcast_in_dim3A_119 : f32 to vector<16xf32>
    %swap3A_121 = arith.constant 480 : index
    %swap3A_122 = tpu.vector_load %arg7[%swap3A_121] {strides = array<i32>} : memref<1024xf32, #tpu.memory_space<vmem>>, vector<16xf32>,
    tpu.vector_store %arg7[%swap3A_121], %broadcast_in_dim3A_120 {strides = array<i32>} : memref<1024xf32, #tpu.memory_space<vmem>>, vector<16xf32>,
    %broadcast_in_dim3A_123 = arith.constant 1.000000e+00 : f32
    %broadcast_in_dim3A_124 = vector.broadcast %broadcast_in_dim3A_123 : f32 to vector<16xf32>
    %swap3A_125 = arith.constant 496 : index
    %swap3A_126 = tpu.vector_load %arg7[%swap3A_125] {strides = array<i32>} : memref<1024xf32, #tpu.memory_space<vmem>>, vector<16xf32>,
    tpu.vector_store %arg7[%swap3A_125], %broadcast_in_dim3A_124 {strides = array<i32>} : memref<1024xf32, #tpu.memory_space<vmem>>, vector<16xf32>,
    %broadcast_in_dim3A_127 = arith.constant 1.000000e+00 : f32
    %broadcast_in_dim3A_128 = vector.broadcast %broadcast_in_dim3A_127 : f32 to vector<16xf32>
    %swap3A_129 = arith.constant 512 : index
    %swap3A_130 = tpu.vector_load %arg7[%swap3A_129] {strides = array<i32>} : memref<1024xf32, #tpu.memory_space<vmem>>, vector<16xf32>,
    tpu.vector_store %arg7[%swap3A_129], %broadcast_in_dim3A_128 {strides = array<i32>} : memref<1024xf32, #tpu.memory_space<vmem>>, vector<16xf32>,
    %broadcast_in_dim3A_131 = arith.constant 1.000000e+00 : f32
    %broadcast_in_dim3A_132 = vector.broadcast %broadcast_in_dim3A_131 : f32 to vector<16xf32>
    %swap3A_133 = arith.constant 528 : index
    %swap3A_134 = tpu.vector_load %arg7[%swap3A_133] {strides = array<i32>} : memref<1024xf32, #tpu.memory_space<vmem>>, vector<16xf32>,
    tpu.vector_store %arg7[%swap3A_133], %broadcast_in_dim3A_132 {strides = array<i32>} : memref<1024xf32, #tpu.memory_space<vmem>>, vector<16xf32>,
    %broadcast_in_dim3A_135 = arith.constant 1.000000e+00 : f32
    %broadcast_in_dim3A_136 = vector.broadcast %broadcast_in_dim3A_135 : f32 to vector<16xf32>
    %swap3A_137 = arith.constant 544 : index
    %swap3A_138 = tpu.vector_load %arg7[%swap3A_137] {strides = array<i32>} : memref<1024xf32, #tpu.memory_space<vmem>>, vector<16xf32>,
    tpu.vector_store %arg7[%swap3A_137], %broadcast_in_dim3A_136 {strides = array<i32>} : memref<1024xf32, #tpu.memory_space<vmem>>, vector<16xf32>,
    %broadcast_in_dim3A_139 = arith.constant 1.000000e+00 : f32
    %broadcast_in_dim3A_140 = vector.broadcast %broadcast_in_dim3A_139 : f32 to vector<16xf32>
    %swap3A_141 = arith.constant 560 : index
    %swap3A_142 = tpu.vector_load %arg7[%swap3A_141] {strides = array<i32>} : memref<1024xf32, #tpu.memory_space<vmem>>, vector<16xf32>,
    tpu.vector_store %arg7[%swap3A_141], %broadcast_in_dim3A_140 {strides = array<i32>} : memref<1024xf32, #tpu.memory_space<vmem>>, vector<16xf32>,
    %broadcast_in_dim3A_143 = arith.constant 1.000000e+00 : f32
    %broadcast_in_dim3A_144 = vector.broadcast %broadcast_in_dim3A_143 : f32 to vector<16xf32>
    %swap3A_145 = arith.constant 576 : index
    %swap3A_146 = tpu.vector_load %arg7[%swap3A_145] {strides = array<i32>} : memref<1024xf32, #tpu.memory_space<vmem>>, vector<16xf32>,
    tpu.vector_store %arg7[%swap3A_145], %broadcast_in_dim3A_144 {strides = array<i32>} : memref<1024xf32, #tpu.memory_space<vmem>>, vector<16xf32>,
    %broadcast_in_dim3A_147 = arith.constant 1.000000e+00 : f32
    %broadcast_in_dim3A_148 = vector.broadcast %broadcast_in_dim3A_147 : f32 to vector<16xf32>
    %swap3A_149 = arith.constant 592 : index
    %swap3A_150 = tpu.vector_load %arg7[%swap3A_149] {strides = array<i32>} : memref<1024xf32, #tpu.memory_space<vmem>>, vector<16xf32>,
    tpu.vector_store %arg7[%swap3A_149], %broadcast_in_dim3A_148 {strides = array<i32>} : memref<1024xf32, #tpu.memory_space<vmem>>, vector<16xf32>,
    %broadcast_in_dim3A_151 = arith.constant 1.000000e+00 : f32
    %broadcast_in_dim3A_152 = vector.broadcast %broadcast_in_dim3A_151 : f32 to vector<16xf32>
    %swap3A_153 = arith.constant 608 : index
    %swap3A_154 = tpu.vector_load %arg7[%swap3A_153] {strides = array<i32>} : memref<1024xf32, #tpu.memory_space<vmem>>, vector<16xf32>,
    tpu.vector_store %arg7[%swap3A_153], %broadcast_in_dim3A_152 {strides = array<i32>} : memref<1024xf32, #tpu.memory_space<vmem>>, vector<16xf32>,
    %broadcast_in_dim3A_155 = arith.constant 1.000000e+00 : f32
    %broadcast_in_dim3A_156 = vector.broadcast %broadcast_in_dim3A_155 : f32 to vector<16xf32>
    %swap3A_157 = arith.constant 624 : index
    %swap3A_158 = tpu.vector_load %arg7[%swap3A_157] {strides = array<i32>} : memref<1024xf32, #tpu.memory_space<vmem>>, vector<16xf32>,
    tpu.vector_store %arg7[%swap3A_157], %broadcast_in_dim3A_156 {strides = array<i32>} : memref<1024xf32, #tpu.memory_space<vmem>>, vector<16xf32>,
    %broadcast_in_dim3A_159 = arith.constant 1.000000e+00 : f32
    %broadcast_in_dim3A_160 = vector.broadcast %broadcast_in_dim3A_159 : f32 to vector<16xf32>
    %swap3A_161 = arith.constant 640 : index
    %swap3A_162 = tpu.vector_load %arg7[%swap3A_161] {strides = array<i32>} : memref<1024xf32, #tpu.memory_space<vmem>>, vector<16xf32>,
    tpu.vector_store %arg7[%swap3A_161], %broadcast_in_dim3A_160 {strides = array<i32>} : memref<1024xf32, #tpu.memory_space<vmem>>, vector<16xf32>,
    %broadcast_in_dim3A_163 = arith.constant 1.000000e+00 : f32
    %broadcast_in_dim3A_164 = vector.broadcast %broadcast_in_dim3A_163 : f32 to vector<16xf32>
    %swap3A_165 = arith.constant 656 : index
    %swap3A_166 = tpu.vector_load %arg7[%swap3A_165] {strides = array<i32>} : memref<1024xf32, #tpu.memory_space<vmem>>, vector<16xf32>,
    tpu.vector_store %arg7[%swap3A_165], %broadcast_in_dim3A_164 {strides = array<i32>} : memref<1024xf32, #tpu.memory_space<vmem>>, vector<16xf32>,
    %broadcast_in_dim3A_167 = arith.constant 1.000000e+00 : f32
    %broadcast_in_dim3A_168 = vector.broadcast %broadcast_in_dim3A_167 : f32 to vector<16xf32>
    %swap3A_169 = arith.constant 672 : index
    %swap3A_170 = tpu.vector_load %arg7[%swap3A_169] {strides = array<i32>} : memref<1024xf32, #tpu.memory_space<vmem>>, vector<16xf32>,
    tpu.vector_store %arg7[%swap3A_169], %broadcast_in_dim3A_168 {strides = array<i32>} : memref<1024xf32, #tpu.memory_space<vmem>>, vector<16xf32>,
    %broadcast_in_dim3A_171 = arith.constant 1.000000e+00 : f32
    %broadcast_in_dim3A_172 = vector.broadcast %broadcast_in_dim3A_171 : f32 to vector<16xf32>
    %swap3A_173 = arith.constant 688 : index
    %swap3A_174 = tpu.vector_load %arg7[%swap3A_173] {strides = array<i32>} : memref<1024xf32, #tpu.memory_space<vmem>>, vector<16xf32>,
    tpu.vector_store %arg7[%swap3A_173], %broadcast_in_dim3A_172 {strides = array<i32>} : memref<1024xf32, #tpu.memory_space<vmem>>, vector<16xf32>,
    %broadcast_in_dim3A_175 = arith.constant 1.000000e+00 : f32
    %broadcast_in_dim3A_176 = vector.broadcast %broadcast_in_dim3A_175 : f32 to vector<16xf32>
    %swap3A_177 = arith.constant 704 : index
    %swap3A_178 = tpu.vector_load %arg7[%swap3A_177] {strides = array<i32>} : memref<1024xf32, #tpu.memory_space<vmem>>, vector<16xf32>,
    tpu.vector_store %arg7[%swap3A_177], %broadcast_in_dim3A_176 {strides = array<i32>} : memref<1024xf32, #tpu.memory_space<vmem>>, vector<16xf32>,
    %broadcast_in_dim3A_179 = arith.constant 1.000000e+00 : f32
    %broadcast_in_dim3A_180 = vector.broadcast %broadcast_in_dim3A_179 : f32 to vector<16xf32>
    %swap3A_181 = arith.constant 720 : index
    %swap3A_182 = tpu.vector_load %arg7[%swap3A_181] {strides = array<i32>} : memref<1024xf32, #tpu.memory_space<vmem>>, vector<16xf32>,
    tpu.vector_store %arg7[%swap3A_181], %broadcast_in_dim3A_180 {strides = array<i32>} : memref<1024xf32, #tpu.memory_space<vmem>>, vector<16xf32>,
    %broadcast_in_dim3A_183 = arith.constant 1.000000e+00 : f32
    %broadcast_in_dim3A_184 = vector.broadcast %broadcast_in_dim3A_183 : f32 to vector<16xf32>
    %swap3A_185 = arith.constant 736 : index
    %swap3A_186 = tpu.vector_load %arg7[%swap3A_185] {strides = array<i32>} : memref<1024xf32, #tpu.memory_space<vmem>>, vector<16xf32>,
    tpu.vector_store %arg7[%swap3A_185], %broadcast_in_dim3A_184 {strides = array<i32>} : memref<1024xf32, #tpu.memory_space<vmem>>, vector<16xf32>,
    %broadcast_in_dim3A_187 = arith.constant 1.000000e+00 : f32
    %broadcast_in_dim3A_188 = vector.broadcast %broadcast_in_dim3A_187 : f32 to vector<16xf32>
    %swap3A_189 = arith.constant 752 : index
    %swap3A_190 = tpu.vector_load %arg7[%swap3A_189] {strides = array<i32>} : memref<1024xf32, #tpu.memory_space<vmem>>, vector<16xf32>,
    tpu.vector_store %arg7[%swap3A_189], %broadcast_in_dim3A_188 {strides = array<i32>} : memref<1024xf32, #tpu.memory_space<vmem>>, vector<16xf32>,
    %broadcast_in_dim3A_191 = arith.constant 1.000000e+00 : f32
    %broadcast_in_dim3A_192 = vector.broadcast %broadcast_in_dim3A_191 : f32 to vector<16xf32>
    %swap3A_193 = arith.constant 768 : index
    %swap3A_194 = tpu.vector_load %arg7[%swap3A_193] {strides = array<i32>} : memref<1024xf32, #tpu.memory_space<vmem>>, vector<16xf32>,
    tpu.vector_store %arg7[%swap3A_193], %broadcast_in_dim3A_192 {strides = array<i32>} : memref<1024xf32, #tpu.memory_space<vmem>>, vector<16xf32>,
    %broadcast_in_dim3A_195 = arith.constant 1.000000e+00 : f32
    %broadcast_in_dim3A_196 = vector.broadcast %broadcast_in_dim3A_195 : f32 to vector<16xf32>
    %swap3A_197 = arith.constant 784 : index
    %swap3A_198 = tpu.vector_load %arg7[%swap3A_197] {strides = array<i32>} : memref<1024xf32, #tpu.memory_space<vmem>>, vector<16xf32>,
    tpu.vector_store %arg7[%swap3A_197], %broadcast_in_dim3A_196 {strides = array<i32>} : memref<1024xf32, #tpu.memory_space<vmem>>, vector<16xf32>,
    %broadcast_in_dim3A_199 = arith.constant 1.000000e+00 : f32
    %broadcast_in_dim3A_200 = vector.broadcast %broadcast_in_dim3A_199 : f32 to vector<16xf32>
    %swap3A_201 = arith.constant 800 : index
    %swap3A_202 = tpu.vector_load %arg7[%swap3A_201] {strides = array<i32>} : memref<1024xf32, #tpu.memory_space<vmem>>, vector<16xf32>,
    tpu.vector_store %arg7[%swap3A_201], %broadcast_in_dim3A_200 {strides = array<i32>} : memref<1024xf32, #tpu.memory_space<vmem>>, vector<16xf32>,
    %broadcast_in_dim3A_203 = arith.constant 1.000000e+00 : f32
    %broadcast_in_dim3A_204 = vector.broadcast %broadcast_in_dim3A_203 : f32 to vector<16xf32>
    %swap3A_205 = arith.constant 816 : index
    %swap3A_206 = tpu.vector_load %arg7[%swap3A_205] {strides = array<i32>} : memref<1024xf32, #tpu.memory_space<vmem>>, vector<16xf32>,
    tpu.vector_store %arg7[%swap3A_205], %broadcast_in_dim3A_204 {strides = array<i32>} : memref<1024xf32, #tpu.memory_space<vmem>>, vector<16xf32>,
    %broadcast_in_dim3A_207 = arith.constant 1.000000e+00 : f32
    %broadcast_in_dim3A_208 = vector.broadcast %broadcast_in_dim3A_207 : f32 to vector<16xf32>
    %swap3A_209 = arith.constant 832 : index
    %swap3A_210 = tpu.vector_load %arg7[%swap3A_209] {strides = array<i32>} : memref<1024xf32, #tpu.memory_space<vmem>>, vector<16xf32>,
    tpu.vector_store %arg7[%swap3A_209], %broadcast_in_dim3A_208 {strides = array<i32>} : memref<1024xf32, #tpu.memory_space<vmem>>, vector<16xf32>,
    %broadcast_in_dim3A_211 = arith.constant 1.000000e+00 : f32
    %broadcast_in_dim3A_212 = vector.broadcast %broadcast_in_dim3A_211 : f32 to vector<16xf32>
    %swap3A_213 = arith.constant 848 : index
    %swap3A_214 = tpu.vector_load %arg7[%swap3A_213] {strides = array<i32>} : memref<1024xf32, #tpu.memory_space<vmem>>, vector<16xf32>,
    tpu.vector_store %arg7[%swap3A_213], %broadcast_in_dim3A_212 {strides = array<i32>} : memref<1024xf32, #tpu.memory_space<vmem>>, vector<16xf32>,
    %broadcast_in_dim3A_215 = arith.constant 1.000000e+00 : f32
    %broadcast_in_dim3A_216 = vector.broadcast %broadcast_in_dim3A_215 : f32 to vector<16xf32>
    %swap3A_217 = arith.constant 864 : index
    %swap3A_218 = tpu.vector_load %arg7[%swap3A_217] {strides = array<i32>} : memref<1024xf32, #tpu.memory_space<vmem>>, vector<16xf32>,
    tpu.vector_store %arg7[%swap3A_217], %broadcast_in_dim3A_216 {strides = array<i32>} : memref<1024xf32, #tpu.memory_space<vmem>>, vector<16xf32>,
    %broadcast_in_dim3A_219 = arith.constant 1.000000e+00 : f32
    %broadcast_in_dim3A_220 = vector.broadcast %broadcast_in_dim3A_219 : f32 to vector<16xf32>
    %swap3A_221 = arith.constant 880 : index
    %swap3A_222 = tpu.vector_load %arg7[%swap3A_221] {strides = array<i32>} : memref<1024xf32, #tpu.memory_space<vmem>>, vector<16xf32>,
    tpu.vector_store %arg7[%swap3A_221], %broadcast_in_dim3A_220 {strides = array<i32>} : memref<1024xf32, #tpu.memory_space<vmem>>, vector<16xf32>,
    %broadcast_in_dim3A_223 = arith.constant 1.000000e+00 : f32
    %broadcast_in_dim3A_224 = vector.broadcast %broadcast_in_dim3A_223 : f32 to vector<16xf32>
    %swap3A_225 = arith.constant 896 : index
    %swap3A_226 = tpu.vector_load %arg7[%swap3A_225] {strides = array<i32>} : memref<1024xf32, #tpu.memory_space<vmem>>, vector<16xf32>,
    tpu.vector_store %arg7[%swap3A_225], %broadcast_in_dim3A_224 {strides = array<i32>} : memref<1024xf32, #tpu.memory_space<vmem>>, vector<16xf32>,
    %broadcast_in_dim3A_227 = arith.constant 1.000000e+00 : f32
    %broadcast_in_dim3A_228 = vector.broadcast %broadcast_in_dim3A_227 : f32 to vector<16xf32>
    %swap3A_229 = arith.constant 912 : index
    %swap3A_230 = tpu.vector_load %arg7[%swap3A_229] {strides = array<i32>} : memref<1024xf32, #tpu.memory_space<vmem>>, vector<16xf32>,
    tpu.vector_store %arg7[%swap3A_229], %broadcast_in_dim3A_228 {strides = array<i32>} : memref<1024xf32, #tpu.memory_space<vmem>>, vector<16xf32>,
    %broadcast_in_dim3A_231 = arith.constant 1.000000e+00 : f32
    %broadcast_in_dim3A_232 = vector.broadcast %broadcast_in_dim3A_231 : f32 to vector<16xf32>
    %swap3A_233 = arith.constant 928 : index
    %swap3A_234 = tpu.vector_load %arg7[%swap3A_233] {strides = array<i32>} : memref<1024xf32, #tpu.memory_space<vmem>>, vector<16xf32>,
    tpu.vector_store %arg7[%swap3A_233], %broadcast_in_dim3A_232 {strides = array<i32>} : memref<1024xf32, #tpu.memory_space<vmem>>, vector<16xf32>,
    %broadcast_in_dim3A_235 = arith.constant 1.000000e+00 : f32
    %broadcast_in_dim3A_236 = vector.broadcast %broadcast_in_dim3A_235 : f32 to vector<16xf32>
    %swap3A_237 = arith.constant 944 : index
    %swap3A_238 = tpu.vector_load %arg7[%swap3A_237] {strides = array<i32>} : memref<1024xf32, #tpu.memory_space<vmem>>, vector<16xf32>,
    tpu.vector_store %arg7[%swap3A_237], %broadcast_in_dim3A_236 {strides = array<i32>} : memref<1024xf32, #tpu.memory_space<vmem>>, vector<16xf32>,
    %broadcast_in_dim3A_239 = arith.constant 1.000000e+00 : f32
    %broadcast_in_dim3A_240 = vector.broadcast %broadcast_in_dim3A_239 : f32 to vector<16xf32>
    %swap3A_241 = arith.constant 960 : index
    %swap3A_242 = tpu.vector_load %arg7[%swap3A_241] {strides = array<i32>} : memref<1024xf32, #tpu.memory_space<vmem>>, vector<16xf32>,
    tpu.vector_store %arg7[%swap3A_241], %broadcast_in_dim3A_240 {strides = array<i32>} : memref<1024xf32, #tpu.memory_space<vmem>>, vector<16xf32>,
    %broadcast_in_dim3A_243 = arith.constant 1.000000e+00 : f32
    %broadcast_in_dim3A_244 = vector.broadcast %broadcast_in_dim3A_243 : f32 to vector<16xf32>
    %swap3A_245 = arith.constant 976 : index
    %swap3A_246 = tpu.vector_load %arg7[%swap3A_245] {strides = array<i32>} : memref<1024xf32, #tpu.memory_space<vmem>>, vector<16xf32>,
    tpu.vector_store %arg7[%swap3A_245], %broadcast_in_dim3A_244 {strides = array<i32>} : memref<1024xf32, #tpu.memory_space<vmem>>, vector<16xf32>,
    %broadcast_in_dim3A_247 = arith.constant 1.000000e+00 : f32
    %broadcast_in_dim3A_248 = vector.broadcast %broadcast_in_dim3A_247 : f32 to vector<16xf32>
    %swap3A_249 = arith.constant 992 : index
    %swap3A_250 = tpu.vector_load %arg7[%swap3A_249] {strides = array<i32>} : memref<1024xf32, #tpu.memory_space<vmem>>, vector<16xf32>,
    tpu.vector_store %arg7[%swap3A_249], %broadcast_in_dim3A_248 {strides = array<i32>} : memref<1024xf32, #tpu.memory_space<vmem>>, vector<16xf32>,
    %broadcast_in_dim3A_251 = arith.constant 1.000000e+00 : f32
    %broadcast_in_dim3A_252 = vector.broadcast %broadcast_in_dim3A_251 : f32 to vector<16xf32>
    %swap3A_253 = arith.constant 1008 : index
    %swap3A_254 = tpu.vector_load %arg7[%swap3A_253] {strides = array<i32>} : memref<1024xf32, #tpu.memory_space<vmem>>, vector<16xf32>,
    tpu.vector_store %arg7[%swap3A_253], %broadcast_in_dim3A_252 {strides = array<i32>} : memref<1024xf32, #tpu.memory_space<vmem>>, vector<16xf32>,
    %mul3A_255 = arith.constant 3200 : i32
    %mul3A_256 = arith.muli %arg1, %mul3A_255 : i32
    "tpu.region"() ({
      %run_scoped3A = tpu.sem_alloc : memref<!tpu.dma_semaphore, #tpu.memory_space<semaphore_mem>>
      %dma_start3A_272 = tpu.memref_slice %arg8[%mul3A_256] : memref<51200xf32, #tpu.memory_space<vmem_shared>> -> memref<3200xf32, #tpu.memory_space<vmem_shared>>
      %dma_start3A_273 = arith.constant 0 : i32
      %dma_start3A_274 = tpu.memref_slice %arg3[%dma_start3A_273] : memref<51200xf32, #tpu.memory_space<hbm>> -> memref<3200xf32, #tpu.memory_space<hbm>>
      tpu.enqueue_dma source(%dma_start3A_274 : memref<3200xf32, #tpu.memory_space<hbm>>) target(%dma_start3A_272 : memref<3200xf32, #tpu.memory_space<vmem_shared>>) target_semaphore(%run_scoped3A : memref<!tpu.dma_semaphore, #tpu.memory_space<semaphore_mem>>)
      %dma_wait3A_275 = tpu.memref_slice %arg8[%mul3A_256] : memref<51200xf32, #tpu.memory_space<vmem_shared>> -> memref<3200xf32, #tpu.memory_space<vmem_shared>>
      %dma_wait3A_276 = arith.constant 0 : i32
      %dma_wait3A_277 = tpu.memref_slice %arg3[%dma_wait3A_276] : memref<51200xf32, #tpu.memory_space<hbm>> -> memref<3200xf32, #tpu.memory_space<hbm>>
      tpu.wait_dma2 semaphore(%run_scoped3A : memref<!tpu.dma_semaphore, #tpu.memory_space<semaphore_mem>>) src(%dma_wait3A_277 : memref<3200xf32, #tpu.memory_space<hbm>>) dst(%dma_wait3A_275 : memref<3200xf32, #tpu.memory_space<vmem_shared>>)
      tpu.yield
    }) : () -> ()
    %barrier3A = arith.constant 0 : index
    tpu.barrier barrier_id(%barrier3A)
    %mul3A_257 = arith.constant 52224 : i32
    %mul3A_258 = arith.muli %add3A, %mul3A_257 : i32
    %add3A_259 = arith.constant 0 : i32
    %add3A_260 = arith.addi %mul3A_258, %add3A_259 : i32
    %multiple_of3A = tpu.assume_multiple %add3A_260, 1024 : i32
    %dma_start3A = tpu.memref_slice %arg2[%multiple_of3A] : memref<1671168xi32, #tpu.memory_space<hbm>> -> memref<1024xi32, #tpu.memory_space<hbm>>
    %dma_start3A_261 = tpu.memref_slice %arg2[%multiple_of3A] : memref<1671168xi32, #tpu.memory_space<hbm>> -> memref<1024xi32, #tpu.memory_space<hbm>>
    tpu.enqueue_dma source(%dma_start3A_261 : memref<1024xi32, #tpu.memory_space<hbm>>) target(%arg5 : memref<1024xi32, #tpu.memory_space<vmem>>) target_semaphore(%arg9 : memref<!tpu.dma_semaphore, #tpu.memory_space<semaphore_mem>>)
    %dma_wait3A = tpu.memref_slice %arg2[%multiple_of3A] : memref<1671168xi32, #tpu.memory_space<hbm>> -> memref<1024xi32, #tpu.memory_space<hbm>>
    %dma_wait3A_262 = tpu.memref_slice %arg2[%multiple_of3A] : memref<1671168xi32, #tpu.memory_space<hbm>> -> memref<1024xi32, #tpu.memory_space<hbm>>
    tpu.wait_dma2 semaphore(%arg9 : memref<!tpu.dma_semaphore, #tpu.memory_space<semaphore_mem>>) src(%dma_wait3A_262 : memref<1024xi32, #tpu.memory_space<hbm>>) dst(%arg5 : memref<1024xi32, #tpu.memory_space<vmem>>)
    %scan3A = arith.constant 0 : i32
    %scan3A_263 = arith.constant 25 : i32
    %scan3A_264 = arith.addi %scan3A, %scan3A_263 : i32
    %scan3A_265 = arith.constant 1 : i32
    scf.for %scan3A_272 = %scan3A to %scan3A_264 step %scan3A_265  : i32 {
      %dma_start3A_273 = arith.constant 0 : i32
      %dma_start3A_274 = tpu.memref_slice %arg8[%dma_start3A_273] : memref<51200xf32, #tpu.memory_space<vmem_shared>> -> memref<51200xf32, #tpu.memory_space<vmem_shared>>
      tpu.enqueue_indirect_dma source(%arg7 : memref<1024xf32, #tpu.memory_space<vmem>>) target(%dma_start3A_274 : memref<51200xf32, #tpu.memory_space<vmem_shared>>) offsets(%arg5 : memref<1024xi32, #tpu.memory_space<vmem>>) semaphore(%arg9 : memref<!tpu.dma_semaphore, #tpu.memory_space<semaphore_mem>>) {add = true}
      %mul3A_275 = arith.constant 2 : i32
      %mul3A_276 = arith.muli %mul3A_275, %scan3A_272 : i32
      %add3A_277 = arith.constant 1 : i32
      %add3A_278 = arith.addi %mul3A_276, %add3A_277 : i32
      %mul3A_279 = arith.constant 52224 : i32
      %mul3A_280 = arith.muli %add3A, %mul3A_279 : i32
      %mul3A_281 = arith.constant 1024 : i32
      %mul3A_282 = arith.muli %add3A_278, %mul3A_281 : i32
      %add3A_283 = arith.addi %mul3A_280, %mul3A_282 : i32
      %multiple_of3A_284 = tpu.assume_multiple %add3A_283, 1024 : i32
      %dma_start3A_285 = tpu.memref_slice %arg2[%multiple_of3A_284] : memref<1671168xi32, #tpu.memory_space<hbm>> -> memref<1024xi32, #tpu.memory_space<hbm>>
      %dma_start3A_286 = tpu.memref_slice %arg2[%multiple_of3A_284] : memref<1671168xi32, #tpu.memory_space<hbm>> -> memref<1024xi32, #tpu.memory_space<hbm>>
      tpu.enqueue_dma source(%dma_start3A_286 : memref<1024xi32, #tpu.memory_space<hbm>>) target(%arg6 : memref<1024xi32, #tpu.memory_space<vmem>>) target_semaphore(%arg10 : memref<!tpu.dma_semaphore, #tpu.memory_space<semaphore_mem>>)
      %dma_wait3A_287 = tpu.memref_slice %arg2[%multiple_of3A_284] : memref<1671168xi32, #tpu.memory_space<hbm>> -> memref<1024xi32, #tpu.memory_space<hbm>>
      %dma_wait3A_288 = tpu.memref_slice %arg2[%multiple_of3A_284] : memref<1671168xi32, #tpu.memory_space<hbm>> -> memref<1024xi32, #tpu.memory_space<hbm>>
      tpu.wait_dma2 semaphore(%arg10 : memref<!tpu.dma_semaphore, #tpu.memory_space<semaphore_mem>>) src(%dma_wait3A_288 : memref<1024xi32, #tpu.memory_space<hbm>>) dst(%arg6 : memref<1024xi32, #tpu.memory_space<vmem>>)
      %dma_start3A_289 = arith.constant 0 : i32
      %dma_start3A_290 = tpu.memref_slice %arg8[%dma_start3A_289] : memref<51200xf32, #tpu.memory_space<vmem_shared>> -> memref<51200xf32, #tpu.memory_space<vmem_shared>>
      tpu.enqueue_indirect_dma source(%arg7 : memref<1024xf32, #tpu.memory_space<vmem>>) target(%dma_start3A_290 : memref<51200xf32, #tpu.memory_space<vmem_shared>>) offsets(%arg6 : memref<1024xi32, #tpu.memory_space<vmem>>) semaphore(%arg10 : memref<!tpu.dma_semaphore, #tpu.memory_space<semaphore_mem>>) {add = true}
      %dma_wait3A_291 = arith.constant 0 : i32
      %dma_wait3A_292 = tpu.memref_slice %arg8[%dma_wait3A_291] : memref<51200xf32, #tpu.memory_space<vmem_shared>> -> memref<51200xf32, #tpu.memory_space<vmem_shared>>
      tpu.wait_indirect_dma semaphore(%arg9 : memref<!tpu.dma_semaphore, #tpu.memory_space<semaphore_mem>>) src(%arg7 : memref<1024xf32, #tpu.memory_space<vmem>>) dst(%dma_wait3A_292 : memref<51200xf32, #tpu.memory_space<vmem_shared>>)
      %mul3A_293 = arith.constant 2 : i32
      %mul3A_294 = arith.muli %mul3A_293, %scan3A_272 : i32
      %add3A_295 = arith.constant 2 : i32
      %add3A_296 = arith.addi %mul3A_294, %add3A_295 : i32
      %mul3A_297 = arith.constant 52224 : i32
      %mul3A_298 = arith.muli %add3A, %mul3A_297 : i32
      %mul3A_299 = arith.constant 1024 : i32
      %mul3A_300 = arith.muli %add3A_296, %mul3A_299 : i32
      %add3A_301 = arith.addi %mul3A_298, %mul3A_300 : i32
      %multiple_of3A_302 = tpu.assume_multiple %add3A_301, 1024 : i32
      %dma_start3A_303 = tpu.memref_slice %arg2[%multiple_of3A_302] : memref<1671168xi32, #tpu.memory_space<hbm>> -> memref<1024xi32, #tpu.memory_space<hbm>>
      %dma_start3A_304 = tpu.memref_slice %arg2[%multiple_of3A_302] : memref<1671168xi32, #tpu.memory_space<hbm>> -> memref<1024xi32, #tpu.memory_space<hbm>>
      tpu.enqueue_dma source(%dma_start3A_304 : memref<1024xi32, #tpu.memory_space<hbm>>) target(%arg5 : memref<1024xi32, #tpu.memory_space<vmem>>) target_semaphore(%arg9 : memref<!tpu.dma_semaphore, #tpu.memory_space<semaphore_mem>>)
      %dma_wait3A_305 = tpu.memref_slice %arg2[%multiple_of3A_302] : memref<1671168xi32, #tpu.memory_space<hbm>> -> memref<1024xi32, #tpu.memory_space<hbm>>
      %dma_wait3A_306 = tpu.memref_slice %arg2[%multiple_of3A_302] : memref<1671168xi32, #tpu.memory_space<hbm>> -> memref<1024xi32, #tpu.memory_space<hbm>>
      tpu.wait_dma2 semaphore(%arg9 : memref<!tpu.dma_semaphore, #tpu.memory_space<semaphore_mem>>) src(%dma_wait3A_306 : memref<1024xi32, #tpu.memory_space<hbm>>) dst(%arg5 : memref<1024xi32, #tpu.memory_space<vmem>>)
      %dma_wait3A_307 = arith.constant 0 : i32
      %dma_wait3A_308 = tpu.memref_slice %arg8[%dma_wait3A_307] : memref<51200xf32, #tpu.memory_space<vmem_shared>> -> memref<51200xf32, #tpu.memory_space<vmem_shared>>
      tpu.wait_indirect_dma semaphore(%arg10 : memref<!tpu.dma_semaphore, #tpu.memory_space<semaphore_mem>>) src(%arg7 : memref<1024xf32, #tpu.memory_space<vmem>>) dst(%dma_wait3A_308 : memref<51200xf32, #tpu.memory_space<vmem_shared>>)
    }
    %scan3A_266 = arith.constant 25 : i32
    "tpu.region"() ({
      %run_scoped3A = tpu.sem_alloc : memref<!tpu.dma_semaphore, #tpu.memory_space<semaphore_mem>>
      %dma_start3A_272 = arith.constant 0 : i32
      %dma_start3A_273 = tpu.memref_slice %arg8[%dma_start3A_272] : memref<51200xf32, #tpu.memory_space<vmem_shared>> -> memref<51200xf32, #tpu.memory_space<vmem_shared>>
      tpu.enqueue_indirect_dma source(%arg7 : memref<1024xf32, #tpu.memory_space<vmem>>) target(%dma_start3A_273 : memref<51200xf32, #tpu.memory_space<vmem_shared>>) offsets(%arg5 : memref<1024xi32, #tpu.memory_space<vmem>>) semaphore(%run_scoped3A : memref<!tpu.dma_semaphore, #tpu.memory_space<semaphore_mem>>) {add = true}
      %dma_wait3A_274 = arith.constant 0 : i32
      %dma_wait3A_275 = tpu.memref_slice %arg8[%dma_wait3A_274] : memref<51200xf32, #tpu.memory_space<vmem_shared>> -> memref<51200xf32, #tpu.memory_space<vmem_shared>>
      tpu.wait_indirect_dma semaphore(%run_scoped3A : memref<!tpu.dma_semaphore, #tpu.memory_space<semaphore_mem>>) src(%arg7 : memref<1024xf32, #tpu.memory_space<vmem>>) dst(%dma_wait3A_275 : memref<51200xf32, #tpu.memory_space<vmem_shared>>)
      tpu.yield
    }) : () -> ()
    %barrier3A_267 = arith.constant 0 : index
    tpu.barrier barrier_id(%barrier3A_267)
    %mul3A_268 = arith.constant 3200 : i32
    %mul3A_269 = arith.muli %arg1, %mul3A_268 : i32
    %mul3A_270 = arith.constant 3200 : i32
    %mul3A_271 = arith.muli %arg1, %mul3A_270 : i32
    "tpu.region"() ({
      %run_scoped3A = tpu.sem_alloc : memref<!tpu.dma_semaphore, #tpu.memory_space<semaphore_mem>>
      %dma_start3A_272 = tpu.memref_slice %arg4[%arg0, %mul3A_271] : memref<2x51200xf32, #tpu.memory_space<hbm>> -> memref<1x3200xf32, #tpu.memory_space<hbm>>
      %dma_start3A_273 = tpu.memref_squeeze %dma_start3A_272 : memref<1x3200xf32, #tpu.memory_space<hbm>> -> memref<3200xf32, #tpu.memory_space<hbm>>
      %dma_start3A_274 = tpu.memref_slice %arg8[%mul3A_269] : memref<51200xf32, #tpu.memory_space<vmem_shared>> -> memref<3200xf32, #tpu.memory_space<vmem_shared>>
      tpu.enqueue_dma source(%dma_start3A_274 : memref<3200xf32, #tpu.memory_space<vmem_shared>>) target(%dma_start3A_273 : memref<3200xf32, #tpu.memory_space<hbm>>) target_semaphore(%run_scoped3A : memref<!tpu.dma_semaphore, #tpu.memory_space<semaphore_mem>>)
      %dma_wait3A_275 = tpu.memref_slice %arg4[%arg0, %mul3A_271] : memref<2x51200xf32, #tpu.memory_space<hbm>> -> memref<1x3200xf32, #tpu.memory_space<hbm>>
      %dma_wait3A_276 = tpu.memref_squeeze %dma_wait3A_275 : memref<1x3200xf32, #tpu.memory_space<hbm>> -> memref<3200xf32, #tpu.memory_space<hbm>>
      %dma_wait3A_277 = tpu.memref_slice %arg8[%mul3A_269] : memref<51200xf32, #tpu.memory_space<vmem_shared>> -> memref<3200xf32, #tpu.memory_space<vmem_shared>>
      tpu.wait_dma2 semaphore(%run_scoped3A : memref<!tpu.dma_semaphore, #tpu.memory_space<semaphore_mem>>) src(%dma_wait3A_277 : memref<3200xf32, #tpu.memory_space<vmem_shared>>) dst(%dma_wait3A_276 : memref<3200xf32, #tpu.memory_space<hbm>>)
      tpu.yield
    }) : () -> ()
    return
  }
}

#map = affine_map<(d0, d1) -> (0)>
#map1 = affine_map<(d0, d1) -> (0, 0)>
#map2 = affine_map<(d0, d1) -> (0, 0, 0)>
module attributes {stable_mosaic.version = 14 : i64} {
  func.func @_k3_body(%arg0: i32, %arg1: i32, %arg2: memref<1671168xi32, #tpu.memory_space<hbm>>, %arg3: memref<1671168xi32, #tpu.memory_space<hbm>>, %arg4: memref<51200x8xf32, #tpu.memory_space<hbm>>, %arg5: memref<51200xi32, #tpu.memory_space<hbm>>, %arg6: memref<800x8xf32, #tpu.memory_space<hbm>>, %arg7: memref<51200xf32, #tpu.memory_space<hbm>>, %arg8: memref<2x51200x8xf32, #tpu.memory_space<hbm>>, %arg9: memref<2x819200xf32, #tpu.memory_space<hbm>>, %arg10: memref<1024xi32, #tpu.memory_space<vmem>>, %arg11: memref<1024xi32, #tpu.memory_space<vmem>>, %arg12: memref<1024xi32, #tpu.memory_space<vmem>>, %arg13: memref<1024xf32, #tpu.memory_space<vmem>>, %arg14: memref<1024xi32, #tpu.memory_space<vmem>>, %arg15: memref<1024x8xf32, #tpu.memory_space<vmem>>, %arg16: memref<51200x8xf32, #tpu.memory_space<vmem_shared>>, %arg17: memref<51200x8xf32, #tpu.memory_space<vmem_shared>>, %arg18: memref<51200xi32, #tpu.memory_space<vmem_shared>>, %arg19: memref<819200xf32, #tpu.memory_space<vmem_shared>>, %arg20: memref<!tpu.dma_semaphore, #tpu.memory_space<semaphore_mem>>, %arg21: memref<!tpu.dma_semaphore, #tpu.memory_space<semaphore_mem>>) attributes {dimension_semantics = [#tpu.dimension_semantics<core_parallel>, #tpu.dimension_semantics<subcore_parallel>], iteration_bounds = array<i64: 2, 16>, scalar_prefetch = 0 : i64, scratch_operands = 12 : i64, tpu.core_type = #tpu.core_type<sc_vector_subcore>, window_params = [{transform_indices = #map}, {transform_indices = #map}, {transform_indices = #map1}, {transform_indices = #map}, {transform_indices = #map1}, {transform_indices = #map}, {transform_indices = #map2}, {transform_indices = #map1}]} {
    %mul3A = arith.constant 16 : i32
    %mul3A_0 = arith.muli %arg0, %mul3A : i32
    %add3A = arith.addi %mul3A_0, %arg1 : i32
    %mul3A_1 = arith.constant 3200 : i32
    %mul3A_2 = arith.muli %arg1, %mul3A_1 : i32
    %mul3A_3 = arith.constant 3200 : i32
    %mul3A_4 = arith.muli %arg1, %mul3A_3 : i32
    "tpu.region"() ({
      %run_scoped3A = tpu.sem_alloc : memref<!tpu.dma_semaphore, #tpu.memory_space<semaphore_mem>>
      %dma_start3A = arith.constant 0 : i32
      %dma_start3A_40 = tpu.memref_slice %arg16[%mul3A_4, %dma_start3A] : memref<51200x8xf32, #tpu.memory_space<vmem_shared>> -> memref<3200x8xf32, #tpu.memory_space<vmem_shared>>
      %dma_start3A_41 = arith.constant 0 : i32
      %dma_start3A_42 = tpu.memref_slice %arg4[%mul3A_2, %dma_start3A_41] : memref<51200x8xf32, #tpu.memory_space<hbm>> -> memref<3200x8xf32, #tpu.memory_space<hbm>>
      tpu.enqueue_dma source(%dma_start3A_42 : memref<3200x8xf32, #tpu.memory_space<hbm>>) target(%dma_start3A_40 : memref<3200x8xf32, #tpu.memory_space<vmem_shared>>) target_semaphore(%run_scoped3A : memref<!tpu.dma_semaphore, #tpu.memory_space<semaphore_mem>>)
      %dma_wait3A = arith.constant 0 : i32
      %dma_wait3A_43 = tpu.memref_slice %arg16[%mul3A_4, %dma_wait3A] : memref<51200x8xf32, #tpu.memory_space<vmem_shared>> -> memref<3200x8xf32, #tpu.memory_space<vmem_shared>>
      %dma_wait3A_44 = arith.constant 0 : i32
      %dma_wait3A_45 = tpu.memref_slice %arg4[%mul3A_2, %dma_wait3A_44] : memref<51200x8xf32, #tpu.memory_space<hbm>> -> memref<3200x8xf32, #tpu.memory_space<hbm>>
      tpu.wait_dma2 semaphore(%run_scoped3A : memref<!tpu.dma_semaphore, #tpu.memory_space<semaphore_mem>>) src(%dma_wait3A_45 : memref<3200x8xf32, #tpu.memory_space<hbm>>) dst(%dma_wait3A_43 : memref<3200x8xf32, #tpu.memory_space<vmem_shared>>)
      tpu.yield
    }) : () -> ()
    %mul3A_5 = arith.constant 3200 : i32
    %mul3A_6 = arith.muli %arg1, %mul3A_5 : i32
    %mul3A_7 = arith.constant 3200 : i32
    %mul3A_8 = arith.muli %arg1, %mul3A_7 : i32
    "tpu.region"() ({
      %run_scoped3A = tpu.sem_alloc : memref<!tpu.dma_semaphore, #tpu.memory_space<semaphore_mem>>
      %dma_start3A = tpu.memref_slice %arg18[%mul3A_8] : memref<51200xi32, #tpu.memory_space<vmem_shared>> -> memref<3200xi32, #tpu.memory_space<vmem_shared>>
      %dma_start3A_40 = tpu.memref_slice %arg5[%mul3A_6] : memref<51200xi32, #tpu.memory_space<hbm>> -> memref<3200xi32, #tpu.memory_space<hbm>>
      tpu.enqueue_dma source(%dma_start3A_40 : memref<3200xi32, #tpu.memory_space<hbm>>) target(%dma_start3A : memref<3200xi32, #tpu.memory_space<vmem_shared>>) target_semaphore(%run_scoped3A : memref<!tpu.dma_semaphore, #tpu.memory_space<semaphore_mem>>)
      %dma_wait3A = tpu.memref_slice %arg18[%mul3A_8] : memref<51200xi32, #tpu.memory_space<vmem_shared>> -> memref<3200xi32, #tpu.memory_space<vmem_shared>>
      %dma_wait3A_41 = tpu.memref_slice %arg5[%mul3A_6] : memref<51200xi32, #tpu.memory_space<hbm>> -> memref<3200xi32, #tpu.memory_space<hbm>>
      tpu.wait_dma2 semaphore(%run_scoped3A : memref<!tpu.dma_semaphore, #tpu.memory_space<semaphore_mem>>) src(%dma_wait3A_41 : memref<3200xi32, #tpu.memory_space<hbm>>) dst(%dma_wait3A : memref<3200xi32, #tpu.memory_space<vmem_shared>>)
      tpu.yield
    }) : () -> ()
    %mul3A_9 = arith.constant 3200 : i32
    %mul3A_10 = arith.muli %arg1, %mul3A_9 : i32
    %add3A_11 = arith.constant 0 : i32
    %add3A_12 = arith.addi %mul3A_10, %add3A_11 : i32
    "tpu.region"() ({
      %run_scoped3A = tpu.sem_alloc : memref<!tpu.dma_semaphore, #tpu.memory_space<semaphore_mem>>
      %dma_start3A = arith.constant 0 : i32
      %dma_start3A_40 = tpu.memref_slice %arg17[%add3A_12, %dma_start3A] : memref<51200x8xf32, #tpu.memory_space<vmem_shared>> -> memref<800x8xf32, #tpu.memory_space<vmem_shared>>
      tpu.enqueue_dma source(%arg6 : memref<800x8xf32, #tpu.memory_space<hbm>>) target(%dma_start3A_40 : memref<800x8xf32, #tpu.memory_space<vmem_shared>>) target_semaphore(%run_scoped3A : memref<!tpu.dma_semaphore, #tpu.memory_space<semaphore_mem>>)
      %dma_wait3A = arith.constant 0 : i32
      %dma_wait3A_41 = tpu.memref_slice %arg17[%add3A_12, %dma_wait3A] : memref<51200x8xf32, #tpu.memory_space<vmem_shared>> -> memref<800x8xf32, #tpu.memory_space<vmem_shared>>
      tpu.wait_dma2 semaphore(%run_scoped3A : memref<!tpu.dma_semaphore, #tpu.memory_space<semaphore_mem>>) src(%arg6 : memref<800x8xf32, #tpu.memory_space<hbm>>) dst(%dma_wait3A_41 : memref<800x8xf32, #tpu.memory_space<vmem_shared>>)
      tpu.yield
    }) : () -> ()
    %mul3A_13 = arith.constant 3200 : i32
    %mul3A_14 = arith.muli %arg1, %mul3A_13 : i32
    %add3A_15 = arith.constant 800 : i32
    %add3A_16 = arith.addi %mul3A_14, %add3A_15 : i32
    "tpu.region"() ({
      %run_scoped3A = tpu.sem_alloc : memref<!tpu.dma_semaphore, #tpu.memory_space<semaphore_mem>>
      %dma_start3A = arith.constant 0 : i32
      %dma_start3A_40 = tpu.memref_slice %arg17[%add3A_16, %dma_start3A] : memref<51200x8xf32, #tpu.memory_space<vmem_shared>> -> memref<800x8xf32, #tpu.memory_space<vmem_shared>>
      tpu.enqueue_dma source(%arg6 : memref<800x8xf32, #tpu.memory_space<hbm>>) target(%dma_start3A_40 : memref<800x8xf32, #tpu.memory_space<vmem_shared>>) target_semaphore(%run_scoped3A : memref<!tpu.dma_semaphore, #tpu.memory_space<semaphore_mem>>)
      %dma_wait3A = arith.constant 0 : i32
      %dma_wait3A_41 = tpu.memref_slice %arg17[%add3A_16, %dma_wait3A] : memref<51200x8xf32, #tpu.memory_space<vmem_shared>> -> memref<800x8xf32, #tpu.memory_space<vmem_shared>>
      tpu.wait_dma2 semaphore(%run_scoped3A : memref<!tpu.dma_semaphore, #tpu.memory_space<semaphore_mem>>) src(%arg6 : memref<800x8xf32, #tpu.memory_space<hbm>>) dst(%dma_wait3A_41 : memref<800x8xf32, #tpu.memory_space<vmem_shared>>)
      tpu.yield
    }) : () -> ()
    %mul3A_17 = arith.constant 3200 : i32
    %mul3A_18 = arith.muli %arg1, %mul3A_17 : i32
    %add3A_19 = arith.constant 1600 : i32
    %add3A_20 = arith.addi %mul3A_18, %add3A_19 : i32
    "tpu.region"() ({
      %run_scoped3A = tpu.sem_alloc : memref<!tpu.dma_semaphore, #tpu.memory_space<semaphore_mem>>
      %dma_start3A = arith.constant 0 : i32
      %dma_start3A_40 = tpu.memref_slice %arg17[%add3A_20, %dma_start3A] : memref<51200x8xf32, #tpu.memory_space<vmem_shared>> -> memref<800x8xf32, #tpu.memory_space<vmem_shared>>
      tpu.enqueue_dma source(%arg6 : memref<800x8xf32, #tpu.memory_space<hbm>>) target(%dma_start3A_40 : memref<800x8xf32, #tpu.memory_space<vmem_shared>>) target_semaphore(%run_scoped3A : memref<!tpu.dma_semaphore, #tpu.memory_space<semaphore_mem>>)
      %dma_wait3A = arith.constant 0 : i32
      %dma_wait3A_41 = tpu.memref_slice %arg17[%add3A_20, %dma_wait3A] : memref<51200x8xf32, #tpu.memory_space<vmem_shared>> -> memref<800x8xf32, #tpu.memory_space<vmem_shared>>
      tpu.wait_dma2 semaphore(%run_scoped3A : memref<!tpu.dma_semaphore, #tpu.memory_space<semaphore_mem>>) src(%arg6 : memref<800x8xf32, #tpu.memory_space<hbm>>) dst(%dma_wait3A_41 : memref<800x8xf32, #tpu.memory_space<vmem_shared>>)
      tpu.yield
    }) : () -> ()
    %mul3A_21 = arith.constant 3200 : i32
    %mul3A_22 = arith.muli %arg1, %mul3A_21 : i32
    %add3A_23 = arith.constant 2400 : i32
    %add3A_24 = arith.addi %mul3A_22, %add3A_23 : i32
    "tpu.region"() ({
      %run_scoped3A = tpu.sem_alloc : memref<!tpu.dma_semaphore, #tpu.memory_space<semaphore_mem>>
      %dma_start3A = arith.constant 0 : i32
      %dma_start3A_40 = tpu.memref_slice %arg17[%add3A_24, %dma_start3A] : memref<51200x8xf32, #tpu.memory_space<vmem_shared>> -> memref<800x8xf32, #tpu.memory_space<vmem_shared>>
      tpu.enqueue_dma source(%arg6 : memref<800x8xf32, #tpu.memory_space<hbm>>) target(%dma_start3A_40 : memref<800x8xf32, #tpu.memory_space<vmem_shared>>) target_semaphore(%run_scoped3A : memref<!tpu.dma_semaphore, #tpu.memory_space<semaphore_mem>>)
      %dma_wait3A = arith.constant 0 : i32
      %dma_wait3A_41 = tpu.memref_slice %arg17[%add3A_24, %dma_wait3A] : memref<51200x8xf32, #tpu.memory_space<vmem_shared>> -> memref<800x8xf32, #tpu.memory_space<vmem_shared>>
      tpu.wait_dma2 semaphore(%run_scoped3A : memref<!tpu.dma_semaphore, #tpu.memory_space<semaphore_mem>>) src(%arg6 : memref<800x8xf32, #tpu.memory_space<hbm>>) dst(%dma_wait3A_41 : memref<800x8xf32, #tpu.memory_space<vmem_shared>>)
      tpu.yield
    }) : () -> ()
    %mul3A_25 = arith.constant 51200 : i32
    %mul3A_26 = arith.muli %arg1, %mul3A_25 : i32
    "tpu.region"() ({
      %run_scoped3A = tpu.sem_alloc : memref<!tpu.dma_semaphore, #tpu.memory_space<semaphore_mem>>
      %dma_start3A = tpu.memref_slice %arg19[%mul3A_26] : memref<819200xf32, #tpu.memory_space<vmem_shared>> -> memref<51200xf32, #tpu.memory_space<vmem_shared>>
      tpu.enqueue_dma source(%arg7 : memref<51200xf32, #tpu.memory_space<hbm>>) target(%dma_start3A : memref<51200xf32, #tpu.memory_space<vmem_shared>>) target_semaphore(%run_scoped3A : memref<!tpu.dma_semaphore, #tpu.memory_space<semaphore_mem>>)
      %dma_wait3A = tpu.memref_slice %arg19[%mul3A_26] : memref<819200xf32, #tpu.memory_space<vmem_shared>> -> memref<51200xf32, #tpu.memory_space<vmem_shared>>
      tpu.wait_dma2 semaphore(%run_scoped3A : memref<!tpu.dma_semaphore, #tpu.memory_space<semaphore_mem>>) src(%arg7 : memref<51200xf32, #tpu.memory_space<hbm>>) dst(%dma_wait3A : memref<51200xf32, #tpu.memory_space<vmem_shared>>)
      tpu.yield
    }) : () -> ()
    %barrier3A = arith.constant 0 : index
    tpu.barrier barrier_id(%barrier3A)
    %scan3A = arith.constant 0 : i32
    %scan3A_27 = arith.constant 51 : i32
    %scan3A_28 = arith.addi %scan3A, %scan3A_27 : i32
    %scan3A_29 = arith.constant 1 : i32
    scf.for %scan3A_40 = %scan3A to %scan3A_28 step %scan3A_29  : i32 {
      %mul3A_41 = arith.constant 52224 : i32
      %mul3A_42 = arith.muli %add3A, %mul3A_41 : i32
      %mul3A_43 = arith.constant 1024 : i32
      %mul3A_44 = arith.muli %scan3A_40, %mul3A_43 : i32
      %add3A_45 = arith.addi %mul3A_42, %mul3A_44 : i32
      %multiple_of3A = tpu.assume_multiple %add3A_45, 1024 : i32
      %dma_start3A = tpu.memref_slice %arg2[%multiple_of3A] : memref<1671168xi32, #tpu.memory_space<hbm>> -> memref<1024xi32, #tpu.memory_space<hbm>>
      %dma_start3A_46 = tpu.memref_slice %arg2[%multiple_of3A] : memref<1671168xi32, #tpu.memory_space<hbm>> -> memref<1024xi32, #tpu.memory_space<hbm>>
      tpu.enqueue_dma source(%dma_start3A_46 : memref<1024xi32, #tpu.memory_space<hbm>>) target(%arg10 : memref<1024xi32, #tpu.memory_space<vmem>>) target_semaphore(%arg20 : memref<!tpu.dma_semaphore, #tpu.memory_space<semaphore_mem>>)
      %dma_start3A_47 = tpu.memref_slice %arg3[%multiple_of3A] : memref<1671168xi32, #tpu.memory_space<hbm>> -> memref<1024xi32, #tpu.memory_space<hbm>>
      %dma_start3A_48 = tpu.memref_slice %arg3[%multiple_of3A] : memref<1671168xi32, #tpu.memory_space<hbm>> -> memref<1024xi32, #tpu.memory_space<hbm>>
      tpu.enqueue_dma source(%dma_start3A_48 : memref<1024xi32, #tpu.memory_space<hbm>>) target(%arg11 : memref<1024xi32, #tpu.memory_space<vmem>>) target_semaphore(%arg21 : memref<!tpu.dma_semaphore, #tpu.memory_space<semaphore_mem>>)
      %dma_wait3A = tpu.memref_slice %arg2[%multiple_of3A] : memref<1671168xi32, #tpu.memory_space<hbm>> -> memref<1024xi32, #tpu.memory_space<hbm>>
      %dma_wait3A_49 = tpu.memref_slice %arg2[%multiple_of3A] : memref<1671168xi32, #tpu.memory_space<hbm>> -> memref<1024xi32, #tpu.memory_space<hbm>>
      tpu.wait_dma2 semaphore(%arg20 : memref<!tpu.dma_semaphore, #tpu.memory_space<semaphore_mem>>) src(%dma_wait3A_49 : memref<1024xi32, #tpu.memory_space<hbm>>) dst(%arg10 : memref<1024xi32, #tpu.memory_space<vmem>>)
      %dma_wait3A_50 = tpu.memref_slice %arg3[%multiple_of3A] : memref<1671168xi32, #tpu.memory_space<hbm>> -> memref<1024xi32, #tpu.memory_space<hbm>>
      %dma_wait3A_51 = tpu.memref_slice %arg3[%multiple_of3A] : memref<1671168xi32, #tpu.memory_space<hbm>> -> memref<1024xi32, #tpu.memory_space<hbm>>
      tpu.wait_dma2 semaphore(%arg21 : memref<!tpu.dma_semaphore, #tpu.memory_space<semaphore_mem>>) src(%dma_wait3A_51 : memref<1024xi32, #tpu.memory_space<hbm>>) dst(%arg11 : memref<1024xi32, #tpu.memory_space<vmem>>)
      %dma_start3A_52 = arith.constant 0 : i32
      %dma_start3A_53 = arith.constant 0 : i32
      %dma_start3A_54 = tpu.memref_slice %arg16[%dma_start3A_52, %dma_start3A_53] : memref<51200x8xf32, #tpu.memory_space<vmem_shared>> -> memref<51200x8xf32, #tpu.memory_space<vmem_shared>>
      tpu.enqueue_indirect_dma source(%dma_start3A_54 : memref<51200x8xf32, #tpu.memory_space<vmem_shared>>) target(%arg15 : memref<1024x8xf32, #tpu.memory_space<vmem>>) offsets(%arg10 : memref<1024xi32, #tpu.memory_space<vmem>>) semaphore(%arg20 : memref<!tpu.dma_semaphore, #tpu.memory_space<semaphore_mem>>)
      %dma_start3A_55 = arith.constant 0 : i32
      %dma_start3A_56 = tpu.memref_slice %arg18[%dma_start3A_55] : memref<51200xi32, #tpu.memory_space<vmem_shared>> -> memref<51200xi32, #tpu.memory_space<vmem_shared>>
      tpu.enqueue_indirect_dma source(%dma_start3A_56 : memref<51200xi32, #tpu.memory_space<vmem_shared>>) target(%arg12 : memref<1024xi32, #tpu.memory_space<vmem>>) offsets(%arg11 : memref<1024xi32, #tpu.memory_space<vmem>>) semaphore(%arg21 : memref<!tpu.dma_semaphore, #tpu.memory_space<semaphore_mem>>)
      %dma_wait3A_57 = arith.constant 0 : i32
      %dma_wait3A_58 = tpu.memref_slice %arg18[%dma_wait3A_57] : memref<51200xi32, #tpu.memory_space<vmem_shared>> -> memref<51200xi32, #tpu.memory_space<vmem_shared>>
      tpu.wait_indirect_dma semaphore(%arg21 : memref<!tpu.dma_semaphore, #tpu.memory_space<semaphore_mem>>) src(%dma_wait3A_58 : memref<51200xi32, #tpu.memory_space<vmem_shared>>) dst(%arg12 : memref<1024xi32, #tpu.memory_space<vmem>>)
      %get3A = arith.constant 0 : index
      %get3A_59 = tpu.vector_load %arg12[%get3A] {strides = array<i32>} : memref<1024xi32, #tpu.memory_space<vmem>>, vector<16xi32>,
      %and3A = arith.constant 15 : i32
      %and3A_60 = vector.broadcast %and3A : i32 to vector<16xi32>
      %and3A_61 = arith.andi %get3A_59, %and3A_60 : vector<16xi32>
      %not3A = arith.constant 15 : i32
      %not3A_62 = arith.constant -1 : i32
      %not3A_63 = arith.xori %not3A, %not3A_62 : i32
      %and3A_64 = vector.broadcast %not3A_63 : i32 to vector<16xi32>
      %and3A_65 = arith.andi %get3A_59, %and3A_64 : vector<16xi32>
      %bitcast3A = vector.bitcast %and3A_65 : vector<16xi32> to vector<16xf32>
      %swap3A = arith.constant 0 : index
      %swap3A_66 = tpu.vector_load %arg13[%swap3A] {strides = array<i32>} : memref<1024xf32, #tpu.memory_space<vmem>>, vector<16xf32>,
      tpu.vector_store %arg13[%swap3A], %bitcast3A {strides = array<i32>} : memref<1024xf32, #tpu.memory_space<vmem>>, vector<16xf32>,
      %mul3A_67 = arith.constant 51200 : i32
      %mul3A_68 = vector.broadcast %mul3A_67 : i32 to vector<16xi32>
      %mul3A_69 = arith.muli %and3A_61, %mul3A_68 : vector<16xi32>
      %get3A_70 = arith.constant 0 : index
      %get3A_71 = tpu.vector_load %arg10[%get3A_70] {strides = array<i32>} : memref<1024xi32, #tpu.memory_space<vmem>>, vector<16xi32>,
      %add3A_72 = arith.addi %mul3A_69, %get3A_71 : vector<16xi32>
      %swap3A_73 = arith.constant 0 : index
      %swap3A_74 = tpu.vector_load %arg14[%swap3A_73] {strides = array<i32>} : memref<1024xi32, #tpu.memory_space<vmem>>, vector<16xi32>,
      tpu.vector_store %arg14[%swap3A_73], %add3A_72 {strides = array<i32>} : memref<1024xi32, #tpu.memory_space<vmem>>, vector<16xi32>,
      %get3A_75 = arith.constant 16 : index
      %get3A_76 = tpu.vector_load %arg12[%get3A_75] {strides = array<i32>} : memref<1024xi32, #tpu.memory_space<vmem>>, vector<16xi32>,
      %and3A_77 = arith.constant 15 : i32
      %and3A_78 = vector.broadcast %and3A_77 : i32 to vector<16xi32>
      %and3A_79 = arith.andi %get3A_76, %and3A_78 : vector<16xi32>
      %not3A_80 = arith.constant 15 : i32
      %not3A_81 = arith.constant -1 : i32
      %not3A_82 = arith.xori %not3A_80, %not3A_81 : i32
      %and3A_83 = vector.broadcast %not3A_82 : i32 to vector<16xi32>
      %and3A_84 = arith.andi %get3A_76, %and3A_83 : vector<16xi32>
      %bitcast3A_85 = vector.bitcast %and3A_84 : vector<16xi32> to vector<16xf32>
      %swap3A_86 = arith.constant 16 : index
      %swap3A_87 = tpu.vector_load %arg13[%swap3A_86] {strides = array<i32>} : memref<1024xf32, #tpu.memory_space<vmem>>, vector<16xf32>,
      tpu.vector_store %arg13[%swap3A_86], %bitcast3A_85 {strides = array<i32>} : memref<1024xf32, #tpu.memory_space<vmem>>, vector<16xf32>,
      %mul3A_88 = arith.constant 51200 : i32
      %mul3A_89 = vector.broadcast %mul3A_88 : i32 to vector<16xi32>
      %mul3A_90 = arith.muli %and3A_79, %mul3A_89 : vector<16xi32>
      %get3A_91 = arith.constant 16 : index
      %get3A_92 = tpu.vector_load %arg10[%get3A_91] {strides = array<i32>} : memref<1024xi32, #tpu.memory_space<vmem>>, vector<16xi32>,
      %add3A_93 = arith.addi %mul3A_90, %get3A_92 : vector<16xi32>
      %swap3A_94 = arith.constant 16 : index
      %swap3A_95 = tpu.vector_load %arg14[%swap3A_94] {strides = array<i32>} : memref<1024xi32, #tpu.memory_space<vmem>>, vector<16xi32>,
      tpu.vector_store %arg14[%swap3A_94], %add3A_93 {strides = array<i32>} : memref<1024xi32, #tpu.memory_space<vmem>>, vector<16xi32>,
      %get3A_96 = arith.constant 32 : index
      %get3A_97 = tpu.vector_load %arg12[%get3A_96] {strides = array<i32>} : memref<1024xi32, #tpu.memory_space<vmem>>, vector<16xi32>,
      %and3A_98 = arith.constant 15 : i32
      %and3A_99 = vector.broadcast %and3A_98 : i32 to vector<16xi32>
      %and3A_100 = arith.andi %get3A_97, %and3A_99 : vector<16xi32>
      %not3A_101 = arith.constant 15 : i32
      %not3A_102 = arith.constant -1 : i32
      %not3A_103 = arith.xori %not3A_101, %not3A_102 : i32
      %and3A_104 = vector.broadcast %not3A_103 : i32 to vector<16xi32>
      %and3A_105 = arith.andi %get3A_97, %and3A_104 : vector<16xi32>
      %bitcast3A_106 = vector.bitcast %and3A_105 : vector<16xi32> to vector<16xf32>
      %swap3A_107 = arith.constant 32 : index
      %swap3A_108 = tpu.vector_load %arg13[%swap3A_107] {strides = array<i32>} : memref<1024xf32, #tpu.memory_space<vmem>>, vector<16xf32>,
      tpu.vector_store %arg13[%swap3A_107], %bitcast3A_106 {strides = array<i32>} : memref<1024xf32, #tpu.memory_space<vmem>>, vector<16xf32>,
      %mul3A_109 = arith.constant 51200 : i32
      %mul3A_110 = vector.broadcast %mul3A_109 : i32 to vector<16xi32>
      %mul3A_111 = arith.muli %and3A_100, %mul3A_110 : vector<16xi32>
      %get3A_112 = arith.constant 32 : index
      %get3A_113 = tpu.vector_load %arg10[%get3A_112] {strides = array<i32>} : memref<1024xi32, #tpu.memory_space<vmem>>, vector<16xi32>,
      %add3A_114 = arith.addi %mul3A_111, %get3A_113 : vector<16xi32>
      %swap3A_115 = arith.constant 32 : index
      %swap3A_116 = tpu.vector_load %arg14[%swap3A_115] {strides = array<i32>} : memref<1024xi32, #tpu.memory_space<vmem>>, vector<16xi32>,
      tpu.vector_store %arg14[%swap3A_115], %add3A_114 {strides = array<i32>} : memref<1024xi32, #tpu.memory_space<vmem>>, vector<16xi32>,
      %get3A_117 = arith.constant 48 : index
      %get3A_118 = tpu.vector_load %arg12[%get3A_117] {strides = array<i32>} : memref<1024xi32, #tpu.memory_space<vmem>>, vector<16xi32>,
      %and3A_119 = arith.constant 15 : i32
      %and3A_120 = vector.broadcast %and3A_119 : i32 to vector<16xi32>
      %and3A_121 = arith.andi %get3A_118, %and3A_120 : vector<16xi32>
      %not3A_122 = arith.constant 15 : i32
      %not3A_123 = arith.constant -1 : i32
      %not3A_124 = arith.xori %not3A_122, %not3A_123 : i32
      %and3A_125 = vector.broadcast %not3A_124 : i32 to vector<16xi32>
      %and3A_126 = arith.andi %get3A_118, %and3A_125 : vector<16xi32>
      %bitcast3A_127 = vector.bitcast %and3A_126 : vector<16xi32> to vector<16xf32>
      %swap3A_128 = arith.constant 48 : index
      %swap3A_129 = tpu.vector_load %arg13[%swap3A_128] {strides = array<i32>} : memref<1024xf32, #tpu.memory_space<vmem>>, vector<16xf32>,
      tpu.vector_store %arg13[%swap3A_128], %bitcast3A_127 {strides = array<i32>} : memref<1024xf32, #tpu.memory_space<vmem>>, vector<16xf32>,
      %mul3A_130 = arith.constant 51200 : i32
      %mul3A_131 = vector.broadcast %mul3A_130 : i32 to vector<16xi32>
      %mul3A_132 = arith.muli %and3A_121, %mul3A_131 : vector<16xi32>
      %get3A_133 = arith.constant 48 : index
      %get3A_134 = tpu.vector_load %arg10[%get3A_133] {strides = array<i32>} : memref<1024xi32, #tpu.memory_space<vmem>>, vector<16xi32>,
      %add3A_135 = arith.addi %mul3A_132, %get3A_134 : vector<16xi32>
      %swap3A_136 = arith.constant 48 : index
      %swap3A_137 = tpu.vector_load %arg14[%swap3A_136] {strides = array<i32>} : memref<1024xi32, #tpu.memory_space<vmem>>, vector<16xi32>,
      tpu.vector_store %arg14[%swap3A_136], %add3A_135 {strides = array<i32>} : memref<1024xi32, #tpu.memory_space<vmem>>, vector<16xi32>,
      %get3A_138 = arith.constant 64 : index
      %get3A_139 = tpu.vector_load %arg12[%get3A_138] {strides = array<i32>} : memref<1024xi32, #tpu.memory_space<vmem>>, vector<16xi32>,
      %and3A_140 = arith.constant 15 : i32
      %and3A_141 = vector.broadcast %and3A_140 : i32 to vector<16xi32>
      %and3A_142 = arith.andi %get3A_139, %and3A_141 : vector<16xi32>
      %not3A_143 = arith.constant 15 : i32
      %not3A_144 = arith.constant -1 : i32
      %not3A_145 = arith.xori %not3A_143, %not3A_144 : i32
      %and3A_146 = vector.broadcast %not3A_145 : i32 to vector<16xi32>
      %and3A_147 = arith.andi %get3A_139, %and3A_146 : vector<16xi32>
      %bitcast3A_148 = vector.bitcast %and3A_147 : vector<16xi32> to vector<16xf32>
      %swap3A_149 = arith.constant 64 : index
      %swap3A_150 = tpu.vector_load %arg13[%swap3A_149] {strides = array<i32>} : memref<1024xf32, #tpu.memory_space<vmem>>, vector<16xf32>,
      tpu.vector_store %arg13[%swap3A_149], %bitcast3A_148 {strides = array<i32>} : memref<1024xf32, #tpu.memory_space<vmem>>, vector<16xf32>,
      %mul3A_151 = arith.constant 51200 : i32
      %mul3A_152 = vector.broadcast %mul3A_151 : i32 to vector<16xi32>
      %mul3A_153 = arith.muli %and3A_142, %mul3A_152 : vector<16xi32>
      %get3A_154 = arith.constant 64 : index
      %get3A_155 = tpu.vector_load %arg10[%get3A_154] {strides = array<i32>} : memref<1024xi32, #tpu.memory_space<vmem>>, vector<16xi32>,
      %add3A_156 = arith.addi %mul3A_153, %get3A_155 : vector<16xi32>
      %swap3A_157 = arith.constant 64 : index
      %swap3A_158 = tpu.vector_load %arg14[%swap3A_157] {strides = array<i32>} : memref<1024xi32, #tpu.memory_space<vmem>>, vector<16xi32>,
      tpu.vector_store %arg14[%swap3A_157], %add3A_156 {strides = array<i32>} : memref<1024xi32, #tpu.memory_space<vmem>>, vector<16xi32>,
      %get3A_159 = arith.constant 80 : index
      %get3A_160 = tpu.vector_load %arg12[%get3A_159] {strides = array<i32>} : memref<1024xi32, #tpu.memory_space<vmem>>, vector<16xi32>,
      %and3A_161 = arith.constant 15 : i32
      %and3A_162 = vector.broadcast %and3A_161 : i32 to vector<16xi32>
      %and3A_163 = arith.andi %get3A_160, %and3A_162 : vector<16xi32>
      %not3A_164 = arith.constant 15 : i32
      %not3A_165 = arith.constant -1 : i32
      %not3A_166 = arith.xori %not3A_164, %not3A_165 : i32
      %and3A_167 = vector.broadcast %not3A_166 : i32 to vector<16xi32>
      %and3A_168 = arith.andi %get3A_160, %and3A_167 : vector<16xi32>
      %bitcast3A_169 = vector.bitcast %and3A_168 : vector<16xi32> to vector<16xf32>
      %swap3A_170 = arith.constant 80 : index
      %swap3A_171 = tpu.vector_load %arg13[%swap3A_170] {strides = array<i32>} : memref<1024xf32, #tpu.memory_space<vmem>>, vector<16xf32>,
      tpu.vector_store %arg13[%swap3A_170], %bitcast3A_169 {strides = array<i32>} : memref<1024xf32, #tpu.memory_space<vmem>>, vector<16xf32>,
      %mul3A_172 = arith.constant 51200 : i32
      %mul3A_173 = vector.broadcast %mul3A_172 : i32 to vector<16xi32>
      %mul3A_174 = arith.muli %and3A_163, %mul3A_173 : vector<16xi32>
      %get3A_175 = arith.constant 80 : index
      %get3A_176 = tpu.vector_load %arg10[%get3A_175] {strides = array<i32>} : memref<1024xi32, #tpu.memory_space<vmem>>, vector<16xi32>,
      %add3A_177 = arith.addi %mul3A_174, %get3A_176 : vector<16xi32>
      %swap3A_178 = arith.constant 80 : index
      %swap3A_179 = tpu.vector_load %arg14[%swap3A_178] {strides = array<i32>} : memref<1024xi32, #tpu.memory_space<vmem>>, vector<16xi32>,
      tpu.vector_store %arg14[%swap3A_178], %add3A_177 {strides = array<i32>} : memref<1024xi32, #tpu.memory_space<vmem>>, vector<16xi32>,
      %get3A_180 = arith.constant 96 : index
      %get3A_181 = tpu.vector_load %arg12[%get3A_180] {strides = array<i32>} : memref<1024xi32, #tpu.memory_space<vmem>>, vector<16xi32>,
      %and3A_182 = arith.constant 15 : i32
      %and3A_183 = vector.broadcast %and3A_182 : i32 to vector<16xi32>
      %and3A_184 = arith.andi %get3A_181, %and3A_183 : vector<16xi32>
      %not3A_185 = arith.constant 15 : i32
      %not3A_186 = arith.constant -1 : i32
      %not3A_187 = arith.xori %not3A_185, %not3A_186 : i32
      %and3A_188 = vector.broadcast %not3A_187 : i32 to vector<16xi32>
      %and3A_189 = arith.andi %get3A_181, %and3A_188 : vector<16xi32>
      %bitcast3A_190 = vector.bitcast %and3A_189 : vector<16xi32> to vector<16xf32>
      %swap3A_191 = arith.constant 96 : index
      %swap3A_192 = tpu.vector_load %arg13[%swap3A_191] {strides = array<i32>} : memref<1024xf32, #tpu.memory_space<vmem>>, vector<16xf32>,
      tpu.vector_store %arg13[%swap3A_191], %bitcast3A_190 {strides = array<i32>} : memref<1024xf32, #tpu.memory_space<vmem>>, vector<16xf32>,
      %mul3A_193 = arith.constant 51200 : i32
      %mul3A_194 = vector.broadcast %mul3A_193 : i32 to vector<16xi32>
      %mul3A_195 = arith.muli %and3A_184, %mul3A_194 : vector<16xi32>
      %get3A_196 = arith.constant 96 : index
      %get3A_197 = tpu.vector_load %arg10[%get3A_196] {strides = array<i32>} : memref<1024xi32, #tpu.memory_space<vmem>>, vector<16xi32>,
      %add3A_198 = arith.addi %mul3A_195, %get3A_197 : vector<16xi32>
      %swap3A_199 = arith.constant 96 : index
      %swap3A_200 = tpu.vector_load %arg14[%swap3A_199] {strides = array<i32>} : memref<1024xi32, #tpu.memory_space<vmem>>, vector<16xi32>,
      tpu.vector_store %arg14[%swap3A_199], %add3A_198 {strides = array<i32>} : memref<1024xi32, #tpu.memory_space<vmem>>, vector<16xi32>,
      %get3A_201 = arith.constant 112 : index
      %get3A_202 = tpu.vector_load %arg12[%get3A_201] {strides = array<i32>} : memref<1024xi32, #tpu.memory_space<vmem>>, vector<16xi32>,
      %and3A_203 = arith.constant 15 : i32
      %and3A_204 = vector.broadcast %and3A_203 : i32 to vector<16xi32>
      %and3A_205 = arith.andi %get3A_202, %and3A_204 : vector<16xi32>
      %not3A_206 = arith.constant 15 : i32
      %not3A_207 = arith.constant -1 : i32
      %not3A_208 = arith.xori %not3A_206, %not3A_207 : i32
      %and3A_209 = vector.broadcast %not3A_208 : i32 to vector<16xi32>
      %and3A_210 = arith.andi %get3A_202, %and3A_209 : vector<16xi32>
      %bitcast3A_211 = vector.bitcast %and3A_210 : vector<16xi32> to vector<16xf32>
      %swap3A_212 = arith.constant 112 : index
      %swap3A_213 = tpu.vector_load %arg13[%swap3A_212] {strides = array<i32>} : memref<1024xf32, #tpu.memory_space<vmem>>, vector<16xf32>,
      tpu.vector_store %arg13[%swap3A_212], %bitcast3A_211 {strides = array<i32>} : memref<1024xf32, #tpu.memory_space<vmem>>, vector<16xf32>,
      %mul3A_214 = arith.constant 51200 : i32
      %mul3A_215 = vector.broadcast %mul3A_214 : i32 to vector<16xi32>
      %mul3A_216 = arith.muli %and3A_205, %mul3A_215 : vector<16xi32>
      %get3A_217 = arith.constant 112 : index
      %get3A_218 = tpu.vector_load %arg10[%get3A_217] {strides = array<i32>} : memref<1024xi32, #tpu.memory_space<vmem>>, vector<16xi32>,
      %add3A_219 = arith.addi %mul3A_216, %get3A_218 : vector<16xi32>
      %swap3A_220 = arith.constant 112 : index
      %swap3A_221 = tpu.vector_load %arg14[%swap3A_220] {strides = array<i32>} : memref<1024xi32, #tpu.memory_space<vmem>>, vector<16xi32>,
      tpu.vector_store %arg14[%swap3A_220], %add3A_219 {strides = array<i32>} : memref<1024xi32, #tpu.memory_space<vmem>>, vector<16xi32>,
      %get3A_222 = arith.constant 128 : index
      %get3A_223 = tpu.vector_load %arg12[%get3A_222] {strides = array<i32>} : memref<1024xi32, #tpu.memory_space<vmem>>, vector<16xi32>,
      %and3A_224 = arith.constant 15 : i32
      %and3A_225 = vector.broadcast %and3A_224 : i32 to vector<16xi32>
      %and3A_226 = arith.andi %get3A_223, %and3A_225 : vector<16xi32>
      %not3A_227 = arith.constant 15 : i32
      %not3A_228 = arith.constant -1 : i32
      %not3A_229 = arith.xori %not3A_227, %not3A_228 : i32
      %and3A_230 = vector.broadcast %not3A_229 : i32 to vector<16xi32>
      %and3A_231 = arith.andi %get3A_223, %and3A_230 : vector<16xi32>
      %bitcast3A_232 = vector.bitcast %and3A_231 : vector<16xi32> to vector<16xf32>
      %swap3A_233 = arith.constant 128 : index
      %swap3A_234 = tpu.vector_load %arg13[%swap3A_233] {strides = array<i32>} : memref<1024xf32, #tpu.memory_space<vmem>>, vector<16xf32>,
      tpu.vector_store %arg13[%swap3A_233], %bitcast3A_232 {strides = array<i32>} : memref<1024xf32, #tpu.memory_space<vmem>>, vector<16xf32>,
      %mul3A_235 = arith.constant 51200 : i32
      %mul3A_236 = vector.broadcast %mul3A_235 : i32 to vector<16xi32>
      %mul3A_237 = arith.muli %and3A_226, %mul3A_236 : vector<16xi32>
      %get3A_238 = arith.constant 128 : index
      %get3A_239 = tpu.vector_load %arg10[%get3A_238] {strides = array<i32>} : memref<1024xi32, #tpu.memory_space<vmem>>, vector<16xi32>,
      %add3A_240 = arith.addi %mul3A_237, %get3A_239 : vector<16xi32>
      %swap3A_241 = arith.constant 128 : index
      %swap3A_242 = tpu.vector_load %arg14[%swap3A_241] {strides = array<i32>} : memref<1024xi32, #tpu.memory_space<vmem>>, vector<16xi32>,
      tpu.vector_store %arg14[%swap3A_241], %add3A_240 {strides = array<i32>} : memref<1024xi32, #tpu.memory_space<vmem>>, vector<16xi32>,
      %get3A_243 = arith.constant 144 : index
      %get3A_244 = tpu.vector_load %arg12[%get3A_243] {strides = array<i32>} : memref<1024xi32, #tpu.memory_space<vmem>>, vector<16xi32>,
      %and3A_245 = arith.constant 15 : i32
      %and3A_246 = vector.broadcast %and3A_245 : i32 to vector<16xi32>
      %and3A_247 = arith.andi %get3A_244, %and3A_246 : vector<16xi32>
      %not3A_248 = arith.constant 15 : i32
      %not3A_249 = arith.constant -1 : i32
      %not3A_250 = arith.xori %not3A_248, %not3A_249 : i32
      %and3A_251 = vector.broadcast %not3A_250 : i32 to vector<16xi32>
      %and3A_252 = arith.andi %get3A_244, %and3A_251 : vector<16xi32>
      %bitcast3A_253 = vector.bitcast %and3A_252 : vector<16xi32> to vector<16xf32>
      %swap3A_254 = arith.constant 144 : index
      %swap3A_255 = tpu.vector_load %arg13[%swap3A_254] {strides = array<i32>} : memref<1024xf32, #tpu.memory_space<vmem>>, vector<16xf32>,
      tpu.vector_store %arg13[%swap3A_254], %bitcast3A_253 {strides = array<i32>} : memref<1024xf32, #tpu.memory_space<vmem>>, vector<16xf32>,
      %mul3A_256 = arith.constant 51200 : i32
      %mul3A_257 = vector.broadcast %mul3A_256 : i32 to vector<16xi32>
      %mul3A_258 = arith.muli %and3A_247, %mul3A_257 : vector<16xi32>
      %get3A_259 = arith.constant 144 : index
      %get3A_260 = tpu.vector_load %arg10[%get3A_259] {strides = array<i32>} : memref<1024xi32, #tpu.memory_space<vmem>>, vector<16xi32>,
      %add3A_261 = arith.addi %mul3A_258, %get3A_260 : vector<16xi32>
      %swap3A_262 = arith.constant 144 : index
      %swap3A_263 = tpu.vector_load %arg14[%swap3A_262] {strides = array<i32>} : memref<1024xi32, #tpu.memory_space<vmem>>, vector<16xi32>,
      tpu.vector_store %arg14[%swap3A_262], %add3A_261 {strides = array<i32>} : memref<1024xi32, #tpu.memory_space<vmem>>, vector<16xi32>,
      %get3A_264 = arith.constant 160 : index
      %get3A_265 = tpu.vector_load %arg12[%get3A_264] {strides = array<i32>} : memref<1024xi32, #tpu.memory_space<vmem>>, vector<16xi32>,
      %and3A_266 = arith.constant 15 : i32
      %and3A_267 = vector.broadcast %and3A_266 : i32 to vector<16xi32>
      %and3A_268 = arith.andi %get3A_265, %and3A_267 : vector<16xi32>
      %not3A_269 = arith.constant 15 : i32
      %not3A_270 = arith.constant -1 : i32
      %not3A_271 = arith.xori %not3A_269, %not3A_270 : i32
      %and3A_272 = vector.broadcast %not3A_271 : i32 to vector<16xi32>
      %and3A_273 = arith.andi %get3A_265, %and3A_272 : vector<16xi32>
      %bitcast3A_274 = vector.bitcast %and3A_273 : vector<16xi32> to vector<16xf32>
      %swap3A_275 = arith.constant 160 : index
      %swap3A_276 = tpu.vector_load %arg13[%swap3A_275] {strides = array<i32>} : memref<1024xf32, #tpu.memory_space<vmem>>, vector<16xf32>,
      tpu.vector_store %arg13[%swap3A_275], %bitcast3A_274 {strides = array<i32>} : memref<1024xf32, #tpu.memory_space<vmem>>, vector<16xf32>,
      %mul3A_277 = arith.constant 51200 : i32
      %mul3A_278 = vector.broadcast %mul3A_277 : i32 to vector<16xi32>
      %mul3A_279 = arith.muli %and3A_268, %mul3A_278 : vector<16xi32>
      %get3A_280 = arith.constant 160 : index
      %get3A_281 = tpu.vector_load %arg10[%get3A_280] {strides = array<i32>} : memref<1024xi32, #tpu.memory_space<vmem>>, vector<16xi32>,
      %add3A_282 = arith.addi %mul3A_279, %get3A_281 : vector<16xi32>
      %swap3A_283 = arith.constant 160 : index
      %swap3A_284 = tpu.vector_load %arg14[%swap3A_283] {strides = array<i32>} : memref<1024xi32, #tpu.memory_space<vmem>>, vector<16xi32>,
      tpu.vector_store %arg14[%swap3A_283], %add3A_282 {strides = array<i32>} : memref<1024xi32, #tpu.memory_space<vmem>>, vector<16xi32>,
      %get3A_285 = arith.constant 176 : index
      %get3A_286 = tpu.vector_load %arg12[%get3A_285] {strides = array<i32>} : memref<1024xi32, #tpu.memory_space<vmem>>, vector<16xi32>,
      %and3A_287 = arith.constant 15 : i32
      %and3A_288 = vector.broadcast %and3A_287 : i32 to vector<16xi32>
      %and3A_289 = arith.andi %get3A_286, %and3A_288 : vector<16xi32>
      %not3A_290 = arith.constant 15 : i32
      %not3A_291 = arith.constant -1 : i32
      %not3A_292 = arith.xori %not3A_290, %not3A_291 : i32
      %and3A_293 = vector.broadcast %not3A_292 : i32 to vector<16xi32>
      %and3A_294 = arith.andi %get3A_286, %and3A_293 : vector<16xi32>
      %bitcast3A_295 = vector.bitcast %and3A_294 : vector<16xi32> to vector<16xf32>
      %swap3A_296 = arith.constant 176 : index
      %swap3A_297 = tpu.vector_load %arg13[%swap3A_296] {strides = array<i32>} : memref<1024xf32, #tpu.memory_space<vmem>>, vector<16xf32>,
      tpu.vector_store %arg13[%swap3A_296], %bitcast3A_295 {strides = array<i32>} : memref<1024xf32, #tpu.memory_space<vmem>>, vector<16xf32>,
      %mul3A_298 = arith.constant 51200 : i32
      %mul3A_299 = vector.broadcast %mul3A_298 : i32 to vector<16xi32>
      %mul3A_300 = arith.muli %and3A_289, %mul3A_299 : vector<16xi32>
      %get3A_301 = arith.constant 176 : index
      %get3A_302 = tpu.vector_load %arg10[%get3A_301] {strides = array<i32>} : memref<1024xi32, #tpu.memory_space<vmem>>, vector<16xi32>,
      %add3A_303 = arith.addi %mul3A_300, %get3A_302 : vector<16xi32>
      %swap3A_304 = arith.constant 176 : index
      %swap3A_305 = tpu.vector_load %arg14[%swap3A_304] {strides = array<i32>} : memref<1024xi32, #tpu.memory_space<vmem>>, vector<16xi32>,
      tpu.vector_store %arg14[%swap3A_304], %add3A_303 {strides = array<i32>} : memref<1024xi32, #tpu.memory_space<vmem>>, vector<16xi32>,
      %get3A_306 = arith.constant 192 : index
      %get3A_307 = tpu.vector_load %arg12[%get3A_306] {strides = array<i32>} : memref<1024xi32, #tpu.memory_space<vmem>>, vector<16xi32>,
      %and3A_308 = arith.constant 15 : i32
      %and3A_309 = vector.broadcast %and3A_308 : i32 to vector<16xi32>
      %and3A_310 = arith.andi %get3A_307, %and3A_309 : vector<16xi32>
      %not3A_311 = arith.constant 15 : i32
      %not3A_312 = arith.constant -1 : i32
      %not3A_313 = arith.xori %not3A_311, %not3A_312 : i32
      %and3A_314 = vector.broadcast %not3A_313 : i32 to vector<16xi32>
      %and3A_315 = arith.andi %get3A_307, %and3A_314 : vector<16xi32>
      %bitcast3A_316 = vector.bitcast %and3A_315 : vector<16xi32> to vector<16xf32>
      %swap3A_317 = arith.constant 192 : index
      %swap3A_318 = tpu.vector_load %arg13[%swap3A_317] {strides = array<i32>} : memref<1024xf32, #tpu.memory_space<vmem>>, vector<16xf32>,
      tpu.vector_store %arg13[%swap3A_317], %bitcast3A_316 {strides = array<i32>} : memref<1024xf32, #tpu.memory_space<vmem>>, vector<16xf32>,
      %mul3A_319 = arith.constant 51200 : i32
      %mul3A_320 = vector.broadcast %mul3A_319 : i32 to vector<16xi32>
      %mul3A_321 = arith.muli %and3A_310, %mul3A_320 : vector<16xi32>
      %get3A_322 = arith.constant 192 : index
      %get3A_323 = tpu.vector_load %arg10[%get3A_322] {strides = array<i32>} : memref<1024xi32, #tpu.memory_space<vmem>>, vector<16xi32>,
      %add3A_324 = arith.addi %mul3A_321, %get3A_323 : vector<16xi32>
      %swap3A_325 = arith.constant 192 : index
      %swap3A_326 = tpu.vector_load %arg14[%swap3A_325] {strides = array<i32>} : memref<1024xi32, #tpu.memory_space<vmem>>, vector<16xi32>,
      tpu.vector_store %arg14[%swap3A_325], %add3A_324 {strides = array<i32>} : memref<1024xi32, #tpu.memory_space<vmem>>, vector<16xi32>,
      %get3A_327 = arith.constant 208 : index
      %get3A_328 = tpu.vector_load %arg12[%get3A_327] {strides = array<i32>} : memref<1024xi32, #tpu.memory_space<vmem>>, vector<16xi32>,
      %and3A_329 = arith.constant 15 : i32
      %and3A_330 = vector.broadcast %and3A_329 : i32 to vector<16xi32>
      %and3A_331 = arith.andi %get3A_328, %and3A_330 : vector<16xi32>
      %not3A_332 = arith.constant 15 : i32
      %not3A_333 = arith.constant -1 : i32
      %not3A_334 = arith.xori %not3A_332, %not3A_333 : i32
      %and3A_335 = vector.broadcast %not3A_334 : i32 to vector<16xi32>
      %and3A_336 = arith.andi %get3A_328, %and3A_335 : vector<16xi32>
      %bitcast3A_337 = vector.bitcast %and3A_336 : vector<16xi32> to vector<16xf32>
      %swap3A_338 = arith.constant 208 : index
      %swap3A_339 = tpu.vector_load %arg13[%swap3A_338] {strides = array<i32>} : memref<1024xf32, #tpu.memory_space<vmem>>, vector<16xf32>,
      tpu.vector_store %arg13[%swap3A_338], %bitcast3A_337 {strides = array<i32>} : memref<1024xf32, #tpu.memory_space<vmem>>, vector<16xf32>,
      %mul3A_340 = arith.constant 51200 : i32
      %mul3A_341 = vector.broadcast %mul3A_340 : i32 to vector<16xi32>
      %mul3A_342 = arith.muli %and3A_331, %mul3A_341 : vector<16xi32>
      %get3A_343 = arith.constant 208 : index
      %get3A_344 = tpu.vector_load %arg10[%get3A_343] {strides = array<i32>} : memref<1024xi32, #tpu.memory_space<vmem>>, vector<16xi32>,
      %add3A_345 = arith.addi %mul3A_342, %get3A_344 : vector<16xi32>
      %swap3A_346 = arith.constant 208 : index
      %swap3A_347 = tpu.vector_load %arg14[%swap3A_346] {strides = array<i32>} : memref<1024xi32, #tpu.memory_space<vmem>>, vector<16xi32>,
      tpu.vector_store %arg14[%swap3A_346], %add3A_345 {strides = array<i32>} : memref<1024xi32, #tpu.memory_space<vmem>>, vector<16xi32>,
      %get3A_348 = arith.constant 224 : index
      %get3A_349 = tpu.vector_load %arg12[%get3A_348] {strides = array<i32>} : memref<1024xi32, #tpu.memory_space<vmem>>, vector<16xi32>,
      %and3A_350 = arith.constant 15 : i32
      %and3A_351 = vector.broadcast %and3A_350 : i32 to vector<16xi32>
      %and3A_352 = arith.andi %get3A_349, %and3A_351 : vector<16xi32>
      %not3A_353 = arith.constant 15 : i32
      %not3A_354 = arith.constant -1 : i32
      %not3A_355 = arith.xori %not3A_353, %not3A_354 : i32
      %and3A_356 = vector.broadcast %not3A_355 : i32 to vector<16xi32>
      %and3A_357 = arith.andi %get3A_349, %and3A_356 : vector<16xi32>
      %bitcast3A_358 = vector.bitcast %and3A_357 : vector<16xi32> to vector<16xf32>
      %swap3A_359 = arith.constant 224 : index
      %swap3A_360 = tpu.vector_load %arg13[%swap3A_359] {strides = array<i32>} : memref<1024xf32, #tpu.memory_space<vmem>>, vector<16xf32>,
      tpu.vector_store %arg13[%swap3A_359], %bitcast3A_358 {strides = array<i32>} : memref<1024xf32, #tpu.memory_space<vmem>>, vector<16xf32>,
      %mul3A_361 = arith.constant 51200 : i32
      %mul3A_362 = vector.broadcast %mul3A_361 : i32 to vector<16xi32>
      %mul3A_363 = arith.muli %and3A_352, %mul3A_362 : vector<16xi32>
      %get3A_364 = arith.constant 224 : index
      %get3A_365 = tpu.vector_load %arg10[%get3A_364] {strides = array<i32>} : memref<1024xi32, #tpu.memory_space<vmem>>, vector<16xi32>,
      %add3A_366 = arith.addi %mul3A_363, %get3A_365 : vector<16xi32>
      %swap3A_367 = arith.constant 224 : index
      %swap3A_368 = tpu.vector_load %arg14[%swap3A_367] {strides = array<i32>} : memref<1024xi32, #tpu.memory_space<vmem>>, vector<16xi32>,
      tpu.vector_store %arg14[%swap3A_367], %add3A_366 {strides = array<i32>} : memref<1024xi32, #tpu.memory_space<vmem>>, vector<16xi32>,
      %get3A_369 = arith.constant 240 : index
      %get3A_370 = tpu.vector_load %arg12[%get3A_369] {strides = array<i32>} : memref<1024xi32, #tpu.memory_space<vmem>>, vector<16xi32>,
      %and3A_371 = arith.constant 15 : i32
      %and3A_372 = vector.broadcast %and3A_371 : i32 to vector<16xi32>
      %and3A_373 = arith.andi %get3A_370, %and3A_372 : vector<16xi32>
      %not3A_374 = arith.constant 15 : i32
      %not3A_375 = arith.constant -1 : i32
      %not3A_376 = arith.xori %not3A_374, %not3A_375 : i32
      %and3A_377 = vector.broadcast %not3A_376 : i32 to vector<16xi32>
      %and3A_378 = arith.andi %get3A_370, %and3A_377 : vector<16xi32>
      %bitcast3A_379 = vector.bitcast %and3A_378 : vector<16xi32> to vector<16xf32>
      %swap3A_380 = arith.constant 240 : index
      %swap3A_381 = tpu.vector_load %arg13[%swap3A_380] {strides = array<i32>} : memref<1024xf32, #tpu.memory_space<vmem>>, vector<16xf32>,
      tpu.vector_store %arg13[%swap3A_380], %bitcast3A_379 {strides = array<i32>} : memref<1024xf32, #tpu.memory_space<vmem>>, vector<16xf32>,
      %mul3A_382 = arith.constant 51200 : i32
      %mul3A_383 = vector.broadcast %mul3A_382 : i32 to vector<16xi32>
      %mul3A_384 = arith.muli %and3A_373, %mul3A_383 : vector<16xi32>
      %get3A_385 = arith.constant 240 : index
      %get3A_386 = tpu.vector_load %arg10[%get3A_385] {strides = array<i32>} : memref<1024xi32, #tpu.memory_space<vmem>>, vector<16xi32>,
      %add3A_387 = arith.addi %mul3A_384, %get3A_386 : vector<16xi32>
      %swap3A_388 = arith.constant 240 : index
      %swap3A_389 = tpu.vector_load %arg14[%swap3A_388] {strides = array<i32>} : memref<1024xi32, #tpu.memory_space<vmem>>, vector<16xi32>,
      tpu.vector_store %arg14[%swap3A_388], %add3A_387 {strides = array<i32>} : memref<1024xi32, #tpu.memory_space<vmem>>, vector<16xi32>,
      %get3A_390 = arith.constant 256 : index
      %get3A_391 = tpu.vector_load %arg12[%get3A_390] {strides = array<i32>} : memref<1024xi32, #tpu.memory_space<vmem>>, vector<16xi32>,
      %and3A_392 = arith.constant 15 : i32
      %and3A_393 = vector.broadcast %and3A_392 : i32 to vector<16xi32>
      %and3A_394 = arith.andi %get3A_391, %and3A_393 : vector<16xi32>
      %not3A_395 = arith.constant 15 : i32
      %not3A_396 = arith.constant -1 : i32
      %not3A_397 = arith.xori %not3A_395, %not3A_396 : i32
      %and3A_398 = vector.broadcast %not3A_397 : i32 to vector<16xi32>
      %and3A_399 = arith.andi %get3A_391, %and3A_398 : vector<16xi32>
      %bitcast3A_400 = vector.bitcast %and3A_399 : vector<16xi32> to vector<16xf32>
      %swap3A_401 = arith.constant 256 : index
      %swap3A_402 = tpu.vector_load %arg13[%swap3A_401] {strides = array<i32>} : memref<1024xf32, #tpu.memory_space<vmem>>, vector<16xf32>,
      tpu.vector_store %arg13[%swap3A_401], %bitcast3A_400 {strides = array<i32>} : memref<1024xf32, #tpu.memory_space<vmem>>, vector<16xf32>,
      %mul3A_403 = arith.constant 51200 : i32
      %mul3A_404 = vector.broadcast %mul3A_403 : i32 to vector<16xi32>
      %mul3A_405 = arith.muli %and3A_394, %mul3A_404 : vector<16xi32>
      %get3A_406 = arith.constant 256 : index
      %get3A_407 = tpu.vector_load %arg10[%get3A_406] {strides = array<i32>} : memref<1024xi32, #tpu.memory_space<vmem>>, vector<16xi32>,
      %add3A_408 = arith.addi %mul3A_405, %get3A_407 : vector<16xi32>
      %swap3A_409 = arith.constant 256 : index
      %swap3A_410 = tpu.vector_load %arg14[%swap3A_409] {strides = array<i32>} : memref<1024xi32, #tpu.memory_space<vmem>>, vector<16xi32>,
      tpu.vector_store %arg14[%swap3A_409], %add3A_408 {strides = array<i32>} : memref<1024xi32, #tpu.memory_space<vmem>>, vector<16xi32>,
      %get3A_411 = arith.constant 272 : index
      %get3A_412 = tpu.vector_load %arg12[%get3A_411] {strides = array<i32>} : memref<1024xi32, #tpu.memory_space<vmem>>, vector<16xi32>,
      %and3A_413 = arith.constant 15 : i32
      %and3A_414 = vector.broadcast %and3A_413 : i32 to vector<16xi32>
      %and3A_415 = arith.andi %get3A_412, %and3A_414 : vector<16xi32>
      %not3A_416 = arith.constant 15 : i32
      %not3A_417 = arith.constant -1 : i32
      %not3A_418 = arith.xori %not3A_416, %not3A_417 : i32
      %and3A_419 = vector.broadcast %not3A_418 : i32 to vector<16xi32>
      %and3A_420 = arith.andi %get3A_412, %and3A_419 : vector<16xi32>
      %bitcast3A_421 = vector.bitcast %and3A_420 : vector<16xi32> to vector<16xf32>
      %swap3A_422 = arith.constant 272 : index
      %swap3A_423 = tpu.vector_load %arg13[%swap3A_422] {strides = array<i32>} : memref<1024xf32, #tpu.memory_space<vmem>>, vector<16xf32>,
      tpu.vector_store %arg13[%swap3A_422], %bitcast3A_421 {strides = array<i32>} : memref<1024xf32, #tpu.memory_space<vmem>>, vector<16xf32>,
      %mul3A_424 = arith.constant 51200 : i32
      %mul3A_425 = vector.broadcast %mul3A_424 : i32 to vector<16xi32>
      %mul3A_426 = arith.muli %and3A_415, %mul3A_425 : vector<16xi32>
      %get3A_427 = arith.constant 272 : index
      %get3A_428 = tpu.vector_load %arg10[%get3A_427] {strides = array<i32>} : memref<1024xi32, #tpu.memory_space<vmem>>, vector<16xi32>,
      %add3A_429 = arith.addi %mul3A_426, %get3A_428 : vector<16xi32>
      %swap3A_430 = arith.constant 272 : index
      %swap3A_431 = tpu.vector_load %arg14[%swap3A_430] {strides = array<i32>} : memref<1024xi32, #tpu.memory_space<vmem>>, vector<16xi32>,
      tpu.vector_store %arg14[%swap3A_430], %add3A_429 {strides = array<i32>} : memref<1024xi32, #tpu.memory_space<vmem>>, vector<16xi32>,
      %get3A_432 = arith.constant 288 : index
      %get3A_433 = tpu.vector_load %arg12[%get3A_432] {strides = array<i32>} : memref<1024xi32, #tpu.memory_space<vmem>>, vector<16xi32>,
      %and3A_434 = arith.constant 15 : i32
      %and3A_435 = vector.broadcast %and3A_434 : i32 to vector<16xi32>
      %and3A_436 = arith.andi %get3A_433, %and3A_435 : vector<16xi32>
      %not3A_437 = arith.constant 15 : i32
      %not3A_438 = arith.constant -1 : i32
      %not3A_439 = arith.xori %not3A_437, %not3A_438 : i32
      %and3A_440 = vector.broadcast %not3A_439 : i32 to vector<16xi32>
      %and3A_441 = arith.andi %get3A_433, %and3A_440 : vector<16xi32>
      %bitcast3A_442 = vector.bitcast %and3A_441 : vector<16xi32> to vector<16xf32>
      %swap3A_443 = arith.constant 288 : index
      %swap3A_444 = tpu.vector_load %arg13[%swap3A_443] {strides = array<i32>} : memref<1024xf32, #tpu.memory_space<vmem>>, vector<16xf32>,
      tpu.vector_store %arg13[%swap3A_443], %bitcast3A_442 {strides = array<i32>} : memref<1024xf32, #tpu.memory_space<vmem>>, vector<16xf32>,
      %mul3A_445 = arith.constant 51200 : i32
      %mul3A_446 = vector.broadcast %mul3A_445 : i32 to vector<16xi32>
      %mul3A_447 = arith.muli %and3A_436, %mul3A_446 : vector<16xi32>
      %get3A_448 = arith.constant 288 : index
      %get3A_449 = tpu.vector_load %arg10[%get3A_448] {strides = array<i32>} : memref<1024xi32, #tpu.memory_space<vmem>>, vector<16xi32>,
      %add3A_450 = arith.addi %mul3A_447, %get3A_449 : vector<16xi32>
      %swap3A_451 = arith.constant 288 : index
      %swap3A_452 = tpu.vector_load %arg14[%swap3A_451] {strides = array<i32>} : memref<1024xi32, #tpu.memory_space<vmem>>, vector<16xi32>,
      tpu.vector_store %arg14[%swap3A_451], %add3A_450 {strides = array<i32>} : memref<1024xi32, #tpu.memory_space<vmem>>, vector<16xi32>,
      %get3A_453 = arith.constant 304 : index
      %get3A_454 = tpu.vector_load %arg12[%get3A_453] {strides = array<i32>} : memref<1024xi32, #tpu.memory_space<vmem>>, vector<16xi32>,
      %and3A_455 = arith.constant 15 : i32
      %and3A_456 = vector.broadcast %and3A_455 : i32 to vector<16xi32>
      %and3A_457 = arith.andi %get3A_454, %and3A_456 : vector<16xi32>
      %not3A_458 = arith.constant 15 : i32
      %not3A_459 = arith.constant -1 : i32
      %not3A_460 = arith.xori %not3A_458, %not3A_459 : i32
      %and3A_461 = vector.broadcast %not3A_460 : i32 to vector<16xi32>
      %and3A_462 = arith.andi %get3A_454, %and3A_461 : vector<16xi32>
      %bitcast3A_463 = vector.bitcast %and3A_462 : vector<16xi32> to vector<16xf32>
      %swap3A_464 = arith.constant 304 : index
      %swap3A_465 = tpu.vector_load %arg13[%swap3A_464] {strides = array<i32>} : memref<1024xf32, #tpu.memory_space<vmem>>, vector<16xf32>,
      tpu.vector_store %arg13[%swap3A_464], %bitcast3A_463 {strides = array<i32>} : memref<1024xf32, #tpu.memory_space<vmem>>, vector<16xf32>,
      %mul3A_466 = arith.constant 51200 : i32
      %mul3A_467 = vector.broadcast %mul3A_466 : i32 to vector<16xi32>
      %mul3A_468 = arith.muli %and3A_457, %mul3A_467 : vector<16xi32>
      %get3A_469 = arith.constant 304 : index
      %get3A_470 = tpu.vector_load %arg10[%get3A_469] {strides = array<i32>} : memref<1024xi32, #tpu.memory_space<vmem>>, vector<16xi32>,
      %add3A_471 = arith.addi %mul3A_468, %get3A_470 : vector<16xi32>
      %swap3A_472 = arith.constant 304 : index
      %swap3A_473 = tpu.vector_load %arg14[%swap3A_472] {strides = array<i32>} : memref<1024xi32, #tpu.memory_space<vmem>>, vector<16xi32>,
      tpu.vector_store %arg14[%swap3A_472], %add3A_471 {strides = array<i32>} : memref<1024xi32, #tpu.memory_space<vmem>>, vector<16xi32>,
      %get3A_474 = arith.constant 320 : index
      %get3A_475 = tpu.vector_load %arg12[%get3A_474] {strides = array<i32>} : memref<1024xi32, #tpu.memory_space<vmem>>, vector<16xi32>,
      %and3A_476 = arith.constant 15 : i32
      %and3A_477 = vector.broadcast %and3A_476 : i32 to vector<16xi32>
      %and3A_478 = arith.andi %get3A_475, %and3A_477 : vector<16xi32>
      %not3A_479 = arith.constant 15 : i32
      %not3A_480 = arith.constant -1 : i32
      %not3A_481 = arith.xori %not3A_479, %not3A_480 : i32
      %and3A_482 = vector.broadcast %not3A_481 : i32 to vector<16xi32>
      %and3A_483 = arith.andi %get3A_475, %and3A_482 : vector<16xi32>
      %bitcast3A_484 = vector.bitcast %and3A_483 : vector<16xi32> to vector<16xf32>
      %swap3A_485 = arith.constant 320 : index
      %swap3A_486 = tpu.vector_load %arg13[%swap3A_485] {strides = array<i32>} : memref<1024xf32, #tpu.memory_space<vmem>>, vector<16xf32>,
      tpu.vector_store %arg13[%swap3A_485], %bitcast3A_484 {strides = array<i32>} : memref<1024xf32, #tpu.memory_space<vmem>>, vector<16xf32>,
      %mul3A_487 = arith.constant 51200 : i32
      %mul3A_488 = vector.broadcast %mul3A_487 : i32 to vector<16xi32>
      %mul3A_489 = arith.muli %and3A_478, %mul3A_488 : vector<16xi32>
      %get3A_490 = arith.constant 320 : index
      %get3A_491 = tpu.vector_load %arg10[%get3A_490] {strides = array<i32>} : memref<1024xi32, #tpu.memory_space<vmem>>, vector<16xi32>,
      %add3A_492 = arith.addi %mul3A_489, %get3A_491 : vector<16xi32>
      %swap3A_493 = arith.constant 320 : index
      %swap3A_494 = tpu.vector_load %arg14[%swap3A_493] {strides = array<i32>} : memref<1024xi32, #tpu.memory_space<vmem>>, vector<16xi32>,
      tpu.vector_store %arg14[%swap3A_493], %add3A_492 {strides = array<i32>} : memref<1024xi32, #tpu.memory_space<vmem>>, vector<16xi32>,
      %get3A_495 = arith.constant 336 : index
      %get3A_496 = tpu.vector_load %arg12[%get3A_495] {strides = array<i32>} : memref<1024xi32, #tpu.memory_space<vmem>>, vector<16xi32>,
      %and3A_497 = arith.constant 15 : i32
      %and3A_498 = vector.broadcast %and3A_497 : i32 to vector<16xi32>
      %and3A_499 = arith.andi %get3A_496, %and3A_498 : vector<16xi32>
      %not3A_500 = arith.constant 15 : i32
      %not3A_501 = arith.constant -1 : i32
      %not3A_502 = arith.xori %not3A_500, %not3A_501 : i32
      %and3A_503 = vector.broadcast %not3A_502 : i32 to vector<16xi32>
      %and3A_504 = arith.andi %get3A_496, %and3A_503 : vector<16xi32>
      %bitcast3A_505 = vector.bitcast %and3A_504 : vector<16xi32> to vector<16xf32>
      %swap3A_506 = arith.constant 336 : index
      %swap3A_507 = tpu.vector_load %arg13[%swap3A_506] {strides = array<i32>} : memref<1024xf32, #tpu.memory_space<vmem>>, vector<16xf32>,
      tpu.vector_store %arg13[%swap3A_506], %bitcast3A_505 {strides = array<i32>} : memref<1024xf32, #tpu.memory_space<vmem>>, vector<16xf32>,
      %mul3A_508 = arith.constant 51200 : i32
      %mul3A_509 = vector.broadcast %mul3A_508 : i32 to vector<16xi32>
      %mul3A_510 = arith.muli %and3A_499, %mul3A_509 : vector<16xi32>
      %get3A_511 = arith.constant 336 : index
      %get3A_512 = tpu.vector_load %arg10[%get3A_511] {strides = array<i32>} : memref<1024xi32, #tpu.memory_space<vmem>>, vector<16xi32>,
      %add3A_513 = arith.addi %mul3A_510, %get3A_512 : vector<16xi32>
      %swap3A_514 = arith.constant 336 : index
      %swap3A_515 = tpu.vector_load %arg14[%swap3A_514] {strides = array<i32>} : memref<1024xi32, #tpu.memory_space<vmem>>, vector<16xi32>,
      tpu.vector_store %arg14[%swap3A_514], %add3A_513 {strides = array<i32>} : memref<1024xi32, #tpu.memory_space<vmem>>, vector<16xi32>,
      %get3A_516 = arith.constant 352 : index
      %get3A_517 = tpu.vector_load %arg12[%get3A_516] {strides = array<i32>} : memref<1024xi32, #tpu.memory_space<vmem>>, vector<16xi32>,
      %and3A_518 = arith.constant 15 : i32
      %and3A_519 = vector.broadcast %and3A_518 : i32 to vector<16xi32>
      %and3A_520 = arith.andi %get3A_517, %and3A_519 : vector<16xi32>
      %not3A_521 = arith.constant 15 : i32
      %not3A_522 = arith.constant -1 : i32
      %not3A_523 = arith.xori %not3A_521, %not3A_522 : i32
      %and3A_524 = vector.broadcast %not3A_523 : i32 to vector<16xi32>
      %and3A_525 = arith.andi %get3A_517, %and3A_524 : vector<16xi32>
      %bitcast3A_526 = vector.bitcast %and3A_525 : vector<16xi32> to vector<16xf32>
      %swap3A_527 = arith.constant 352 : index
      %swap3A_528 = tpu.vector_load %arg13[%swap3A_527] {strides = array<i32>} : memref<1024xf32, #tpu.memory_space<vmem>>, vector<16xf32>,
      tpu.vector_store %arg13[%swap3A_527], %bitcast3A_526 {strides = array<i32>} : memref<1024xf32, #tpu.memory_space<vmem>>, vector<16xf32>,
      %mul3A_529 = arith.constant 51200 : i32
      %mul3A_530 = vector.broadcast %mul3A_529 : i32 to vector<16xi32>
      %mul3A_531 = arith.muli %and3A_520, %mul3A_530 : vector<16xi32>
      %get3A_532 = arith.constant 352 : index
      %get3A_533 = tpu.vector_load %arg10[%get3A_532] {strides = array<i32>} : memref<1024xi32, #tpu.memory_space<vmem>>, vector<16xi32>,
      %add3A_534 = arith.addi %mul3A_531, %get3A_533 : vector<16xi32>
      %swap3A_535 = arith.constant 352 : index
      %swap3A_536 = tpu.vector_load %arg14[%swap3A_535] {strides = array<i32>} : memref<1024xi32, #tpu.memory_space<vmem>>, vector<16xi32>,
      tpu.vector_store %arg14[%swap3A_535], %add3A_534 {strides = array<i32>} : memref<1024xi32, #tpu.memory_space<vmem>>, vector<16xi32>,
      %get3A_537 = arith.constant 368 : index
      %get3A_538 = tpu.vector_load %arg12[%get3A_537] {strides = array<i32>} : memref<1024xi32, #tpu.memory_space<vmem>>, vector<16xi32>,
      %and3A_539 = arith.constant 15 : i32
      %and3A_540 = vector.broadcast %and3A_539 : i32 to vector<16xi32>
      %and3A_541 = arith.andi %get3A_538, %and3A_540 : vector<16xi32>
      %not3A_542 = arith.constant 15 : i32
      %not3A_543 = arith.constant -1 : i32
      %not3A_544 = arith.xori %not3A_542, %not3A_543 : i32
      %and3A_545 = vector.broadcast %not3A_544 : i32 to vector<16xi32>
      %and3A_546 = arith.andi %get3A_538, %and3A_545 : vector<16xi32>
      %bitcast3A_547 = vector.bitcast %and3A_546 : vector<16xi32> to vector<16xf32>
      %swap3A_548 = arith.constant 368 : index
      %swap3A_549 = tpu.vector_load %arg13[%swap3A_548] {strides = array<i32>} : memref<1024xf32, #tpu.memory_space<vmem>>, vector<16xf32>,
      tpu.vector_store %arg13[%swap3A_548], %bitcast3A_547 {strides = array<i32>} : memref<1024xf32, #tpu.memory_space<vmem>>, vector<16xf32>,
      %mul3A_550 = arith.constant 51200 : i32
      %mul3A_551 = vector.broadcast %mul3A_550 : i32 to vector<16xi32>
      %mul3A_552 = arith.muli %and3A_541, %mul3A_551 : vector<16xi32>
      %get3A_553 = arith.constant 368 : index
      %get3A_554 = tpu.vector_load %arg10[%get3A_553] {strides = array<i32>} : memref<1024xi32, #tpu.memory_space<vmem>>, vector<16xi32>,
      %add3A_555 = arith.addi %mul3A_552, %get3A_554 : vector<16xi32>
      %swap3A_556 = arith.constant 368 : index
      %swap3A_557 = tpu.vector_load %arg14[%swap3A_556] {strides = array<i32>} : memref<1024xi32, #tpu.memory_space<vmem>>, vector<16xi32>,
      tpu.vector_store %arg14[%swap3A_556], %add3A_555 {strides = array<i32>} : memref<1024xi32, #tpu.memory_space<vmem>>, vector<16xi32>,
      %get3A_558 = arith.constant 384 : index
      %get3A_559 = tpu.vector_load %arg12[%get3A_558] {strides = array<i32>} : memref<1024xi32, #tpu.memory_space<vmem>>, vector<16xi32>,
      %and3A_560 = arith.constant 15 : i32
      %and3A_561 = vector.broadcast %and3A_560 : i32 to vector<16xi32>
      %and3A_562 = arith.andi %get3A_559, %and3A_561 : vector<16xi32>
      %not3A_563 = arith.constant 15 : i32
      %not3A_564 = arith.constant -1 : i32
      %not3A_565 = arith.xori %not3A_563, %not3A_564 : i32
      %and3A_566 = vector.broadcast %not3A_565 : i32 to vector<16xi32>
      %and3A_567 = arith.andi %get3A_559, %and3A_566 : vector<16xi32>
      %bitcast3A_568 = vector.bitcast %and3A_567 : vector<16xi32> to vector<16xf32>
      %swap3A_569 = arith.constant 384 : index
      %swap3A_570 = tpu.vector_load %arg13[%swap3A_569] {strides = array<i32>} : memref<1024xf32, #tpu.memory_space<vmem>>, vector<16xf32>,
      tpu.vector_store %arg13[%swap3A_569], %bitcast3A_568 {strides = array<i32>} : memref<1024xf32, #tpu.memory_space<vmem>>, vector<16xf32>,
      %mul3A_571 = arith.constant 51200 : i32
      %mul3A_572 = vector.broadcast %mul3A_571 : i32 to vector<16xi32>
      %mul3A_573 = arith.muli %and3A_562, %mul3A_572 : vector<16xi32>
      %get3A_574 = arith.constant 384 : index
      %get3A_575 = tpu.vector_load %arg10[%get3A_574] {strides = array<i32>} : memref<1024xi32, #tpu.memory_space<vmem>>, vector<16xi32>,
      %add3A_576 = arith.addi %mul3A_573, %get3A_575 : vector<16xi32>
      %swap3A_577 = arith.constant 384 : index
      %swap3A_578 = tpu.vector_load %arg14[%swap3A_577] {strides = array<i32>} : memref<1024xi32, #tpu.memory_space<vmem>>, vector<16xi32>,
      tpu.vector_store %arg14[%swap3A_577], %add3A_576 {strides = array<i32>} : memref<1024xi32, #tpu.memory_space<vmem>>, vector<16xi32>,
      %get3A_579 = arith.constant 400 : index
      %get3A_580 = tpu.vector_load %arg12[%get3A_579] {strides = array<i32>} : memref<1024xi32, #tpu.memory_space<vmem>>, vector<16xi32>,
      %and3A_581 = arith.constant 15 : i32
      %and3A_582 = vector.broadcast %and3A_581 : i32 to vector<16xi32>
      %and3A_583 = arith.andi %get3A_580, %and3A_582 : vector<16xi32>
      %not3A_584 = arith.constant 15 : i32
      %not3A_585 = arith.constant -1 : i32
      %not3A_586 = arith.xori %not3A_584, %not3A_585 : i32
      %and3A_587 = vector.broadcast %not3A_586 : i32 to vector<16xi32>
      %and3A_588 = arith.andi %get3A_580, %and3A_587 : vector<16xi32>
      %bitcast3A_589 = vector.bitcast %and3A_588 : vector<16xi32> to vector<16xf32>
      %swap3A_590 = arith.constant 400 : index
      %swap3A_591 = tpu.vector_load %arg13[%swap3A_590] {strides = array<i32>} : memref<1024xf32, #tpu.memory_space<vmem>>, vector<16xf32>,
      tpu.vector_store %arg13[%swap3A_590], %bitcast3A_589 {strides = array<i32>} : memref<1024xf32, #tpu.memory_space<vmem>>, vector<16xf32>,
      %mul3A_592 = arith.constant 51200 : i32
      %mul3A_593 = vector.broadcast %mul3A_592 : i32 to vector<16xi32>
      %mul3A_594 = arith.muli %and3A_583, %mul3A_593 : vector<16xi32>
      %get3A_595 = arith.constant 400 : index
      %get3A_596 = tpu.vector_load %arg10[%get3A_595] {strides = array<i32>} : memref<1024xi32, #tpu.memory_space<vmem>>, vector<16xi32>,
      %add3A_597 = arith.addi %mul3A_594, %get3A_596 : vector<16xi32>
      %swap3A_598 = arith.constant 400 : index
      %swap3A_599 = tpu.vector_load %arg14[%swap3A_598] {strides = array<i32>} : memref<1024xi32, #tpu.memory_space<vmem>>, vector<16xi32>,
      tpu.vector_store %arg14[%swap3A_598], %add3A_597 {strides = array<i32>} : memref<1024xi32, #tpu.memory_space<vmem>>, vector<16xi32>,
      %get3A_600 = arith.constant 416 : index
      %get3A_601 = tpu.vector_load %arg12[%get3A_600] {strides = array<i32>} : memref<1024xi32, #tpu.memory_space<vmem>>, vector<16xi32>,
      %and3A_602 = arith.constant 15 : i32
      %and3A_603 = vector.broadcast %and3A_602 : i32 to vector<16xi32>
      %and3A_604 = arith.andi %get3A_601, %and3A_603 : vector<16xi32>
      %not3A_605 = arith.constant 15 : i32
      %not3A_606 = arith.constant -1 : i32
      %not3A_607 = arith.xori %not3A_605, %not3A_606 : i32
      %and3A_608 = vector.broadcast %not3A_607 : i32 to vector<16xi32>
      %and3A_609 = arith.andi %get3A_601, %and3A_608 : vector<16xi32>
      %bitcast3A_610 = vector.bitcast %and3A_609 : vector<16xi32> to vector<16xf32>
      %swap3A_611 = arith.constant 416 : index
      %swap3A_612 = tpu.vector_load %arg13[%swap3A_611] {strides = array<i32>} : memref<1024xf32, #tpu.memory_space<vmem>>, vector<16xf32>,
      tpu.vector_store %arg13[%swap3A_611], %bitcast3A_610 {strides = array<i32>} : memref<1024xf32, #tpu.memory_space<vmem>>, vector<16xf32>,
      %mul3A_613 = arith.constant 51200 : i32
      %mul3A_614 = vector.broadcast %mul3A_613 : i32 to vector<16xi32>
      %mul3A_615 = arith.muli %and3A_604, %mul3A_614 : vector<16xi32>
      %get3A_616 = arith.constant 416 : index
      %get3A_617 = tpu.vector_load %arg10[%get3A_616] {strides = array<i32>} : memref<1024xi32, #tpu.memory_space<vmem>>, vector<16xi32>,
      %add3A_618 = arith.addi %mul3A_615, %get3A_617 : vector<16xi32>
      %swap3A_619 = arith.constant 416 : index
      %swap3A_620 = tpu.vector_load %arg14[%swap3A_619] {strides = array<i32>} : memref<1024xi32, #tpu.memory_space<vmem>>, vector<16xi32>,
      tpu.vector_store %arg14[%swap3A_619], %add3A_618 {strides = array<i32>} : memref<1024xi32, #tpu.memory_space<vmem>>, vector<16xi32>,
      %get3A_621 = arith.constant 432 : index
      %get3A_622 = tpu.vector_load %arg12[%get3A_621] {strides = array<i32>} : memref<1024xi32, #tpu.memory_space<vmem>>, vector<16xi32>,
      %and3A_623 = arith.constant 15 : i32
      %and3A_624 = vector.broadcast %and3A_623 : i32 to vector<16xi32>
      %and3A_625 = arith.andi %get3A_622, %and3A_624 : vector<16xi32>
      %not3A_626 = arith.constant 15 : i32
      %not3A_627 = arith.constant -1 : i32
      %not3A_628 = arith.xori %not3A_626, %not3A_627 : i32
      %and3A_629 = vector.broadcast %not3A_628 : i32 to vector<16xi32>
      %and3A_630 = arith.andi %get3A_622, %and3A_629 : vector<16xi32>
      %bitcast3A_631 = vector.bitcast %and3A_630 : vector<16xi32> to vector<16xf32>
      %swap3A_632 = arith.constant 432 : index
      %swap3A_633 = tpu.vector_load %arg13[%swap3A_632] {strides = array<i32>} : memref<1024xf32, #tpu.memory_space<vmem>>, vector<16xf32>,
      tpu.vector_store %arg13[%swap3A_632], %bitcast3A_631 {strides = array<i32>} : memref<1024xf32, #tpu.memory_space<vmem>>, vector<16xf32>,
      %mul3A_634 = arith.constant 51200 : i32
      %mul3A_635 = vector.broadcast %mul3A_634 : i32 to vector<16xi32>
      %mul3A_636 = arith.muli %and3A_625, %mul3A_635 : vector<16xi32>
      %get3A_637 = arith.constant 432 : index
      %get3A_638 = tpu.vector_load %arg10[%get3A_637] {strides = array<i32>} : memref<1024xi32, #tpu.memory_space<vmem>>, vector<16xi32>,
      %add3A_639 = arith.addi %mul3A_636, %get3A_638 : vector<16xi32>
      %swap3A_640 = arith.constant 432 : index
      %swap3A_641 = tpu.vector_load %arg14[%swap3A_640] {strides = array<i32>} : memref<1024xi32, #tpu.memory_space<vmem>>, vector<16xi32>,
      tpu.vector_store %arg14[%swap3A_640], %add3A_639 {strides = array<i32>} : memref<1024xi32, #tpu.memory_space<vmem>>, vector<16xi32>,
      %get3A_642 = arith.constant 448 : index
      %get3A_643 = tpu.vector_load %arg12[%get3A_642] {strides = array<i32>} : memref<1024xi32, #tpu.memory_space<vmem>>, vector<16xi32>,
      %and3A_644 = arith.constant 15 : i32
      %and3A_645 = vector.broadcast %and3A_644 : i32 to vector<16xi32>
      %and3A_646 = arith.andi %get3A_643, %and3A_645 : vector<16xi32>
      %not3A_647 = arith.constant 15 : i32
      %not3A_648 = arith.constant -1 : i32
      %not3A_649 = arith.xori %not3A_647, %not3A_648 : i32
      %and3A_650 = vector.broadcast %not3A_649 : i32 to vector<16xi32>
      %and3A_651 = arith.andi %get3A_643, %and3A_650 : vector<16xi32>
      %bitcast3A_652 = vector.bitcast %and3A_651 : vector<16xi32> to vector<16xf32>
      %swap3A_653 = arith.constant 448 : index
      %swap3A_654 = tpu.vector_load %arg13[%swap3A_653] {strides = array<i32>} : memref<1024xf32, #tpu.memory_space<vmem>>, vector<16xf32>,
      tpu.vector_store %arg13[%swap3A_653], %bitcast3A_652 {strides = array<i32>} : memref<1024xf32, #tpu.memory_space<vmem>>, vector<16xf32>,
      %mul3A_655 = arith.constant 51200 : i32
      %mul3A_656 = vector.broadcast %mul3A_655 : i32 to vector<16xi32>
      %mul3A_657 = arith.muli %and3A_646, %mul3A_656 : vector<16xi32>
      %get3A_658 = arith.constant 448 : index
      %get3A_659 = tpu.vector_load %arg10[%get3A_658] {strides = array<i32>} : memref<1024xi32, #tpu.memory_space<vmem>>, vector<16xi32>,
      %add3A_660 = arith.addi %mul3A_657, %get3A_659 : vector<16xi32>
      %swap3A_661 = arith.constant 448 : index
      %swap3A_662 = tpu.vector_load %arg14[%swap3A_661] {strides = array<i32>} : memref<1024xi32, #tpu.memory_space<vmem>>, vector<16xi32>,
      tpu.vector_store %arg14[%swap3A_661], %add3A_660 {strides = array<i32>} : memref<1024xi32, #tpu.memory_space<vmem>>, vector<16xi32>,
      %get3A_663 = arith.constant 464 : index
      %get3A_664 = tpu.vector_load %arg12[%get3A_663] {strides = array<i32>} : memref<1024xi32, #tpu.memory_space<vmem>>, vector<16xi32>,
      %and3A_665 = arith.constant 15 : i32
      %and3A_666 = vector.broadcast %and3A_665 : i32 to vector<16xi32>
      %and3A_667 = arith.andi %get3A_664, %and3A_666 : vector<16xi32>
      %not3A_668 = arith.constant 15 : i32
      %not3A_669 = arith.constant -1 : i32
      %not3A_670 = arith.xori %not3A_668, %not3A_669 : i32
      %and3A_671 = vector.broadcast %not3A_670 : i32 to vector<16xi32>
      %and3A_672 = arith.andi %get3A_664, %and3A_671 : vector<16xi32>
      %bitcast3A_673 = vector.bitcast %and3A_672 : vector<16xi32> to vector<16xf32>
      %swap3A_674 = arith.constant 464 : index
      %swap3A_675 = tpu.vector_load %arg13[%swap3A_674] {strides = array<i32>} : memref<1024xf32, #tpu.memory_space<vmem>>, vector<16xf32>,
      tpu.vector_store %arg13[%swap3A_674], %bitcast3A_673 {strides = array<i32>} : memref<1024xf32, #tpu.memory_space<vmem>>, vector<16xf32>,
      %mul3A_676 = arith.constant 51200 : i32
      %mul3A_677 = vector.broadcast %mul3A_676 : i32 to vector<16xi32>
      %mul3A_678 = arith.muli %and3A_667, %mul3A_677 : vector<16xi32>
      %get3A_679 = arith.constant 464 : index
      %get3A_680 = tpu.vector_load %arg10[%get3A_679] {strides = array<i32>} : memref<1024xi32, #tpu.memory_space<vmem>>, vector<16xi32>,
      %add3A_681 = arith.addi %mul3A_678, %get3A_680 : vector<16xi32>
      %swap3A_682 = arith.constant 464 : index
      %swap3A_683 = tpu.vector_load %arg14[%swap3A_682] {strides = array<i32>} : memref<1024xi32, #tpu.memory_space<vmem>>, vector<16xi32>,
      tpu.vector_store %arg14[%swap3A_682], %add3A_681 {strides = array<i32>} : memref<1024xi32, #tpu.memory_space<vmem>>, vector<16xi32>,
      %get3A_684 = arith.constant 480 : index
      %get3A_685 = tpu.vector_load %arg12[%get3A_684] {strides = array<i32>} : memref<1024xi32, #tpu.memory_space<vmem>>, vector<16xi32>,
      %and3A_686 = arith.constant 15 : i32
      %and3A_687 = vector.broadcast %and3A_686 : i32 to vector<16xi32>
      %and3A_688 = arith.andi %get3A_685, %and3A_687 : vector<16xi32>
      %not3A_689 = arith.constant 15 : i32
      %not3A_690 = arith.constant -1 : i32
      %not3A_691 = arith.xori %not3A_689, %not3A_690 : i32
      %and3A_692 = vector.broadcast %not3A_691 : i32 to vector<16xi32>
      %and3A_693 = arith.andi %get3A_685, %and3A_692 : vector<16xi32>
      %bitcast3A_694 = vector.bitcast %and3A_693 : vector<16xi32> to vector<16xf32>
      %swap3A_695 = arith.constant 480 : index
      %swap3A_696 = tpu.vector_load %arg13[%swap3A_695] {strides = array<i32>} : memref<1024xf32, #tpu.memory_space<vmem>>, vector<16xf32>,
      tpu.vector_store %arg13[%swap3A_695], %bitcast3A_694 {strides = array<i32>} : memref<1024xf32, #tpu.memory_space<vmem>>, vector<16xf32>,
      %mul3A_697 = arith.constant 51200 : i32
      %mul3A_698 = vector.broadcast %mul3A_697 : i32 to vector<16xi32>
      %mul3A_699 = arith.muli %and3A_688, %mul3A_698 : vector<16xi32>
      %get3A_700 = arith.constant 480 : index
      %get3A_701 = tpu.vector_load %arg10[%get3A_700] {strides = array<i32>} : memref<1024xi32, #tpu.memory_space<vmem>>, vector<16xi32>,
      %add3A_702 = arith.addi %mul3A_699, %get3A_701 : vector<16xi32>
      %swap3A_703 = arith.constant 480 : index
      %swap3A_704 = tpu.vector_load %arg14[%swap3A_703] {strides = array<i32>} : memref<1024xi32, #tpu.memory_space<vmem>>, vector<16xi32>,
      tpu.vector_store %arg14[%swap3A_703], %add3A_702 {strides = array<i32>} : memref<1024xi32, #tpu.memory_space<vmem>>, vector<16xi32>,
      %get3A_705 = arith.constant 496 : index
      %get3A_706 = tpu.vector_load %arg12[%get3A_705] {strides = array<i32>} : memref<1024xi32, #tpu.memory_space<vmem>>, vector<16xi32>,
      %and3A_707 = arith.constant 15 : i32
      %and3A_708 = vector.broadcast %and3A_707 : i32 to vector<16xi32>
      %and3A_709 = arith.andi %get3A_706, %and3A_708 : vector<16xi32>
      %not3A_710 = arith.constant 15 : i32
      %not3A_711 = arith.constant -1 : i32
      %not3A_712 = arith.xori %not3A_710, %not3A_711 : i32
      %and3A_713 = vector.broadcast %not3A_712 : i32 to vector<16xi32>
      %and3A_714 = arith.andi %get3A_706, %and3A_713 : vector<16xi32>
      %bitcast3A_715 = vector.bitcast %and3A_714 : vector<16xi32> to vector<16xf32>
      %swap3A_716 = arith.constant 496 : index
      %swap3A_717 = tpu.vector_load %arg13[%swap3A_716] {strides = array<i32>} : memref<1024xf32, #tpu.memory_space<vmem>>, vector<16xf32>,
      tpu.vector_store %arg13[%swap3A_716], %bitcast3A_715 {strides = array<i32>} : memref<1024xf32, #tpu.memory_space<vmem>>, vector<16xf32>,
      %mul3A_718 = arith.constant 51200 : i32
      %mul3A_719 = vector.broadcast %mul3A_718 : i32 to vector<16xi32>
      %mul3A_720 = arith.muli %and3A_709, %mul3A_719 : vector<16xi32>
      %get3A_721 = arith.constant 496 : index
      %get3A_722 = tpu.vector_load %arg10[%get3A_721] {strides = array<i32>} : memref<1024xi32, #tpu.memory_space<vmem>>, vector<16xi32>,
      %add3A_723 = arith.addi %mul3A_720, %get3A_722 : vector<16xi32>
      %swap3A_724 = arith.constant 496 : index
      %swap3A_725 = tpu.vector_load %arg14[%swap3A_724] {strides = array<i32>} : memref<1024xi32, #tpu.memory_space<vmem>>, vector<16xi32>,
      tpu.vector_store %arg14[%swap3A_724], %add3A_723 {strides = array<i32>} : memref<1024xi32, #tpu.memory_space<vmem>>, vector<16xi32>,
      %get3A_726 = arith.constant 512 : index
      %get3A_727 = tpu.vector_load %arg12[%get3A_726] {strides = array<i32>} : memref<1024xi32, #tpu.memory_space<vmem>>, vector<16xi32>,
      %and3A_728 = arith.constant 15 : i32
      %and3A_729 = vector.broadcast %and3A_728 : i32 to vector<16xi32>
      %and3A_730 = arith.andi %get3A_727, %and3A_729 : vector<16xi32>
      %not3A_731 = arith.constant 15 : i32
      %not3A_732 = arith.constant -1 : i32
      %not3A_733 = arith.xori %not3A_731, %not3A_732 : i32
      %and3A_734 = vector.broadcast %not3A_733 : i32 to vector<16xi32>
      %and3A_735 = arith.andi %get3A_727, %and3A_734 : vector<16xi32>
      %bitcast3A_736 = vector.bitcast %and3A_735 : vector<16xi32> to vector<16xf32>
      %swap3A_737 = arith.constant 512 : index
      %swap3A_738 = tpu.vector_load %arg13[%swap3A_737] {strides = array<i32>} : memref<1024xf32, #tpu.memory_space<vmem>>, vector<16xf32>,
      tpu.vector_store %arg13[%swap3A_737], %bitcast3A_736 {strides = array<i32>} : memref<1024xf32, #tpu.memory_space<vmem>>, vector<16xf32>,
      %mul3A_739 = arith.constant 51200 : i32
      %mul3A_740 = vector.broadcast %mul3A_739 : i32 to vector<16xi32>
      %mul3A_741 = arith.muli %and3A_730, %mul3A_740 : vector<16xi32>
      %get3A_742 = arith.constant 512 : index
      %get3A_743 = tpu.vector_load %arg10[%get3A_742] {strides = array<i32>} : memref<1024xi32, #tpu.memory_space<vmem>>, vector<16xi32>,
      %add3A_744 = arith.addi %mul3A_741, %get3A_743 : vector<16xi32>
      %swap3A_745 = arith.constant 512 : index
      %swap3A_746 = tpu.vector_load %arg14[%swap3A_745] {strides = array<i32>} : memref<1024xi32, #tpu.memory_space<vmem>>, vector<16xi32>,
      tpu.vector_store %arg14[%swap3A_745], %add3A_744 {strides = array<i32>} : memref<1024xi32, #tpu.memory_space<vmem>>, vector<16xi32>,
      %get3A_747 = arith.constant 528 : index
      %get3A_748 = tpu.vector_load %arg12[%get3A_747] {strides = array<i32>} : memref<1024xi32, #tpu.memory_space<vmem>>, vector<16xi32>,
      %and3A_749 = arith.constant 15 : i32
      %and3A_750 = vector.broadcast %and3A_749 : i32 to vector<16xi32>
      %and3A_751 = arith.andi %get3A_748, %and3A_750 : vector<16xi32>
      %not3A_752 = arith.constant 15 : i32
      %not3A_753 = arith.constant -1 : i32
      %not3A_754 = arith.xori %not3A_752, %not3A_753 : i32
      %and3A_755 = vector.broadcast %not3A_754 : i32 to vector<16xi32>
      %and3A_756 = arith.andi %get3A_748, %and3A_755 : vector<16xi32>
      %bitcast3A_757 = vector.bitcast %and3A_756 : vector<16xi32> to vector<16xf32>
      %swap3A_758 = arith.constant 528 : index
      %swap3A_759 = tpu.vector_load %arg13[%swap3A_758] {strides = array<i32>} : memref<1024xf32, #tpu.memory_space<vmem>>, vector<16xf32>,
      tpu.vector_store %arg13[%swap3A_758], %bitcast3A_757 {strides = array<i32>} : memref<1024xf32, #tpu.memory_space<vmem>>, vector<16xf32>,
      %mul3A_760 = arith.constant 51200 : i32
      %mul3A_761 = vector.broadcast %mul3A_760 : i32 to vector<16xi32>
      %mul3A_762 = arith.muli %and3A_751, %mul3A_761 : vector<16xi32>
      %get3A_763 = arith.constant 528 : index
      %get3A_764 = tpu.vector_load %arg10[%get3A_763] {strides = array<i32>} : memref<1024xi32, #tpu.memory_space<vmem>>, vector<16xi32>,
      %add3A_765 = arith.addi %mul3A_762, %get3A_764 : vector<16xi32>
      %swap3A_766 = arith.constant 528 : index
      %swap3A_767 = tpu.vector_load %arg14[%swap3A_766] {strides = array<i32>} : memref<1024xi32, #tpu.memory_space<vmem>>, vector<16xi32>,
      tpu.vector_store %arg14[%swap3A_766], %add3A_765 {strides = array<i32>} : memref<1024xi32, #tpu.memory_space<vmem>>, vector<16xi32>,
      %get3A_768 = arith.constant 544 : index
      %get3A_769 = tpu.vector_load %arg12[%get3A_768] {strides = array<i32>} : memref<1024xi32, #tpu.memory_space<vmem>>, vector<16xi32>,
      %and3A_770 = arith.constant 15 : i32
      %and3A_771 = vector.broadcast %and3A_770 : i32 to vector<16xi32>
      %and3A_772 = arith.andi %get3A_769, %and3A_771 : vector<16xi32>
      %not3A_773 = arith.constant 15 : i32
      %not3A_774 = arith.constant -1 : i32
      %not3A_775 = arith.xori %not3A_773, %not3A_774 : i32
      %and3A_776 = vector.broadcast %not3A_775 : i32 to vector<16xi32>
      %and3A_777 = arith.andi %get3A_769, %and3A_776 : vector<16xi32>
      %bitcast3A_778 = vector.bitcast %and3A_777 : vector<16xi32> to vector<16xf32>
      %swap3A_779 = arith.constant 544 : index
      %swap3A_780 = tpu.vector_load %arg13[%swap3A_779] {strides = array<i32>} : memref<1024xf32, #tpu.memory_space<vmem>>, vector<16xf32>,
      tpu.vector_store %arg13[%swap3A_779], %bitcast3A_778 {strides = array<i32>} : memref<1024xf32, #tpu.memory_space<vmem>>, vector<16xf32>,
      %mul3A_781 = arith.constant 51200 : i32
      %mul3A_782 = vector.broadcast %mul3A_781 : i32 to vector<16xi32>
      %mul3A_783 = arith.muli %and3A_772, %mul3A_782 : vector<16xi32>
      %get3A_784 = arith.constant 544 : index
      %get3A_785 = tpu.vector_load %arg10[%get3A_784] {strides = array<i32>} : memref<1024xi32, #tpu.memory_space<vmem>>, vector<16xi32>,
      %add3A_786 = arith.addi %mul3A_783, %get3A_785 : vector<16xi32>
      %swap3A_787 = arith.constant 544 : index
      %swap3A_788 = tpu.vector_load %arg14[%swap3A_787] {strides = array<i32>} : memref<1024xi32, #tpu.memory_space<vmem>>, vector<16xi32>,
      tpu.vector_store %arg14[%swap3A_787], %add3A_786 {strides = array<i32>} : memref<1024xi32, #tpu.memory_space<vmem>>, vector<16xi32>,
      %get3A_789 = arith.constant 560 : index
      %get3A_790 = tpu.vector_load %arg12[%get3A_789] {strides = array<i32>} : memref<1024xi32, #tpu.memory_space<vmem>>, vector<16xi32>,
      %and3A_791 = arith.constant 15 : i32
      %and3A_792 = vector.broadcast %and3A_791 : i32 to vector<16xi32>
      %and3A_793 = arith.andi %get3A_790, %and3A_792 : vector<16xi32>
      %not3A_794 = arith.constant 15 : i32
      %not3A_795 = arith.constant -1 : i32
      %not3A_796 = arith.xori %not3A_794, %not3A_795 : i32
      %and3A_797 = vector.broadcast %not3A_796 : i32 to vector<16xi32>
      %and3A_798 = arith.andi %get3A_790, %and3A_797 : vector<16xi32>
      %bitcast3A_799 = vector.bitcast %and3A_798 : vector<16xi32> to vector<16xf32>
      %swap3A_800 = arith.constant 560 : index
      %swap3A_801 = tpu.vector_load %arg13[%swap3A_800] {strides = array<i32>} : memref<1024xf32, #tpu.memory_space<vmem>>, vector<16xf32>,
      tpu.vector_store %arg13[%swap3A_800], %bitcast3A_799 {strides = array<i32>} : memref<1024xf32, #tpu.memory_space<vmem>>, vector<16xf32>,
      %mul3A_802 = arith.constant 51200 : i32
      %mul3A_803 = vector.broadcast %mul3A_802 : i32 to vector<16xi32>
      %mul3A_804 = arith.muli %and3A_793, %mul3A_803 : vector<16xi32>
      %get3A_805 = arith.constant 560 : index
      %get3A_806 = tpu.vector_load %arg10[%get3A_805] {strides = array<i32>} : memref<1024xi32, #tpu.memory_space<vmem>>, vector<16xi32>,
      %add3A_807 = arith.addi %mul3A_804, %get3A_806 : vector<16xi32>
      %swap3A_808 = arith.constant 560 : index
      %swap3A_809 = tpu.vector_load %arg14[%swap3A_808] {strides = array<i32>} : memref<1024xi32, #tpu.memory_space<vmem>>, vector<16xi32>,
      tpu.vector_store %arg14[%swap3A_808], %add3A_807 {strides = array<i32>} : memref<1024xi32, #tpu.memory_space<vmem>>, vector<16xi32>,
      %get3A_810 = arith.constant 576 : index
      %get3A_811 = tpu.vector_load %arg12[%get3A_810] {strides = array<i32>} : memref<1024xi32, #tpu.memory_space<vmem>>, vector<16xi32>,
      %and3A_812 = arith.constant 15 : i32
      %and3A_813 = vector.broadcast %and3A_812 : i32 to vector<16xi32>
      %and3A_814 = arith.andi %get3A_811, %and3A_813 : vector<16xi32>
      %not3A_815 = arith.constant 15 : i32
      %not3A_816 = arith.constant -1 : i32
      %not3A_817 = arith.xori %not3A_815, %not3A_816 : i32
      %and3A_818 = vector.broadcast %not3A_817 : i32 to vector<16xi32>
      %and3A_819 = arith.andi %get3A_811, %and3A_818 : vector<16xi32>
      %bitcast3A_820 = vector.bitcast %and3A_819 : vector<16xi32> to vector<16xf32>
      %swap3A_821 = arith.constant 576 : index
      %swap3A_822 = tpu.vector_load %arg13[%swap3A_821] {strides = array<i32>} : memref<1024xf32, #tpu.memory_space<vmem>>, vector<16xf32>,
      tpu.vector_store %arg13[%swap3A_821], %bitcast3A_820 {strides = array<i32>} : memref<1024xf32, #tpu.memory_space<vmem>>, vector<16xf32>,
      %mul3A_823 = arith.constant 51200 : i32
      %mul3A_824 = vector.broadcast %mul3A_823 : i32 to vector<16xi32>
      %mul3A_825 = arith.muli %and3A_814, %mul3A_824 : vector<16xi32>
      %get3A_826 = arith.constant 576 : index
      %get3A_827 = tpu.vector_load %arg10[%get3A_826] {strides = array<i32>} : memref<1024xi32, #tpu.memory_space<vmem>>, vector<16xi32>,
      %add3A_828 = arith.addi %mul3A_825, %get3A_827 : vector<16xi32>
      %swap3A_829 = arith.constant 576 : index
      %swap3A_830 = tpu.vector_load %arg14[%swap3A_829] {strides = array<i32>} : memref<1024xi32, #tpu.memory_space<vmem>>, vector<16xi32>,
      tpu.vector_store %arg14[%swap3A_829], %add3A_828 {strides = array<i32>} : memref<1024xi32, #tpu.memory_space<vmem>>, vector<16xi32>,
      %get3A_831 = arith.constant 592 : index
      %get3A_832 = tpu.vector_load %arg12[%get3A_831] {strides = array<i32>} : memref<1024xi32, #tpu.memory_space<vmem>>, vector<16xi32>,
      %and3A_833 = arith.constant 15 : i32
      %and3A_834 = vector.broadcast %and3A_833 : i32 to vector<16xi32>
      %and3A_835 = arith.andi %get3A_832, %and3A_834 : vector<16xi32>
      %not3A_836 = arith.constant 15 : i32
      %not3A_837 = arith.constant -1 : i32
      %not3A_838 = arith.xori %not3A_836, %not3A_837 : i32
      %and3A_839 = vector.broadcast %not3A_838 : i32 to vector<16xi32>
      %and3A_840 = arith.andi %get3A_832, %and3A_839 : vector<16xi32>
      %bitcast3A_841 = vector.bitcast %and3A_840 : vector<16xi32> to vector<16xf32>
      %swap3A_842 = arith.constant 592 : index
      %swap3A_843 = tpu.vector_load %arg13[%swap3A_842] {strides = array<i32>} : memref<1024xf32, #tpu.memory_space<vmem>>, vector<16xf32>,
      tpu.vector_store %arg13[%swap3A_842], %bitcast3A_841 {strides = array<i32>} : memref<1024xf32, #tpu.memory_space<vmem>>, vector<16xf32>,
      %mul3A_844 = arith.constant 51200 : i32
      %mul3A_845 = vector.broadcast %mul3A_844 : i32 to vector<16xi32>
      %mul3A_846 = arith.muli %and3A_835, %mul3A_845 : vector<16xi32>
      %get3A_847 = arith.constant 592 : index
      %get3A_848 = tpu.vector_load %arg10[%get3A_847] {strides = array<i32>} : memref<1024xi32, #tpu.memory_space<vmem>>, vector<16xi32>,
      %add3A_849 = arith.addi %mul3A_846, %get3A_848 : vector<16xi32>
      %swap3A_850 = arith.constant 592 : index
      %swap3A_851 = tpu.vector_load %arg14[%swap3A_850] {strides = array<i32>} : memref<1024xi32, #tpu.memory_space<vmem>>, vector<16xi32>,
      tpu.vector_store %arg14[%swap3A_850], %add3A_849 {strides = array<i32>} : memref<1024xi32, #tpu.memory_space<vmem>>, vector<16xi32>,
      %get3A_852 = arith.constant 608 : index
      %get3A_853 = tpu.vector_load %arg12[%get3A_852] {strides = array<i32>} : memref<1024xi32, #tpu.memory_space<vmem>>, vector<16xi32>,
      %and3A_854 = arith.constant 15 : i32
      %and3A_855 = vector.broadcast %and3A_854 : i32 to vector<16xi32>
      %and3A_856 = arith.andi %get3A_853, %and3A_855 : vector<16xi32>
      %not3A_857 = arith.constant 15 : i32
      %not3A_858 = arith.constant -1 : i32
      %not3A_859 = arith.xori %not3A_857, %not3A_858 : i32
      %and3A_860 = vector.broadcast %not3A_859 : i32 to vector<16xi32>
      %and3A_861 = arith.andi %get3A_853, %and3A_860 : vector<16xi32>
      %bitcast3A_862 = vector.bitcast %and3A_861 : vector<16xi32> to vector<16xf32>
      %swap3A_863 = arith.constant 608 : index
      %swap3A_864 = tpu.vector_load %arg13[%swap3A_863] {strides = array<i32>} : memref<1024xf32, #tpu.memory_space<vmem>>, vector<16xf32>,
      tpu.vector_store %arg13[%swap3A_863], %bitcast3A_862 {strides = array<i32>} : memref<1024xf32, #tpu.memory_space<vmem>>, vector<16xf32>,
      %mul3A_865 = arith.constant 51200 : i32
      %mul3A_866 = vector.broadcast %mul3A_865 : i32 to vector<16xi32>
      %mul3A_867 = arith.muli %and3A_856, %mul3A_866 : vector<16xi32>
      %get3A_868 = arith.constant 608 : index
      %get3A_869 = tpu.vector_load %arg10[%get3A_868] {strides = array<i32>} : memref<1024xi32, #tpu.memory_space<vmem>>, vector<16xi32>,
      %add3A_870 = arith.addi %mul3A_867, %get3A_869 : vector<16xi32>
      %swap3A_871 = arith.constant 608 : index
      %swap3A_872 = tpu.vector_load %arg14[%swap3A_871] {strides = array<i32>} : memref<1024xi32, #tpu.memory_space<vmem>>, vector<16xi32>,
      tpu.vector_store %arg14[%swap3A_871], %add3A_870 {strides = array<i32>} : memref<1024xi32, #tpu.memory_space<vmem>>, vector<16xi32>,
      %get3A_873 = arith.constant 624 : index
      %get3A_874 = tpu.vector_load %arg12[%get3A_873] {strides = array<i32>} : memref<1024xi32, #tpu.memory_space<vmem>>, vector<16xi32>,
      %and3A_875 = arith.constant 15 : i32
      %and3A_876 = vector.broadcast %and3A_875 : i32 to vector<16xi32>
      %and3A_877 = arith.andi %get3A_874, %and3A_876 : vector<16xi32>
      %not3A_878 = arith.constant 15 : i32
      %not3A_879 = arith.constant -1 : i32
      %not3A_880 = arith.xori %not3A_878, %not3A_879 : i32
      %and3A_881 = vector.broadcast %not3A_880 : i32 to vector<16xi32>
      %and3A_882 = arith.andi %get3A_874, %and3A_881 : vector<16xi32>
      %bitcast3A_883 = vector.bitcast %and3A_882 : vector<16xi32> to vector<16xf32>
      %swap3A_884 = arith.constant 624 : index
      %swap3A_885 = tpu.vector_load %arg13[%swap3A_884] {strides = array<i32>} : memref<1024xf32, #tpu.memory_space<vmem>>, vector<16xf32>,
      tpu.vector_store %arg13[%swap3A_884], %bitcast3A_883 {strides = array<i32>} : memref<1024xf32, #tpu.memory_space<vmem>>, vector<16xf32>,
      %mul3A_886 = arith.constant 51200 : i32
      %mul3A_887 = vector.broadcast %mul3A_886 : i32 to vector<16xi32>
      %mul3A_888 = arith.muli %and3A_877, %mul3A_887 : vector<16xi32>
      %get3A_889 = arith.constant 624 : index
      %get3A_890 = tpu.vector_load %arg10[%get3A_889] {strides = array<i32>} : memref<1024xi32, #tpu.memory_space<vmem>>, vector<16xi32>,
      %add3A_891 = arith.addi %mul3A_888, %get3A_890 : vector<16xi32>
      %swap3A_892 = arith.constant 624 : index
      %swap3A_893 = tpu.vector_load %arg14[%swap3A_892] {strides = array<i32>} : memref<1024xi32, #tpu.memory_space<vmem>>, vector<16xi32>,
      tpu.vector_store %arg14[%swap3A_892], %add3A_891 {strides = array<i32>} : memref<1024xi32, #tpu.memory_space<vmem>>, vector<16xi32>,
      %get3A_894 = arith.constant 640 : index
      %get3A_895 = tpu.vector_load %arg12[%get3A_894] {strides = array<i32>} : memref<1024xi32, #tpu.memory_space<vmem>>, vector<16xi32>,
      %and3A_896 = arith.constant 15 : i32
      %and3A_897 = vector.broadcast %and3A_896 : i32 to vector<16xi32>
      %and3A_898 = arith.andi %get3A_895, %and3A_897 : vector<16xi32>
      %not3A_899 = arith.constant 15 : i32
      %not3A_900 = arith.constant -1 : i32
      %not3A_901 = arith.xori %not3A_899, %not3A_900 : i32
      %and3A_902 = vector.broadcast %not3A_901 : i32 to vector<16xi32>
      %and3A_903 = arith.andi %get3A_895, %and3A_902 : vector<16xi32>
      %bitcast3A_904 = vector.bitcast %and3A_903 : vector<16xi32> to vector<16xf32>
      %swap3A_905 = arith.constant 640 : index
      %swap3A_906 = tpu.vector_load %arg13[%swap3A_905] {strides = array<i32>} : memref<1024xf32, #tpu.memory_space<vmem>>, vector<16xf32>,
      tpu.vector_store %arg13[%swap3A_905], %bitcast3A_904 {strides = array<i32>} : memref<1024xf32, #tpu.memory_space<vmem>>, vector<16xf32>,
      %mul3A_907 = arith.constant 51200 : i32
      %mul3A_908 = vector.broadcast %mul3A_907 : i32 to vector<16xi32>
      %mul3A_909 = arith.muli %and3A_898, %mul3A_908 : vector<16xi32>
      %get3A_910 = arith.constant 640 : index
      %get3A_911 = tpu.vector_load %arg10[%get3A_910] {strides = array<i32>} : memref<1024xi32, #tpu.memory_space<vmem>>, vector<16xi32>,
      %add3A_912 = arith.addi %mul3A_909, %get3A_911 : vector<16xi32>
      %swap3A_913 = arith.constant 640 : index
      %swap3A_914 = tpu.vector_load %arg14[%swap3A_913] {strides = array<i32>} : memref<1024xi32, #tpu.memory_space<vmem>>, vector<16xi32>,
      tpu.vector_store %arg14[%swap3A_913], %add3A_912 {strides = array<i32>} : memref<1024xi32, #tpu.memory_space<vmem>>, vector<16xi32>,
      %get3A_915 = arith.constant 656 : index
      %get3A_916 = tpu.vector_load %arg12[%get3A_915] {strides = array<i32>} : memref<1024xi32, #tpu.memory_space<vmem>>, vector<16xi32>,
      %and3A_917 = arith.constant 15 : i32
      %and3A_918 = vector.broadcast %and3A_917 : i32 to vector<16xi32>
      %and3A_919 = arith.andi %get3A_916, %and3A_918 : vector<16xi32>
      %not3A_920 = arith.constant 15 : i32
      %not3A_921 = arith.constant -1 : i32
      %not3A_922 = arith.xori %not3A_920, %not3A_921 : i32
      %and3A_923 = vector.broadcast %not3A_922 : i32 to vector<16xi32>
      %and3A_924 = arith.andi %get3A_916, %and3A_923 : vector<16xi32>
      %bitcast3A_925 = vector.bitcast %and3A_924 : vector<16xi32> to vector<16xf32>
      %swap3A_926 = arith.constant 656 : index
      %swap3A_927 = tpu.vector_load %arg13[%swap3A_926] {strides = array<i32>} : memref<1024xf32, #tpu.memory_space<vmem>>, vector<16xf32>,
      tpu.vector_store %arg13[%swap3A_926], %bitcast3A_925 {strides = array<i32>} : memref<1024xf32, #tpu.memory_space<vmem>>, vector<16xf32>,
      %mul3A_928 = arith.constant 51200 : i32
      %mul3A_929 = vector.broadcast %mul3A_928 : i32 to vector<16xi32>
      %mul3A_930 = arith.muli %and3A_919, %mul3A_929 : vector<16xi32>
      %get3A_931 = arith.constant 656 : index
      %get3A_932 = tpu.vector_load %arg10[%get3A_931] {strides = array<i32>} : memref<1024xi32, #tpu.memory_space<vmem>>, vector<16xi32>,
      %add3A_933 = arith.addi %mul3A_930, %get3A_932 : vector<16xi32>
      %swap3A_934 = arith.constant 656 : index
      %swap3A_935 = tpu.vector_load %arg14[%swap3A_934] {strides = array<i32>} : memref<1024xi32, #tpu.memory_space<vmem>>, vector<16xi32>,
      tpu.vector_store %arg14[%swap3A_934], %add3A_933 {strides = array<i32>} : memref<1024xi32, #tpu.memory_space<vmem>>, vector<16xi32>,
      %get3A_936 = arith.constant 672 : index
      %get3A_937 = tpu.vector_load %arg12[%get3A_936] {strides = array<i32>} : memref<1024xi32, #tpu.memory_space<vmem>>, vector<16xi32>,
      %and3A_938 = arith.constant 15 : i32
      %and3A_939 = vector.broadcast %and3A_938 : i32 to vector<16xi32>
      %and3A_940 = arith.andi %get3A_937, %and3A_939 : vector<16xi32>
      %not3A_941 = arith.constant 15 : i32
      %not3A_942 = arith.constant -1 : i32
      %not3A_943 = arith.xori %not3A_941, %not3A_942 : i32
      %and3A_944 = vector.broadcast %not3A_943 : i32 to vector<16xi32>
      %and3A_945 = arith.andi %get3A_937, %and3A_944 : vector<16xi32>
      %bitcast3A_946 = vector.bitcast %and3A_945 : vector<16xi32> to vector<16xf32>
      %swap3A_947 = arith.constant 672 : index
      %swap3A_948 = tpu.vector_load %arg13[%swap3A_947] {strides = array<i32>} : memref<1024xf32, #tpu.memory_space<vmem>>, vector<16xf32>,
      tpu.vector_store %arg13[%swap3A_947], %bitcast3A_946 {strides = array<i32>} : memref<1024xf32, #tpu.memory_space<vmem>>, vector<16xf32>,
      %mul3A_949 = arith.constant 51200 : i32
      %mul3A_950 = vector.broadcast %mul3A_949 : i32 to vector<16xi32>
      %mul3A_951 = arith.muli %and3A_940, %mul3A_950 : vector<16xi32>
      %get3A_952 = arith.constant 672 : index
      %get3A_953 = tpu.vector_load %arg10[%get3A_952] {strides = array<i32>} : memref<1024xi32, #tpu.memory_space<vmem>>, vector<16xi32>,
      %add3A_954 = arith.addi %mul3A_951, %get3A_953 : vector<16xi32>
      %swap3A_955 = arith.constant 672 : index
      %swap3A_956 = tpu.vector_load %arg14[%swap3A_955] {strides = array<i32>} : memref<1024xi32, #tpu.memory_space<vmem>>, vector<16xi32>,
      tpu.vector_store %arg14[%swap3A_955], %add3A_954 {strides = array<i32>} : memref<1024xi32, #tpu.memory_space<vmem>>, vector<16xi32>,
      %get3A_957 = arith.constant 688 : index
      %get3A_958 = tpu.vector_load %arg12[%get3A_957] {strides = array<i32>} : memref<1024xi32, #tpu.memory_space<vmem>>, vector<16xi32>,
      %and3A_959 = arith.constant 15 : i32
      %and3A_960 = vector.broadcast %and3A_959 : i32 to vector<16xi32>
      %and3A_961 = arith.andi %get3A_958, %and3A_960 : vector<16xi32>
      %not3A_962 = arith.constant 15 : i32
      %not3A_963 = arith.constant -1 : i32
      %not3A_964 = arith.xori %not3A_962, %not3A_963 : i32
      %and3A_965 = vector.broadcast %not3A_964 : i32 to vector<16xi32>
      %and3A_966 = arith.andi %get3A_958, %and3A_965 : vector<16xi32>
      %bitcast3A_967 = vector.bitcast %and3A_966 : vector<16xi32> to vector<16xf32>
      %swap3A_968 = arith.constant 688 : index
      %swap3A_969 = tpu.vector_load %arg13[%swap3A_968] {strides = array<i32>} : memref<1024xf32, #tpu.memory_space<vmem>>, vector<16xf32>,
      tpu.vector_store %arg13[%swap3A_968], %bitcast3A_967 {strides = array<i32>} : memref<1024xf32, #tpu.memory_space<vmem>>, vector<16xf32>,
      %mul3A_970 = arith.constant 51200 : i32
      %mul3A_971 = vector.broadcast %mul3A_970 : i32 to vector<16xi32>
      %mul3A_972 = arith.muli %and3A_961, %mul3A_971 : vector<16xi32>
      %get3A_973 = arith.constant 688 : index
      %get3A_974 = tpu.vector_load %arg10[%get3A_973] {strides = array<i32>} : memref<1024xi32, #tpu.memory_space<vmem>>, vector<16xi32>,
      %add3A_975 = arith.addi %mul3A_972, %get3A_974 : vector<16xi32>
      %swap3A_976 = arith.constant 688 : index
      %swap3A_977 = tpu.vector_load %arg14[%swap3A_976] {strides = array<i32>} : memref<1024xi32, #tpu.memory_space<vmem>>, vector<16xi32>,
      tpu.vector_store %arg14[%swap3A_976], %add3A_975 {strides = array<i32>} : memref<1024xi32, #tpu.memory_space<vmem>>, vector<16xi32>,
      %get3A_978 = arith.constant 704 : index
      %get3A_979 = tpu.vector_load %arg12[%get3A_978] {strides = array<i32>} : memref<1024xi32, #tpu.memory_space<vmem>>, vector<16xi32>,
      %and3A_980 = arith.constant 15 : i32
      %and3A_981 = vector.broadcast %and3A_980 : i32 to vector<16xi32>
      %and3A_982 = arith.andi %get3A_979, %and3A_981 : vector<16xi32>
      %not3A_983 = arith.constant 15 : i32
      %not3A_984 = arith.constant -1 : i32
      %not3A_985 = arith.xori %not3A_983, %not3A_984 : i32
      %and3A_986 = vector.broadcast %not3A_985 : i32 to vector<16xi32>
      %and3A_987 = arith.andi %get3A_979, %and3A_986 : vector<16xi32>
      %bitcast3A_988 = vector.bitcast %and3A_987 : vector<16xi32> to vector<16xf32>
      %swap3A_989 = arith.constant 704 : index
      %swap3A_990 = tpu.vector_load %arg13[%swap3A_989] {strides = array<i32>} : memref<1024xf32, #tpu.memory_space<vmem>>, vector<16xf32>,
      tpu.vector_store %arg13[%swap3A_989], %bitcast3A_988 {strides = array<i32>} : memref<1024xf32, #tpu.memory_space<vmem>>, vector<16xf32>,
      %mul3A_991 = arith.constant 51200 : i32
      %mul3A_992 = vector.broadcast %mul3A_991 : i32 to vector<16xi32>
      %mul3A_993 = arith.muli %and3A_982, %mul3A_992 : vector<16xi32>
      %get3A_994 = arith.constant 704 : index
      %get3A_995 = tpu.vector_load %arg10[%get3A_994] {strides = array<i32>} : memref<1024xi32, #tpu.memory_space<vmem>>, vector<16xi32>,
      %add3A_996 = arith.addi %mul3A_993, %get3A_995 : vector<16xi32>
      %swap3A_997 = arith.constant 704 : index
      %swap3A_998 = tpu.vector_load %arg14[%swap3A_997] {strides = array<i32>} : memref<1024xi32, #tpu.memory_space<vmem>>, vector<16xi32>,
      tpu.vector_store %arg14[%swap3A_997], %add3A_996 {strides = array<i32>} : memref<1024xi32, #tpu.memory_space<vmem>>, vector<16xi32>,
      %get3A_999 = arith.constant 720 : index
      %get3A_1000 = tpu.vector_load %arg12[%get3A_999] {strides = array<i32>} : memref<1024xi32, #tpu.memory_space<vmem>>, vector<16xi32>,
      %and3A_1001 = arith.constant 15 : i32
      %and3A_1002 = vector.broadcast %and3A_1001 : i32 to vector<16xi32>
      %and3A_1003 = arith.andi %get3A_1000, %and3A_1002 : vector<16xi32>
      %not3A_1004 = arith.constant 15 : i32
      %not3A_1005 = arith.constant -1 : i32
      %not3A_1006 = arith.xori %not3A_1004, %not3A_1005 : i32
      %and3A_1007 = vector.broadcast %not3A_1006 : i32 to vector<16xi32>
      %and3A_1008 = arith.andi %get3A_1000, %and3A_1007 : vector<16xi32>
      %bitcast3A_1009 = vector.bitcast %and3A_1008 : vector<16xi32> to vector<16xf32>
      %swap3A_1010 = arith.constant 720 : index
      %swap3A_1011 = tpu.vector_load %arg13[%swap3A_1010] {strides = array<i32>} : memref<1024xf32, #tpu.memory_space<vmem>>, vector<16xf32>,
      tpu.vector_store %arg13[%swap3A_1010], %bitcast3A_1009 {strides = array<i32>} : memref<1024xf32, #tpu.memory_space<vmem>>, vector<16xf32>,
      %mul3A_1012 = arith.constant 51200 : i32
      %mul3A_1013 = vector.broadcast %mul3A_1012 : i32 to vector<16xi32>
      %mul3A_1014 = arith.muli %and3A_1003, %mul3A_1013 : vector<16xi32>
      %get3A_1015 = arith.constant 720 : index
      %get3A_1016 = tpu.vector_load %arg10[%get3A_1015] {strides = array<i32>} : memref<1024xi32, #tpu.memory_space<vmem>>, vector<16xi32>,
      %add3A_1017 = arith.addi %mul3A_1014, %get3A_1016 : vector<16xi32>
      %swap3A_1018 = arith.constant 720 : index
      %swap3A_1019 = tpu.vector_load %arg14[%swap3A_1018] {strides = array<i32>} : memref<1024xi32, #tpu.memory_space<vmem>>, vector<16xi32>,
      tpu.vector_store %arg14[%swap3A_1018], %add3A_1017 {strides = array<i32>} : memref<1024xi32, #tpu.memory_space<vmem>>, vector<16xi32>,
      %get3A_1020 = arith.constant 736 : index
      %get3A_1021 = tpu.vector_load %arg12[%get3A_1020] {strides = array<i32>} : memref<1024xi32, #tpu.memory_space<vmem>>, vector<16xi32>,
      %and3A_1022 = arith.constant 15 : i32
      %and3A_1023 = vector.broadcast %and3A_1022 : i32 to vector<16xi32>
      %and3A_1024 = arith.andi %get3A_1021, %and3A_1023 : vector<16xi32>
      %not3A_1025 = arith.constant 15 : i32
      %not3A_1026 = arith.constant -1 : i32
      %not3A_1027 = arith.xori %not3A_1025, %not3A_1026 : i32
      %and3A_1028 = vector.broadcast %not3A_1027 : i32 to vector<16xi32>
      %and3A_1029 = arith.andi %get3A_1021, %and3A_1028 : vector<16xi32>
      %bitcast3A_1030 = vector.bitcast %and3A_1029 : vector<16xi32> to vector<16xf32>
      %swap3A_1031 = arith.constant 736 : index
      %swap3A_1032 = tpu.vector_load %arg13[%swap3A_1031] {strides = array<i32>} : memref<1024xf32, #tpu.memory_space<vmem>>, vector<16xf32>,
      tpu.vector_store %arg13[%swap3A_1031], %bitcast3A_1030 {strides = array<i32>} : memref<1024xf32, #tpu.memory_space<vmem>>, vector<16xf32>,
      %mul3A_1033 = arith.constant 51200 : i32
      %mul3A_1034 = vector.broadcast %mul3A_1033 : i32 to vector<16xi32>
      %mul3A_1035 = arith.muli %and3A_1024, %mul3A_1034 : vector<16xi32>
      %get3A_1036 = arith.constant 736 : index
      %get3A_1037 = tpu.vector_load %arg10[%get3A_1036] {strides = array<i32>} : memref<1024xi32, #tpu.memory_space<vmem>>, vector<16xi32>,
      %add3A_1038 = arith.addi %mul3A_1035, %get3A_1037 : vector<16xi32>
      %swap3A_1039 = arith.constant 736 : index
      %swap3A_1040 = tpu.vector_load %arg14[%swap3A_1039] {strides = array<i32>} : memref<1024xi32, #tpu.memory_space<vmem>>, vector<16xi32>,
      tpu.vector_store %arg14[%swap3A_1039], %add3A_1038 {strides = array<i32>} : memref<1024xi32, #tpu.memory_space<vmem>>, vector<16xi32>,
      %get3A_1041 = arith.constant 752 : index
      %get3A_1042 = tpu.vector_load %arg12[%get3A_1041] {strides = array<i32>} : memref<1024xi32, #tpu.memory_space<vmem>>, vector<16xi32>,
      %and3A_1043 = arith.constant 15 : i32
      %and3A_1044 = vector.broadcast %and3A_1043 : i32 to vector<16xi32>
      %and3A_1045 = arith.andi %get3A_1042, %and3A_1044 : vector<16xi32>
      %not3A_1046 = arith.constant 15 : i32
      %not3A_1047 = arith.constant -1 : i32
      %not3A_1048 = arith.xori %not3A_1046, %not3A_1047 : i32
      %and3A_1049 = vector.broadcast %not3A_1048 : i32 to vector<16xi32>
      %and3A_1050 = arith.andi %get3A_1042, %and3A_1049 : vector<16xi32>
      %bitcast3A_1051 = vector.bitcast %and3A_1050 : vector<16xi32> to vector<16xf32>
      %swap3A_1052 = arith.constant 752 : index
      %swap3A_1053 = tpu.vector_load %arg13[%swap3A_1052] {strides = array<i32>} : memref<1024xf32, #tpu.memory_space<vmem>>, vector<16xf32>,
      tpu.vector_store %arg13[%swap3A_1052], %bitcast3A_1051 {strides = array<i32>} : memref<1024xf32, #tpu.memory_space<vmem>>, vector<16xf32>,
      %mul3A_1054 = arith.constant 51200 : i32
      %mul3A_1055 = vector.broadcast %mul3A_1054 : i32 to vector<16xi32>
      %mul3A_1056 = arith.muli %and3A_1045, %mul3A_1055 : vector<16xi32>
      %get3A_1057 = arith.constant 752 : index
      %get3A_1058 = tpu.vector_load %arg10[%get3A_1057] {strides = array<i32>} : memref<1024xi32, #tpu.memory_space<vmem>>, vector<16xi32>,
      %add3A_1059 = arith.addi %mul3A_1056, %get3A_1058 : vector<16xi32>
      %swap3A_1060 = arith.constant 752 : index
      %swap3A_1061 = tpu.vector_load %arg14[%swap3A_1060] {strides = array<i32>} : memref<1024xi32, #tpu.memory_space<vmem>>, vector<16xi32>,
      tpu.vector_store %arg14[%swap3A_1060], %add3A_1059 {strides = array<i32>} : memref<1024xi32, #tpu.memory_space<vmem>>, vector<16xi32>,
      %get3A_1062 = arith.constant 768 : index
      %get3A_1063 = tpu.vector_load %arg12[%get3A_1062] {strides = array<i32>} : memref<1024xi32, #tpu.memory_space<vmem>>, vector<16xi32>,
      %and3A_1064 = arith.constant 15 : i32
      %and3A_1065 = vector.broadcast %and3A_1064 : i32 to vector<16xi32>
      %and3A_1066 = arith.andi %get3A_1063, %and3A_1065 : vector<16xi32>
      %not3A_1067 = arith.constant 15 : i32
      %not3A_1068 = arith.constant -1 : i32
      %not3A_1069 = arith.xori %not3A_1067, %not3A_1068 : i32
      %and3A_1070 = vector.broadcast %not3A_1069 : i32 to vector<16xi32>
      %and3A_1071 = arith.andi %get3A_1063, %and3A_1070 : vector<16xi32>
      %bitcast3A_1072 = vector.bitcast %and3A_1071 : vector<16xi32> to vector<16xf32>
      %swap3A_1073 = arith.constant 768 : index
      %swap3A_1074 = tpu.vector_load %arg13[%swap3A_1073] {strides = array<i32>} : memref<1024xf32, #tpu.memory_space<vmem>>, vector<16xf32>,
      tpu.vector_store %arg13[%swap3A_1073], %bitcast3A_1072 {strides = array<i32>} : memref<1024xf32, #tpu.memory_space<vmem>>, vector<16xf32>,
      %mul3A_1075 = arith.constant 51200 : i32
      %mul3A_1076 = vector.broadcast %mul3A_1075 : i32 to vector<16xi32>
      %mul3A_1077 = arith.muli %and3A_1066, %mul3A_1076 : vector<16xi32>
      %get3A_1078 = arith.constant 768 : index
      %get3A_1079 = tpu.vector_load %arg10[%get3A_1078] {strides = array<i32>} : memref<1024xi32, #tpu.memory_space<vmem>>, vector<16xi32>,
      %add3A_1080 = arith.addi %mul3A_1077, %get3A_1079 : vector<16xi32>
      %swap3A_1081 = arith.constant 768 : index
      %swap3A_1082 = tpu.vector_load %arg14[%swap3A_1081] {strides = array<i32>} : memref<1024xi32, #tpu.memory_space<vmem>>, vector<16xi32>,
      tpu.vector_store %arg14[%swap3A_1081], %add3A_1080 {strides = array<i32>} : memref<1024xi32, #tpu.memory_space<vmem>>, vector<16xi32>,
      %get3A_1083 = arith.constant 784 : index
      %get3A_1084 = tpu.vector_load %arg12[%get3A_1083] {strides = array<i32>} : memref<1024xi32, #tpu.memory_space<vmem>>, vector<16xi32>,
      %and3A_1085 = arith.constant 15 : i32
      %and3A_1086 = vector.broadcast %and3A_1085 : i32 to vector<16xi32>
      %and3A_1087 = arith.andi %get3A_1084, %and3A_1086 : vector<16xi32>
      %not3A_1088 = arith.constant 15 : i32
      %not3A_1089 = arith.constant -1 : i32
      %not3A_1090 = arith.xori %not3A_1088, %not3A_1089 : i32
      %and3A_1091 = vector.broadcast %not3A_1090 : i32 to vector<16xi32>
      %and3A_1092 = arith.andi %get3A_1084, %and3A_1091 : vector<16xi32>
      %bitcast3A_1093 = vector.bitcast %and3A_1092 : vector<16xi32> to vector<16xf32>
      %swap3A_1094 = arith.constant 784 : index
      %swap3A_1095 = tpu.vector_load %arg13[%swap3A_1094] {strides = array<i32>} : memref<1024xf32, #tpu.memory_space<vmem>>, vector<16xf32>,
      tpu.vector_store %arg13[%swap3A_1094], %bitcast3A_1093 {strides = array<i32>} : memref<1024xf32, #tpu.memory_space<vmem>>, vector<16xf32>,
      %mul3A_1096 = arith.constant 51200 : i32
      %mul3A_1097 = vector.broadcast %mul3A_1096 : i32 to vector<16xi32>
      %mul3A_1098 = arith.muli %and3A_1087, %mul3A_1097 : vector<16xi32>
      %get3A_1099 = arith.constant 784 : index
      %get3A_1100 = tpu.vector_load %arg10[%get3A_1099] {strides = array<i32>} : memref<1024xi32, #tpu.memory_space<vmem>>, vector<16xi32>,
      %add3A_1101 = arith.addi %mul3A_1098, %get3A_1100 : vector<16xi32>
      %swap3A_1102 = arith.constant 784 : index
      %swap3A_1103 = tpu.vector_load %arg14[%swap3A_1102] {strides = array<i32>} : memref<1024xi32, #tpu.memory_space<vmem>>, vector<16xi32>,
      tpu.vector_store %arg14[%swap3A_1102], %add3A_1101 {strides = array<i32>} : memref<1024xi32, #tpu.memory_space<vmem>>, vector<16xi32>,
      %get3A_1104 = arith.constant 800 : index
      %get3A_1105 = tpu.vector_load %arg12[%get3A_1104] {strides = array<i32>} : memref<1024xi32, #tpu.memory_space<vmem>>, vector<16xi32>,
      %and3A_1106 = arith.constant 15 : i32
      %and3A_1107 = vector.broadcast %and3A_1106 : i32 to vector<16xi32>
      %and3A_1108 = arith.andi %get3A_1105, %and3A_1107 : vector<16xi32>
      %not3A_1109 = arith.constant 15 : i32
      %not3A_1110 = arith.constant -1 : i32
      %not3A_1111 = arith.xori %not3A_1109, %not3A_1110 : i32
      %and3A_1112 = vector.broadcast %not3A_1111 : i32 to vector<16xi32>
      %and3A_1113 = arith.andi %get3A_1105, %and3A_1112 : vector<16xi32>
      %bitcast3A_1114 = vector.bitcast %and3A_1113 : vector<16xi32> to vector<16xf32>
      %swap3A_1115 = arith.constant 800 : index
      %swap3A_1116 = tpu.vector_load %arg13[%swap3A_1115] {strides = array<i32>} : memref<1024xf32, #tpu.memory_space<vmem>>, vector<16xf32>,
      tpu.vector_store %arg13[%swap3A_1115], %bitcast3A_1114 {strides = array<i32>} : memref<1024xf32, #tpu.memory_space<vmem>>, vector<16xf32>,
      %mul3A_1117 = arith.constant 51200 : i32
      %mul3A_1118 = vector.broadcast %mul3A_1117 : i32 to vector<16xi32>
      %mul3A_1119 = arith.muli %and3A_1108, %mul3A_1118 : vector<16xi32>
      %get3A_1120 = arith.constant 800 : index
      %get3A_1121 = tpu.vector_load %arg10[%get3A_1120] {strides = array<i32>} : memref<1024xi32, #tpu.memory_space<vmem>>, vector<16xi32>,
      %add3A_1122 = arith.addi %mul3A_1119, %get3A_1121 : vector<16xi32>
      %swap3A_1123 = arith.constant 800 : index
      %swap3A_1124 = tpu.vector_load %arg14[%swap3A_1123] {strides = array<i32>} : memref<1024xi32, #tpu.memory_space<vmem>>, vector<16xi32>,
      tpu.vector_store %arg14[%swap3A_1123], %add3A_1122 {strides = array<i32>} : memref<1024xi32, #tpu.memory_space<vmem>>, vector<16xi32>,
      %get3A_1125 = arith.constant 816 : index
      %get3A_1126 = tpu.vector_load %arg12[%get3A_1125] {strides = array<i32>} : memref<1024xi32, #tpu.memory_space<vmem>>, vector<16xi32>,
      %and3A_1127 = arith.constant 15 : i32
      %and3A_1128 = vector.broadcast %and3A_1127 : i32 to vector<16xi32>
      %and3A_1129 = arith.andi %get3A_1126, %and3A_1128 : vector<16xi32>
      %not3A_1130 = arith.constant 15 : i32
      %not3A_1131 = arith.constant -1 : i32
      %not3A_1132 = arith.xori %not3A_1130, %not3A_1131 : i32
      %and3A_1133 = vector.broadcast %not3A_1132 : i32 to vector<16xi32>
      %and3A_1134 = arith.andi %get3A_1126, %and3A_1133 : vector<16xi32>
      %bitcast3A_1135 = vector.bitcast %and3A_1134 : vector<16xi32> to vector<16xf32>
      %swap3A_1136 = arith.constant 816 : index
      %swap3A_1137 = tpu.vector_load %arg13[%swap3A_1136] {strides = array<i32>} : memref<1024xf32, #tpu.memory_space<vmem>>, vector<16xf32>,
      tpu.vector_store %arg13[%swap3A_1136], %bitcast3A_1135 {strides = array<i32>} : memref<1024xf32, #tpu.memory_space<vmem>>, vector<16xf32>,
      %mul3A_1138 = arith.constant 51200 : i32
      %mul3A_1139 = vector.broadcast %mul3A_1138 : i32 to vector<16xi32>
      %mul3A_1140 = arith.muli %and3A_1129, %mul3A_1139 : vector<16xi32>
      %get3A_1141 = arith.constant 816 : index
      %get3A_1142 = tpu.vector_load %arg10[%get3A_1141] {strides = array<i32>} : memref<1024xi32, #tpu.memory_space<vmem>>, vector<16xi32>,
      %add3A_1143 = arith.addi %mul3A_1140, %get3A_1142 : vector<16xi32>
      %swap3A_1144 = arith.constant 816 : index
      %swap3A_1145 = tpu.vector_load %arg14[%swap3A_1144] {strides = array<i32>} : memref<1024xi32, #tpu.memory_space<vmem>>, vector<16xi32>,
      tpu.vector_store %arg14[%swap3A_1144], %add3A_1143 {strides = array<i32>} : memref<1024xi32, #tpu.memory_space<vmem>>, vector<16xi32>,
      %get3A_1146 = arith.constant 832 : index
      %get3A_1147 = tpu.vector_load %arg12[%get3A_1146] {strides = array<i32>} : memref<1024xi32, #tpu.memory_space<vmem>>, vector<16xi32>,
      %and3A_1148 = arith.constant 15 : i32
      %and3A_1149 = vector.broadcast %and3A_1148 : i32 to vector<16xi32>
      %and3A_1150 = arith.andi %get3A_1147, %and3A_1149 : vector<16xi32>
      %not3A_1151 = arith.constant 15 : i32
      %not3A_1152 = arith.constant -1 : i32
      %not3A_1153 = arith.xori %not3A_1151, %not3A_1152 : i32
      %and3A_1154 = vector.broadcast %not3A_1153 : i32 to vector<16xi32>
      %and3A_1155 = arith.andi %get3A_1147, %and3A_1154 : vector<16xi32>
      %bitcast3A_1156 = vector.bitcast %and3A_1155 : vector<16xi32> to vector<16xf32>
      %swap3A_1157 = arith.constant 832 : index
      %swap3A_1158 = tpu.vector_load %arg13[%swap3A_1157] {strides = array<i32>} : memref<1024xf32, #tpu.memory_space<vmem>>, vector<16xf32>,
      tpu.vector_store %arg13[%swap3A_1157], %bitcast3A_1156 {strides = array<i32>} : memref<1024xf32, #tpu.memory_space<vmem>>, vector<16xf32>,
      %mul3A_1159 = arith.constant 51200 : i32
      %mul3A_1160 = vector.broadcast %mul3A_1159 : i32 to vector<16xi32>
      %mul3A_1161 = arith.muli %and3A_1150, %mul3A_1160 : vector<16xi32>
      %get3A_1162 = arith.constant 832 : index
      %get3A_1163 = tpu.vector_load %arg10[%get3A_1162] {strides = array<i32>} : memref<1024xi32, #tpu.memory_space<vmem>>, vector<16xi32>,
      %add3A_1164 = arith.addi %mul3A_1161, %get3A_1163 : vector<16xi32>
      %swap3A_1165 = arith.constant 832 : index
      %swap3A_1166 = tpu.vector_load %arg14[%swap3A_1165] {strides = array<i32>} : memref<1024xi32, #tpu.memory_space<vmem>>, vector<16xi32>,
      tpu.vector_store %arg14[%swap3A_1165], %add3A_1164 {strides = array<i32>} : memref<1024xi32, #tpu.memory_space<vmem>>, vector<16xi32>,
      %get3A_1167 = arith.constant 848 : index
      %get3A_1168 = tpu.vector_load %arg12[%get3A_1167] {strides = array<i32>} : memref<1024xi32, #tpu.memory_space<vmem>>, vector<16xi32>,
      %and3A_1169 = arith.constant 15 : i32
      %and3A_1170 = vector.broadcast %and3A_1169 : i32 to vector<16xi32>
      %and3A_1171 = arith.andi %get3A_1168, %and3A_1170 : vector<16xi32>
      %not3A_1172 = arith.constant 15 : i32
      %not3A_1173 = arith.constant -1 : i32
      %not3A_1174 = arith.xori %not3A_1172, %not3A_1173 : i32
      %and3A_1175 = vector.broadcast %not3A_1174 : i32 to vector<16xi32>
      %and3A_1176 = arith.andi %get3A_1168, %and3A_1175 : vector<16xi32>
      %bitcast3A_1177 = vector.bitcast %and3A_1176 : vector<16xi32> to vector<16xf32>
      %swap3A_1178 = arith.constant 848 : index
      %swap3A_1179 = tpu.vector_load %arg13[%swap3A_1178] {strides = array<i32>} : memref<1024xf32, #tpu.memory_space<vmem>>, vector<16xf32>,
      tpu.vector_store %arg13[%swap3A_1178], %bitcast3A_1177 {strides = array<i32>} : memref<1024xf32, #tpu.memory_space<vmem>>, vector<16xf32>,
      %mul3A_1180 = arith.constant 51200 : i32
      %mul3A_1181 = vector.broadcast %mul3A_1180 : i32 to vector<16xi32>
      %mul3A_1182 = arith.muli %and3A_1171, %mul3A_1181 : vector<16xi32>
      %get3A_1183 = arith.constant 848 : index
      %get3A_1184 = tpu.vector_load %arg10[%get3A_1183] {strides = array<i32>} : memref<1024xi32, #tpu.memory_space<vmem>>, vector<16xi32>,
      %add3A_1185 = arith.addi %mul3A_1182, %get3A_1184 : vector<16xi32>
      %swap3A_1186 = arith.constant 848 : index
      %swap3A_1187 = tpu.vector_load %arg14[%swap3A_1186] {strides = array<i32>} : memref<1024xi32, #tpu.memory_space<vmem>>, vector<16xi32>,
      tpu.vector_store %arg14[%swap3A_1186], %add3A_1185 {strides = array<i32>} : memref<1024xi32, #tpu.memory_space<vmem>>, vector<16xi32>,
      %get3A_1188 = arith.constant 864 : index
      %get3A_1189 = tpu.vector_load %arg12[%get3A_1188] {strides = array<i32>} : memref<1024xi32, #tpu.memory_space<vmem>>, vector<16xi32>,
      %and3A_1190 = arith.constant 15 : i32
      %and3A_1191 = vector.broadcast %and3A_1190 : i32 to vector<16xi32>
      %and3A_1192 = arith.andi %get3A_1189, %and3A_1191 : vector<16xi32>
      %not3A_1193 = arith.constant 15 : i32
      %not3A_1194 = arith.constant -1 : i32
      %not3A_1195 = arith.xori %not3A_1193, %not3A_1194 : i32
      %and3A_1196 = vector.broadcast %not3A_1195 : i32 to vector<16xi32>
      %and3A_1197 = arith.andi %get3A_1189, %and3A_1196 : vector<16xi32>
      %bitcast3A_1198 = vector.bitcast %and3A_1197 : vector<16xi32> to vector<16xf32>
      %swap3A_1199 = arith.constant 864 : index
      %swap3A_1200 = tpu.vector_load %arg13[%swap3A_1199] {strides = array<i32>} : memref<1024xf32, #tpu.memory_space<vmem>>, vector<16xf32>,
      tpu.vector_store %arg13[%swap3A_1199], %bitcast3A_1198 {strides = array<i32>} : memref<1024xf32, #tpu.memory_space<vmem>>, vector<16xf32>,
      %mul3A_1201 = arith.constant 51200 : i32
      %mul3A_1202 = vector.broadcast %mul3A_1201 : i32 to vector<16xi32>
      %mul3A_1203 = arith.muli %and3A_1192, %mul3A_1202 : vector<16xi32>
      %get3A_1204 = arith.constant 864 : index
      %get3A_1205 = tpu.vector_load %arg10[%get3A_1204] {strides = array<i32>} : memref<1024xi32, #tpu.memory_space<vmem>>, vector<16xi32>,
      %add3A_1206 = arith.addi %mul3A_1203, %get3A_1205 : vector<16xi32>
      %swap3A_1207 = arith.constant 864 : index
      %swap3A_1208 = tpu.vector_load %arg14[%swap3A_1207] {strides = array<i32>} : memref<1024xi32, #tpu.memory_space<vmem>>, vector<16xi32>,
      tpu.vector_store %arg14[%swap3A_1207], %add3A_1206 {strides = array<i32>} : memref<1024xi32, #tpu.memory_space<vmem>>, vector<16xi32>,
      %get3A_1209 = arith.constant 880 : index
      %get3A_1210 = tpu.vector_load %arg12[%get3A_1209] {strides = array<i32>} : memref<1024xi32, #tpu.memory_space<vmem>>, vector<16xi32>,
      %and3A_1211 = arith.constant 15 : i32
      %and3A_1212 = vector.broadcast %and3A_1211 : i32 to vector<16xi32>
      %and3A_1213 = arith.andi %get3A_1210, %and3A_1212 : vector<16xi32>
      %not3A_1214 = arith.constant 15 : i32
      %not3A_1215 = arith.constant -1 : i32
      %not3A_1216 = arith.xori %not3A_1214, %not3A_1215 : i32
      %and3A_1217 = vector.broadcast %not3A_1216 : i32 to vector<16xi32>
      %and3A_1218 = arith.andi %get3A_1210, %and3A_1217 : vector<16xi32>
      %bitcast3A_1219 = vector.bitcast %and3A_1218 : vector<16xi32> to vector<16xf32>
      %swap3A_1220 = arith.constant 880 : index
      %swap3A_1221 = tpu.vector_load %arg13[%swap3A_1220] {strides = array<i32>} : memref<1024xf32, #tpu.memory_space<vmem>>, vector<16xf32>,
      tpu.vector_store %arg13[%swap3A_1220], %bitcast3A_1219 {strides = array<i32>} : memref<1024xf32, #tpu.memory_space<vmem>>, vector<16xf32>,
      %mul3A_1222 = arith.constant 51200 : i32
      %mul3A_1223 = vector.broadcast %mul3A_1222 : i32 to vector<16xi32>
      %mul3A_1224 = arith.muli %and3A_1213, %mul3A_1223 : vector<16xi32>
      %get3A_1225 = arith.constant 880 : index
      %get3A_1226 = tpu.vector_load %arg10[%get3A_1225] {strides = array<i32>} : memref<1024xi32, #tpu.memory_space<vmem>>, vector<16xi32>,
      %add3A_1227 = arith.addi %mul3A_1224, %get3A_1226 : vector<16xi32>
      %swap3A_1228 = arith.constant 880 : index
      %swap3A_1229 = tpu.vector_load %arg14[%swap3A_1228] {strides = array<i32>} : memref<1024xi32, #tpu.memory_space<vmem>>, vector<16xi32>,
      tpu.vector_store %arg14[%swap3A_1228], %add3A_1227 {strides = array<i32>} : memref<1024xi32, #tpu.memory_space<vmem>>, vector<16xi32>,
      %get3A_1230 = arith.constant 896 : index
      %get3A_1231 = tpu.vector_load %arg12[%get3A_1230] {strides = array<i32>} : memref<1024xi32, #tpu.memory_space<vmem>>, vector<16xi32>,
      %and3A_1232 = arith.constant 15 : i32
      %and3A_1233 = vector.broadcast %and3A_1232 : i32 to vector<16xi32>
      %and3A_1234 = arith.andi %get3A_1231, %and3A_1233 : vector<16xi32>
      %not3A_1235 = arith.constant 15 : i32
      %not3A_1236 = arith.constant -1 : i32
      %not3A_1237 = arith.xori %not3A_1235, %not3A_1236 : i32
      %and3A_1238 = vector.broadcast %not3A_1237 : i32 to vector<16xi32>
      %and3A_1239 = arith.andi %get3A_1231, %and3A_1238 : vector<16xi32>
      %bitcast3A_1240 = vector.bitcast %and3A_1239 : vector<16xi32> to vector<16xf32>
      %swap3A_1241 = arith.constant 896 : index
      %swap3A_1242 = tpu.vector_load %arg13[%swap3A_1241] {strides = array<i32>} : memref<1024xf32, #tpu.memory_space<vmem>>, vector<16xf32>,
      tpu.vector_store %arg13[%swap3A_1241], %bitcast3A_1240 {strides = array<i32>} : memref<1024xf32, #tpu.memory_space<vmem>>, vector<16xf32>,
      %mul3A_1243 = arith.constant 51200 : i32
      %mul3A_1244 = vector.broadcast %mul3A_1243 : i32 to vector<16xi32>
      %mul3A_1245 = arith.muli %and3A_1234, %mul3A_1244 : vector<16xi32>
      %get3A_1246 = arith.constant 896 : index
      %get3A_1247 = tpu.vector_load %arg10[%get3A_1246] {strides = array<i32>} : memref<1024xi32, #tpu.memory_space<vmem>>, vector<16xi32>,
      %add3A_1248 = arith.addi %mul3A_1245, %get3A_1247 : vector<16xi32>
      %swap3A_1249 = arith.constant 896 : index
      %swap3A_1250 = tpu.vector_load %arg14[%swap3A_1249] {strides = array<i32>} : memref<1024xi32, #tpu.memory_space<vmem>>, vector<16xi32>,
      tpu.vector_store %arg14[%swap3A_1249], %add3A_1248 {strides = array<i32>} : memref<1024xi32, #tpu.memory_space<vmem>>, vector<16xi32>,
      %get3A_1251 = arith.constant 912 : index
      %get3A_1252 = tpu.vector_load %arg12[%get3A_1251] {strides = array<i32>} : memref<1024xi32, #tpu.memory_space<vmem>>, vector<16xi32>,
      %and3A_1253 = arith.constant 15 : i32
      %and3A_1254 = vector.broadcast %and3A_1253 : i32 to vector<16xi32>
      %and3A_1255 = arith.andi %get3A_1252, %and3A_1254 : vector<16xi32>
      %not3A_1256 = arith.constant 15 : i32
      %not3A_1257 = arith.constant -1 : i32
      %not3A_1258 = arith.xori %not3A_1256, %not3A_1257 : i32
      %and3A_1259 = vector.broadcast %not3A_1258 : i32 to vector<16xi32>
      %and3A_1260 = arith.andi %get3A_1252, %and3A_1259 : vector<16xi32>
      %bitcast3A_1261 = vector.bitcast %and3A_1260 : vector<16xi32> to vector<16xf32>
      %swap3A_1262 = arith.constant 912 : index
      %swap3A_1263 = tpu.vector_load %arg13[%swap3A_1262] {strides = array<i32>} : memref<1024xf32, #tpu.memory_space<vmem>>, vector<16xf32>,
      tpu.vector_store %arg13[%swap3A_1262], %bitcast3A_1261 {strides = array<i32>} : memref<1024xf32, #tpu.memory_space<vmem>>, vector<16xf32>,
      %mul3A_1264 = arith.constant 51200 : i32
      %mul3A_1265 = vector.broadcast %mul3A_1264 : i32 to vector<16xi32>
      %mul3A_1266 = arith.muli %and3A_1255, %mul3A_1265 : vector<16xi32>
      %get3A_1267 = arith.constant 912 : index
      %get3A_1268 = tpu.vector_load %arg10[%get3A_1267] {strides = array<i32>} : memref<1024xi32, #tpu.memory_space<vmem>>, vector<16xi32>,
      %add3A_1269 = arith.addi %mul3A_1266, %get3A_1268 : vector<16xi32>
      %swap3A_1270 = arith.constant 912 : index
      %swap3A_1271 = tpu.vector_load %arg14[%swap3A_1270] {strides = array<i32>} : memref<1024xi32, #tpu.memory_space<vmem>>, vector<16xi32>,
      tpu.vector_store %arg14[%swap3A_1270], %add3A_1269 {strides = array<i32>} : memref<1024xi32, #tpu.memory_space<vmem>>, vector<16xi32>,
      %get3A_1272 = arith.constant 928 : index
      %get3A_1273 = tpu.vector_load %arg12[%get3A_1272] {strides = array<i32>} : memref<1024xi32, #tpu.memory_space<vmem>>, vector<16xi32>,
      %and3A_1274 = arith.constant 15 : i32
      %and3A_1275 = vector.broadcast %and3A_1274 : i32 to vector<16xi32>
      %and3A_1276 = arith.andi %get3A_1273, %and3A_1275 : vector<16xi32>
      %not3A_1277 = arith.constant 15 : i32
      %not3A_1278 = arith.constant -1 : i32
      %not3A_1279 = arith.xori %not3A_1277, %not3A_1278 : i32
      %and3A_1280 = vector.broadcast %not3A_1279 : i32 to vector<16xi32>
      %and3A_1281 = arith.andi %get3A_1273, %and3A_1280 : vector<16xi32>
      %bitcast3A_1282 = vector.bitcast %and3A_1281 : vector<16xi32> to vector<16xf32>
      %swap3A_1283 = arith.constant 928 : index
      %swap3A_1284 = tpu.vector_load %arg13[%swap3A_1283] {strides = array<i32>} : memref<1024xf32, #tpu.memory_space<vmem>>, vector<16xf32>,
      tpu.vector_store %arg13[%swap3A_1283], %bitcast3A_1282 {strides = array<i32>} : memref<1024xf32, #tpu.memory_space<vmem>>, vector<16xf32>,
      %mul3A_1285 = arith.constant 51200 : i32
      %mul3A_1286 = vector.broadcast %mul3A_1285 : i32 to vector<16xi32>
      %mul3A_1287 = arith.muli %and3A_1276, %mul3A_1286 : vector<16xi32>
      %get3A_1288 = arith.constant 928 : index
      %get3A_1289 = tpu.vector_load %arg10[%get3A_1288] {strides = array<i32>} : memref<1024xi32, #tpu.memory_space<vmem>>, vector<16xi32>,
      %add3A_1290 = arith.addi %mul3A_1287, %get3A_1289 : vector<16xi32>
      %swap3A_1291 = arith.constant 928 : index
      %swap3A_1292 = tpu.vector_load %arg14[%swap3A_1291] {strides = array<i32>} : memref<1024xi32, #tpu.memory_space<vmem>>, vector<16xi32>,
      tpu.vector_store %arg14[%swap3A_1291], %add3A_1290 {strides = array<i32>} : memref<1024xi32, #tpu.memory_space<vmem>>, vector<16xi32>,
      %get3A_1293 = arith.constant 944 : index
      %get3A_1294 = tpu.vector_load %arg12[%get3A_1293] {strides = array<i32>} : memref<1024xi32, #tpu.memory_space<vmem>>, vector<16xi32>,
      %and3A_1295 = arith.constant 15 : i32
      %and3A_1296 = vector.broadcast %and3A_1295 : i32 to vector<16xi32>
      %and3A_1297 = arith.andi %get3A_1294, %and3A_1296 : vector<16xi32>
      %not3A_1298 = arith.constant 15 : i32
      %not3A_1299 = arith.constant -1 : i32
      %not3A_1300 = arith.xori %not3A_1298, %not3A_1299 : i32
      %and3A_1301 = vector.broadcast %not3A_1300 : i32 to vector<16xi32>
      %and3A_1302 = arith.andi %get3A_1294, %and3A_1301 : vector<16xi32>
      %bitcast3A_1303 = vector.bitcast %and3A_1302 : vector<16xi32> to vector<16xf32>
      %swap3A_1304 = arith.constant 944 : index
      %swap3A_1305 = tpu.vector_load %arg13[%swap3A_1304] {strides = array<i32>} : memref<1024xf32, #tpu.memory_space<vmem>>, vector<16xf32>,
      tpu.vector_store %arg13[%swap3A_1304], %bitcast3A_1303 {strides = array<i32>} : memref<1024xf32, #tpu.memory_space<vmem>>, vector<16xf32>,
      %mul3A_1306 = arith.constant 51200 : i32
      %mul3A_1307 = vector.broadcast %mul3A_1306 : i32 to vector<16xi32>
      %mul3A_1308 = arith.muli %and3A_1297, %mul3A_1307 : vector<16xi32>
      %get3A_1309 = arith.constant 944 : index
      %get3A_1310 = tpu.vector_load %arg10[%get3A_1309] {strides = array<i32>} : memref<1024xi32, #tpu.memory_space<vmem>>, vector<16xi32>,
      %add3A_1311 = arith.addi %mul3A_1308, %get3A_1310 : vector<16xi32>
      %swap3A_1312 = arith.constant 944 : index
      %swap3A_1313 = tpu.vector_load %arg14[%swap3A_1312] {strides = array<i32>} : memref<1024xi32, #tpu.memory_space<vmem>>, vector<16xi32>,
      tpu.vector_store %arg14[%swap3A_1312], %add3A_1311 {strides = array<i32>} : memref<1024xi32, #tpu.memory_space<vmem>>, vector<16xi32>,
      %get3A_1314 = arith.constant 960 : index
      %get3A_1315 = tpu.vector_load %arg12[%get3A_1314] {strides = array<i32>} : memref<1024xi32, #tpu.memory_space<vmem>>, vector<16xi32>,
      %and3A_1316 = arith.constant 15 : i32
      %and3A_1317 = vector.broadcast %and3A_1316 : i32 to vector<16xi32>
      %and3A_1318 = arith.andi %get3A_1315, %and3A_1317 : vector<16xi32>
      %not3A_1319 = arith.constant 15 : i32
      %not3A_1320 = arith.constant -1 : i32
      %not3A_1321 = arith.xori %not3A_1319, %not3A_1320 : i32
      %and3A_1322 = vector.broadcast %not3A_1321 : i32 to vector<16xi32>
      %and3A_1323 = arith.andi %get3A_1315, %and3A_1322 : vector<16xi32>
      %bitcast3A_1324 = vector.bitcast %and3A_1323 : vector<16xi32> to vector<16xf32>
      %swap3A_1325 = arith.constant 960 : index
      %swap3A_1326 = tpu.vector_load %arg13[%swap3A_1325] {strides = array<i32>} : memref<1024xf32, #tpu.memory_space<vmem>>, vector<16xf32>,
      tpu.vector_store %arg13[%swap3A_1325], %bitcast3A_1324 {strides = array<i32>} : memref<1024xf32, #tpu.memory_space<vmem>>, vector<16xf32>,
      %mul3A_1327 = arith.constant 51200 : i32
      %mul3A_1328 = vector.broadcast %mul3A_1327 : i32 to vector<16xi32>
      %mul3A_1329 = arith.muli %and3A_1318, %mul3A_1328 : vector<16xi32>
      %get3A_1330 = arith.constant 960 : index
      %get3A_1331 = tpu.vector_load %arg10[%get3A_1330] {strides = array<i32>} : memref<1024xi32, #tpu.memory_space<vmem>>, vector<16xi32>,
      %add3A_1332 = arith.addi %mul3A_1329, %get3A_1331 : vector<16xi32>
      %swap3A_1333 = arith.constant 960 : index
      %swap3A_1334 = tpu.vector_load %arg14[%swap3A_1333] {strides = array<i32>} : memref<1024xi32, #tpu.memory_space<vmem>>, vector<16xi32>,
      tpu.vector_store %arg14[%swap3A_1333], %add3A_1332 {strides = array<i32>} : memref<1024xi32, #tpu.memory_space<vmem>>, vector<16xi32>,
      %get3A_1335 = arith.constant 976 : index
      %get3A_1336 = tpu.vector_load %arg12[%get3A_1335] {strides = array<i32>} : memref<1024xi32, #tpu.memory_space<vmem>>, vector<16xi32>,
      %and3A_1337 = arith.constant 15 : i32
      %and3A_1338 = vector.broadcast %and3A_1337 : i32 to vector<16xi32>
      %and3A_1339 = arith.andi %get3A_1336, %and3A_1338 : vector<16xi32>
      %not3A_1340 = arith.constant 15 : i32
      %not3A_1341 = arith.constant -1 : i32
      %not3A_1342 = arith.xori %not3A_1340, %not3A_1341 : i32
      %and3A_1343 = vector.broadcast %not3A_1342 : i32 to vector<16xi32>
      %and3A_1344 = arith.andi %get3A_1336, %and3A_1343 : vector<16xi32>
      %bitcast3A_1345 = vector.bitcast %and3A_1344 : vector<16xi32> to vector<16xf32>
      %swap3A_1346 = arith.constant 976 : index
      %swap3A_1347 = tpu.vector_load %arg13[%swap3A_1346] {strides = array<i32>} : memref<1024xf32, #tpu.memory_space<vmem>>, vector<16xf32>,
      tpu.vector_store %arg13[%swap3A_1346], %bitcast3A_1345 {strides = array<i32>} : memref<1024xf32, #tpu.memory_space<vmem>>, vector<16xf32>,
      %mul3A_1348 = arith.constant 51200 : i32
      %mul3A_1349 = vector.broadcast %mul3A_1348 : i32 to vector<16xi32>
      %mul3A_1350 = arith.muli %and3A_1339, %mul3A_1349 : vector<16xi32>
      %get3A_1351 = arith.constant 976 : index
      %get3A_1352 = tpu.vector_load %arg10[%get3A_1351] {strides = array<i32>} : memref<1024xi32, #tpu.memory_space<vmem>>, vector<16xi32>,
      %add3A_1353 = arith.addi %mul3A_1350, %get3A_1352 : vector<16xi32>
      %swap3A_1354 = arith.constant 976 : index
      %swap3A_1355 = tpu.vector_load %arg14[%swap3A_1354] {strides = array<i32>} : memref<1024xi32, #tpu.memory_space<vmem>>, vector<16xi32>,
      tpu.vector_store %arg14[%swap3A_1354], %add3A_1353 {strides = array<i32>} : memref<1024xi32, #tpu.memory_space<vmem>>, vector<16xi32>,
      %get3A_1356 = arith.constant 992 : index
      %get3A_1357 = tpu.vector_load %arg12[%get3A_1356] {strides = array<i32>} : memref<1024xi32, #tpu.memory_space<vmem>>, vector<16xi32>,
      %and3A_1358 = arith.constant 15 : i32
      %and3A_1359 = vector.broadcast %and3A_1358 : i32 to vector<16xi32>
      %and3A_1360 = arith.andi %get3A_1357, %and3A_1359 : vector<16xi32>
      %not3A_1361 = arith.constant 15 : i32
      %not3A_1362 = arith.constant -1 : i32
      %not3A_1363 = arith.xori %not3A_1361, %not3A_1362 : i32
      %and3A_1364 = vector.broadcast %not3A_1363 : i32 to vector<16xi32>
      %and3A_1365 = arith.andi %get3A_1357, %and3A_1364 : vector<16xi32>
      %bitcast3A_1366 = vector.bitcast %and3A_1365 : vector<16xi32> to vector<16xf32>
      %swap3A_1367 = arith.constant 992 : index
      %swap3A_1368 = tpu.vector_load %arg13[%swap3A_1367] {strides = array<i32>} : memref<1024xf32, #tpu.memory_space<vmem>>, vector<16xf32>,
      tpu.vector_store %arg13[%swap3A_1367], %bitcast3A_1366 {strides = array<i32>} : memref<1024xf32, #tpu.memory_space<vmem>>, vector<16xf32>,
      %mul3A_1369 = arith.constant 51200 : i32
      %mul3A_1370 = vector.broadcast %mul3A_1369 : i32 to vector<16xi32>
      %mul3A_1371 = arith.muli %and3A_1360, %mul3A_1370 : vector<16xi32>
      %get3A_1372 = arith.constant 992 : index
      %get3A_1373 = tpu.vector_load %arg10[%get3A_1372] {strides = array<i32>} : memref<1024xi32, #tpu.memory_space<vmem>>, vector<16xi32>,
      %add3A_1374 = arith.addi %mul3A_1371, %get3A_1373 : vector<16xi32>
      %swap3A_1375 = arith.constant 992 : index
      %swap3A_1376 = tpu.vector_load %arg14[%swap3A_1375] {strides = array<i32>} : memref<1024xi32, #tpu.memory_space<vmem>>, vector<16xi32>,
      tpu.vector_store %arg14[%swap3A_1375], %add3A_1374 {strides = array<i32>} : memref<1024xi32, #tpu.memory_space<vmem>>, vector<16xi32>,
      %get3A_1377 = arith.constant 1008 : index
      %get3A_1378 = tpu.vector_load %arg12[%get3A_1377] {strides = array<i32>} : memref<1024xi32, #tpu.memory_space<vmem>>, vector<16xi32>,
      %and3A_1379 = arith.constant 15 : i32
      %and3A_1380 = vector.broadcast %and3A_1379 : i32 to vector<16xi32>
      %and3A_1381 = arith.andi %get3A_1378, %and3A_1380 : vector<16xi32>
      %not3A_1382 = arith.constant 15 : i32
      %not3A_1383 = arith.constant -1 : i32
      %not3A_1384 = arith.xori %not3A_1382, %not3A_1383 : i32
      %and3A_1385 = vector.broadcast %not3A_1384 : i32 to vector<16xi32>
      %and3A_1386 = arith.andi %get3A_1378, %and3A_1385 : vector<16xi32>
      %bitcast3A_1387 = vector.bitcast %and3A_1386 : vector<16xi32> to vector<16xf32>
      %swap3A_1388 = arith.constant 1008 : index
      %swap3A_1389 = tpu.vector_load %arg13[%swap3A_1388] {strides = array<i32>} : memref<1024xf32, #tpu.memory_space<vmem>>, vector<16xf32>,
      tpu.vector_store %arg13[%swap3A_1388], %bitcast3A_1387 {strides = array<i32>} : memref<1024xf32, #tpu.memory_space<vmem>>, vector<16xf32>,
      %mul3A_1390 = arith.constant 51200 : i32
      %mul3A_1391 = vector.broadcast %mul3A_1390 : i32 to vector<16xi32>
      %mul3A_1392 = arith.muli %and3A_1381, %mul3A_1391 : vector<16xi32>
      %get3A_1393 = arith.constant 1008 : index
      %get3A_1394 = tpu.vector_load %arg10[%get3A_1393] {strides = array<i32>} : memref<1024xi32, #tpu.memory_space<vmem>>, vector<16xi32>,
      %add3A_1395 = arith.addi %mul3A_1392, %get3A_1394 : vector<16xi32>
      %swap3A_1396 = arith.constant 1008 : index
      %swap3A_1397 = tpu.vector_load %arg14[%swap3A_1396] {strides = array<i32>} : memref<1024xi32, #tpu.memory_space<vmem>>, vector<16xi32>,
      tpu.vector_store %arg14[%swap3A_1396], %add3A_1395 {strides = array<i32>} : memref<1024xi32, #tpu.memory_space<vmem>>, vector<16xi32>,
      %dma_wait3A_1398 = arith.constant 0 : i32
      %dma_wait3A_1399 = arith.constant 0 : i32
      %dma_wait3A_1400 = tpu.memref_slice %arg16[%dma_wait3A_1398, %dma_wait3A_1399] : memref<51200x8xf32, #tpu.memory_space<vmem_shared>> -> memref<51200x8xf32, #tpu.memory_space<vmem_shared>>
      tpu.wait_indirect_dma semaphore(%arg20 : memref<!tpu.dma_semaphore, #tpu.memory_space<semaphore_mem>>) src(%dma_wait3A_1400 : memref<51200x8xf32, #tpu.memory_space<vmem_shared>>) dst(%arg15 : memref<1024x8xf32, #tpu.memory_space<vmem>>)
      %dma_start3A_1401 = arith.constant 0 : i32
      %dma_start3A_1402 = arith.constant 0 : i32
      %dma_start3A_1403 = tpu.memref_slice %arg17[%dma_start3A_1401, %dma_start3A_1402] : memref<51200x8xf32, #tpu.memory_space<vmem_shared>> -> memref<51200x8xf32, #tpu.memory_space<vmem_shared>>
      tpu.enqueue_indirect_dma source(%arg15 : memref<1024x8xf32, #tpu.memory_space<vmem>>) target(%dma_start3A_1403 : memref<51200x8xf32, #tpu.memory_space<vmem_shared>>) offsets(%arg11 : memref<1024xi32, #tpu.memory_space<vmem>>) semaphore(%arg20 : memref<!tpu.dma_semaphore, #tpu.memory_space<semaphore_mem>>) {add = true}
      %dma_start3A_1404 = arith.constant 0 : i32
      %dma_start3A_1405 = tpu.memref_slice %arg19[%dma_start3A_1404] : memref<819200xf32, #tpu.memory_space<vmem_shared>> -> memref<819200xf32, #tpu.memory_space<vmem_shared>>
      tpu.enqueue_indirect_dma source(%arg13 : memref<1024xf32, #tpu.memory_space<vmem>>) target(%dma_start3A_1405 : memref<819200xf32, #tpu.memory_space<vmem_shared>>) offsets(%arg14 : memref<1024xi32, #tpu.memory_space<vmem>>) semaphore(%arg21 : memref<!tpu.dma_semaphore, #tpu.memory_space<semaphore_mem>>) {add = true}
      %dma_wait3A_1406 = arith.constant 0 : i32
      %dma_wait3A_1407 = arith.constant 0 : i32
      %dma_wait3A_1408 = tpu.memref_slice %arg17[%dma_wait3A_1406, %dma_wait3A_1407] : memref<51200x8xf32, #tpu.memory_space<vmem_shared>> -> memref<51200x8xf32, #tpu.memory_space<vmem_shared>>
      tpu.wait_indirect_dma semaphore(%arg20 : memref<!tpu.dma_semaphore, #tpu.memory_space<semaphore_mem>>) src(%arg15 : memref<1024x8xf32, #tpu.memory_space<vmem>>) dst(%dma_wait3A_1408 : memref<51200x8xf32, #tpu.memory_space<vmem_shared>>)
      %dma_wait3A_1409 = arith.constant 0 : i32
      %dma_wait3A_1410 = tpu.memref_slice %arg19[%dma_wait3A_1409] : memref<819200xf32, #tpu.memory_space<vmem_shared>> -> memref<819200xf32, #tpu.memory_space<vmem_shared>>
      tpu.wait_indirect_dma semaphore(%arg21 : memref<!tpu.dma_semaphore, #tpu.memory_space<semaphore_mem>>) src(%arg13 : memref<1024xf32, #tpu.memory_space<vmem>>) dst(%dma_wait3A_1410 : memref<819200xf32, #tpu.memory_space<vmem_shared>>)
    }
    %scan3A_30 = arith.constant 51 : i32
    %barrier3A_31 = arith.constant 0 : index
    tpu.barrier barrier_id(%barrier3A_31)
    %mul3A_32 = arith.constant 3200 : i32
    %mul3A_33 = arith.muli %arg1, %mul3A_32 : i32
    %mul3A_34 = arith.constant 3200 : i32
    %mul3A_35 = arith.muli %arg1, %mul3A_34 : i32
    "tpu.region"() ({
      %run_scoped3A = tpu.sem_alloc : memref<!tpu.dma_semaphore, #tpu.memory_space<semaphore_mem>>
      %dma_start3A = arith.constant 0 : i32
      %dma_start3A_40 = tpu.memref_slice %arg8[%arg0, %mul3A_35, %dma_start3A] : memref<2x51200x8xf32, #tpu.memory_space<hbm>> -> memref<1x3200x8xf32, #tpu.memory_space<hbm>>
      %dma_start3A_41 = tpu.memref_squeeze %dma_start3A_40 : memref<1x3200x8xf32, #tpu.memory_space<hbm>> -> memref<3200x8xf32, #tpu.memory_space<hbm>>
      %dma_start3A_42 = arith.constant 0 : i32
      %dma_start3A_43 = tpu.memref_slice %arg17[%mul3A_33, %dma_start3A_42] : memref<51200x8xf32, #tpu.memory_space<vmem_shared>> -> memref<3200x8xf32, #tpu.memory_space<vmem_shared>>
      tpu.enqueue_dma source(%dma_start3A_43 : memref<3200x8xf32, #tpu.memory_space<vmem_shared>>) target(%dma_start3A_41 : memref<3200x8xf32, #tpu.memory_space<hbm>>) target_semaphore(%run_scoped3A : memref<!tpu.dma_semaphore, #tpu.memory_space<semaphore_mem>>)
      %dma_wait3A = arith.constant 0 : i32
      %dma_wait3A_44 = tpu.memref_slice %arg8[%arg0, %mul3A_35, %dma_wait3A] : memref<2x51200x8xf32, #tpu.memory_space<hbm>> -> memref<1x3200x8xf32, #tpu.memory_space<hbm>>
      %dma_wait3A_45 = tpu.memref_squeeze %dma_wait3A_44 : memref<1x3200x8xf32, #tpu.memory_space<hbm>> -> memref<3200x8xf32, #tpu.memory_space<hbm>>
      %dma_wait3A_46 = arith.constant 0 : i32
      %dma_wait3A_47 = tpu.memref_slice %arg17[%mul3A_33, %dma_wait3A_46] : memref<51200x8xf32, #tpu.memory_space<vmem_shared>> -> memref<3200x8xf32, #tpu.memory_space<vmem_shared>>
      tpu.wait_dma2 semaphore(%run_scoped3A : memref<!tpu.dma_semaphore, #tpu.memory_space<semaphore_mem>>) src(%dma_wait3A_47 : memref<3200x8xf32, #tpu.memory_space<vmem_shared>>) dst(%dma_wait3A_45 : memref<3200x8xf32, #tpu.memory_space<hbm>>)
      tpu.yield
    }) : () -> ()
    %mul3A_36 = arith.constant 51200 : i32
    %mul3A_37 = arith.muli %arg1, %mul3A_36 : i32
    %mul3A_38 = arith.constant 51200 : i32
    %mul3A_39 = arith.muli %arg1, %mul3A_38 : i32
    "tpu.region"() ({
      %run_scoped3A = tpu.sem_alloc : memref<!tpu.dma_semaphore, #tpu.memory_space<semaphore_mem>>
      %dma_start3A = tpu.memref_slice %arg9[%arg0, %mul3A_39] : memref<2x819200xf32, #tpu.memory_space<hbm>> -> memref<1x51200xf32, #tpu.memory_space<hbm>>
      %dma_start3A_40 = tpu.memref_squeeze %dma_start3A : memref<1x51200xf32, #tpu.memory_space<hbm>> -> memref<51200xf32, #tpu.memory_space<hbm>>
      %dma_start3A_41 = tpu.memref_slice %arg19[%mul3A_37] : memref<819200xf32, #tpu.memory_space<vmem_shared>> -> memref<51200xf32, #tpu.memory_space<vmem_shared>>
      tpu.enqueue_dma source(%dma_start3A_41 : memref<51200xf32, #tpu.memory_space<vmem_shared>>) target(%dma_start3A_40 : memref<51200xf32, #tpu.memory_space<hbm>>) target_semaphore(%run_scoped3A : memref<!tpu.dma_semaphore, #tpu.memory_space<semaphore_mem>>)
      %dma_wait3A = tpu.memref_slice %arg9[%arg0, %mul3A_39] : memref<2x819200xf32, #tpu.memory_space<hbm>> -> memref<1x51200xf32, #tpu.memory_space<hbm>>
      %dma_wait3A_42 = tpu.memref_squeeze %dma_wait3A : memref<1x51200xf32, #tpu.memory_space<hbm>> -> memref<51200xf32, #tpu.memory_space<hbm>>
      %dma_wait3A_43 = tpu.memref_slice %arg19[%mul3A_37] : memref<819200xf32, #tpu.memory_space<vmem_shared>> -> memref<51200xf32, #tpu.memory_space<vmem_shared>>
      tpu.wait_dma2 semaphore(%run_scoped3A : memref<!tpu.dma_semaphore, #tpu.memory_space<semaphore_mem>>) src(%dma_wait3A_43 : memref<51200xf32, #tpu.memory_space<vmem_shared>>) dst(%dma_wait3A_42 : memref<51200xf32, #tpu.memory_space<hbm>>)
      tpu.yield
    }) : () -> ()
    return
  }
}

module attributes {stable_mosaic.version = 14 : i64} {
  func.func @_k2_body(%arg0: memref<2x400x128xf32, #tpu.memory_space<vmem>>, %arg1: memref<400x128xi32, #tpu.memory_space<vmem>>, %arg2: memref<400x1024xf32, #tpu.memory_space<vmem>>, %arg3: memref<400x128xf32, #tpu.memory_space<vmem>>, %arg4: memref<400x1024xf32, #tpu.memory_space<vmem>>, %arg5: memref<400x128xi32, #tpu.memory_space<vmem>>, %arg6: memref<1x16xf32, #tpu.memory_space<smem>>) attributes {dimension_semantics = [], scalar_prefetch = 0 : i64, scratch_operands = 0 : i64, tpu.core_type = #tpu.core_type<tc>} {
    %get3A = arith.constant 0 : index
    %get3A_0 = arith.constant 0 : index
    %get3A_1 = arith.constant 0 : index
    %get3A_2 = vector.load %arg0[%get3A, %get3A_0, %get3A_1] : memref<2x400x128xf32, #tpu.memory_space<vmem>>, vector<1x400x128xf32>
    %get3A_3 = vector.shape_cast %get3A_2 : vector<1x400x128xf32> to vector<400x128xf32>
    %get3A_4 = arith.constant 1 : index
    %get3A_5 = arith.constant 0 : index
    %get3A_6 = arith.constant 0 : index
    %get3A_7 = vector.load %arg0[%get3A_4, %get3A_5, %get3A_6] : memref<2x400x128xf32, #tpu.memory_space<vmem>>, vector<1x400x128xf32>
    %get3A_8 = vector.shape_cast %get3A_7 : vector<1x400x128xf32> to vector<400x128xf32>
    %add3A = arith.addf %get3A_3, %get3A_8 : vector<400x128xf32>
    %gt3A = arith.constant 0.000000e+00 : f32
    %gt3A_9 = vector.broadcast %gt3A : f32 to vector<400x128xf32>
    %gt3A_10 = arith.cmpf ogt, %add3A, %gt3A_9 : vector<400x128xf32>
    %rsqrt3A = math.rsqrt %add3A : vector<400x128xf32>
    %jit3A = arith.constant 0.000000e+00 : f32
    %broadcast_in_dim3A = vector.broadcast %jit3A : f32 to vector<400x128xf32>
    %select_n3A = arith.select %gt3A_10, %rsqrt3A, %broadcast_in_dim3A : vector<400x128xi1>, vector<400x128xf32>
    %swap3A = arith.constant 0 : index
    %swap3A_11 = arith.constant 0 : index
    %swap3A_12 = vector.load %arg3[%swap3A, %swap3A_11] : memref<400x128xf32, #tpu.memory_space<vmem>>, vector<400x128xf32>
    tpu.vector_store %arg3[%swap3A, %swap3A_11], %select_n3A {strides = array<i32>} : memref<400x128xf32, #tpu.memory_space<vmem>>, vector<400x128xf32>,
    %broadcast_in_dim3A_13 = vector.shape_cast %select_n3A : vector<400x128xf32> to vector<400x128x1xf32>
    %broadcast_in_dim3A_14 = vector.broadcast %broadcast_in_dim3A_13 : vector<400x128x1xf32> to vector<400x128x8xf32>
    %reshape3A = vector.shape_cast %broadcast_in_dim3A_14 : vector<400x128x8xf32> to vector<400x1024xf32>
    %get3A_15 = arith.constant 0 : index
    %get3A_16 = arith.constant 0 : index
    %get3A_17 = vector.load %arg2[%get3A_15, %get3A_16] : memref<400x1024xf32, #tpu.memory_space<vmem>>, vector<400x1024xf32>
    %mul3A = arith.mulf %reshape3A, %get3A_17 : vector<400x1024xf32>
    %swap3A_18 = arith.constant 0 : index
    %swap3A_19 = arith.constant 0 : index
    %swap3A_20 = vector.load %arg4[%swap3A_18, %swap3A_19] : memref<400x1024xf32, #tpu.memory_space<vmem>>, vector<400x1024xf32>
    tpu.vector_store %arg4[%swap3A_18, %swap3A_19], %mul3A {strides = array<i32>} : memref<400x1024xf32, #tpu.memory_space<vmem>>, vector<400x1024xf32>,
    %get3A_21 = arith.constant 0 : index
    %get3A_22 = arith.constant 0 : index
    %get3A_23 = vector.load %arg1[%get3A_21, %get3A_22] : memref<400x128xi32, #tpu.memory_space<vmem>>, vector<400x128xi32>
    %bitcast_convert_type3A = tpu.bitcast %select_n3A : vector<400x128xf32> -> vector<400x128xi32>
    %not3A = arith.constant 15 : i32
    %not3A_24 = arith.constant -1 : i32
    %not3A_25 = arith.xori %not3A, %not3A_24 : i32
    %and3A = vector.broadcast %not3A_25 : i32 to vector<400x128xi32>
    %and3A_26 = arith.andi %bitcast_convert_type3A, %and3A : vector<400x128xi32>
    %or3A = arith.ori %and3A_26, %get3A_23 : vector<400x128xi32>
    %swap3A_27 = arith.constant 0 : index
    %swap3A_28 = arith.constant 0 : index
    %swap3A_29 = vector.load %arg5[%swap3A_27, %swap3A_28] : memref<400x128xi32, #tpu.memory_space<vmem>>, vector<400x128xi32>
    tpu.vector_store %arg5[%swap3A_27, %swap3A_28], %or3A {strides = array<i32>} : memref<400x128xi32, #tpu.memory_space<vmem>>, vector<400x128xi32>,
    %iota3A = tpu.iota {dimensions = array<i32: 0>} : vector<400x128xi32>
    %mul3A_30 = arith.constant 128 : i32
    %mul3A_31 = vector.broadcast %mul3A_30 : i32 to vector<400x128xi32>
    %mul3A_32 = arith.muli %iota3A, %mul3A_31 : vector<400x128xi32>
    %iota3A_33 = tpu.iota {dimensions = array<i32: 1>} : vector<400x128xi32>
    %add3A_34 = arith.addi %mul3A_32, %iota3A_33 : vector<400x128xi32>
    %lt3A = arith.constant 50000 : i32
    %lt3A_35 = vector.broadcast %lt3A : i32 to vector<400x128xi32>
    %lt3A_36 = arith.cmpi slt, %add3A_34, %lt3A_35 : vector<400x128xi32>
    %eq3A = arith.constant 0 : i32
    %eq3A_37 = vector.broadcast %eq3A : i32 to vector<400x128xi32>
    %eq3A_38 = arith.cmpi eq, %get3A_23, %eq3A_37 : vector<400x128xi32>
    %and3A_39 = arith.andi %eq3A_38, %lt3A_36 : vector<400x128xi1>
    %jit3A_40 = arith.constant 1.000000e+00 : f32
    %jit3A_41 = arith.constant 0.000000e+00 : f32
    %broadcast_in_dim3A_42 = vector.broadcast %jit3A_40 : f32 to vector<400x128xf32>
    %broadcast_in_dim3A_43 = vector.broadcast %jit3A_41 : f32 to vector<400x128xf32>
    %select_n3A_44 = arith.select %and3A_39, %broadcast_in_dim3A_42, %broadcast_in_dim3A_43 : vector<400x128xi1>, vector<400x128xf32>
    %reduce_sum3A = vector.shape_cast %select_n3A_44 : vector<400x128xf32> to vector<1x400x128xf32>
    %reduce_sum3A_45 = arith.constant dense<0.000000e+00> : vector<1xf32>
    %reduce_sum3A_46 = vector.multi_reduction <add>, %reduce_sum3A, %reduce_sum3A_45 [1, 2] : vector<1x400x128xf32> to vector<1xf32>
    %reduce_sum3A_47 = vector.shape_cast %reduce_sum3A_46 : vector<1xf32> to vector<1x1x1xf32>
    %reduce_sum3A_48 = vector.extract %reduce_sum3A_47[0, 0, 0] : f32 from vector<1x1x1xf32>
    %swap3A_49 = arith.constant 0 : index
    %swap3A_50 = arith.constant 0 : index
    %swap3A_51 = memref.load %arg6[%swap3A_49, %swap3A_50] : memref<1x16xf32, #tpu.memory_space<smem>>
    memref.store %reduce_sum3A_48, %arg6[%swap3A_49, %swap3A_50] : memref<1x16xf32, #tpu.memory_space<smem>>
    %eq3A_52 = arith.constant 1 : i32
    %eq3A_53 = vector.broadcast %eq3A_52 : i32 to vector<400x128xi32>
    %eq3A_54 = arith.cmpi eq, %get3A_23, %eq3A_53 : vector<400x128xi32>
    %and3A_55 = arith.andi %eq3A_54, %lt3A_36 : vector<400x128xi1>
    %jit3A_56 = arith.constant 1.000000e+00 : f32
    %jit3A_57 = arith.constant 0.000000e+00 : f32
    %broadcast_in_dim3A_58 = vector.broadcast %jit3A_56 : f32 to vector<400x128xf32>
    %broadcast_in_dim3A_59 = vector.broadcast %jit3A_57 : f32 to vector<400x128xf32>
    %select_n3A_60 = arith.select %and3A_55, %broadcast_in_dim3A_58, %broadcast_in_dim3A_59 : vector<400x128xi1>, vector<400x128xf32>
    %reduce_sum3A_61 = vector.shape_cast %select_n3A_60 : vector<400x128xf32> to vector<1x400x128xf32>
    %reduce_sum3A_62 = arith.constant dense<0.000000e+00> : vector<1xf32>
    %reduce_sum3A_63 = vector.multi_reduction <add>, %reduce_sum3A_61, %reduce_sum3A_62 [1, 2] : vector<1x400x128xf32> to vector<1xf32>
    %reduce_sum3A_64 = vector.shape_cast %reduce_sum3A_63 : vector<1xf32> to vector<1x1x1xf32>
    %reduce_sum3A_65 = vector.extract %reduce_sum3A_64[0, 0, 0] : f32 from vector<1x1x1xf32>
    %swap3A_66 = arith.constant 0 : index
    %swap3A_67 = arith.constant 1 : index
    %swap3A_68 = memref.load %arg6[%swap3A_66, %swap3A_67] : memref<1x16xf32, #tpu.memory_space<smem>>
    memref.store %reduce_sum3A_65, %arg6[%swap3A_66, %swap3A_67] : memref<1x16xf32, #tpu.memory_space<smem>>
    %eq3A_69 = arith.constant 2 : i32
    %eq3A_70 = vector.broadcast %eq3A_69 : i32 to vector<400x128xi32>
    %eq3A_71 = arith.cmpi eq, %get3A_23, %eq3A_70 : vector<400x128xi32>
    %and3A_72 = arith.andi %eq3A_71, %lt3A_36 : vector<400x128xi1>
    %jit3A_73 = arith.constant 1.000000e+00 : f32
    %jit3A_74 = arith.constant 0.000000e+00 : f32
    %broadcast_in_dim3A_75 = vector.broadcast %jit3A_73 : f32 to vector<400x128xf32>
    %broadcast_in_dim3A_76 = vector.broadcast %jit3A_74 : f32 to vector<400x128xf32>
    %select_n3A_77 = arith.select %and3A_72, %broadcast_in_dim3A_75, %broadcast_in_dim3A_76 : vector<400x128xi1>, vector<400x128xf32>
    %reduce_sum3A_78 = vector.shape_cast %select_n3A_77 : vector<400x128xf32> to vector<1x400x128xf32>
    %reduce_sum3A_79 = arith.constant dense<0.000000e+00> : vector<1xf32>
    %reduce_sum3A_80 = vector.multi_reduction <add>, %reduce_sum3A_78, %reduce_sum3A_79 [1, 2] : vector<1x400x128xf32> to vector<1xf32>
    %reduce_sum3A_81 = vector.shape_cast %reduce_sum3A_80 : vector<1xf32> to vector<1x1x1xf32>
    %reduce_sum3A_82 = vector.extract %reduce_sum3A_81[0, 0, 0] : f32 from vector<1x1x1xf32>
    %swap3A_83 = arith.constant 0 : index
    %swap3A_84 = arith.constant 2 : index
    %swap3A_85 = memref.load %arg6[%swap3A_83, %swap3A_84] : memref<1x16xf32, #tpu.memory_space<smem>>
    memref.store %reduce_sum3A_82, %arg6[%swap3A_83, %swap3A_84] : memref<1x16xf32, #tpu.memory_space<smem>>
    %eq3A_86 = arith.constant 3 : i32
    %eq3A_87 = vector.broadcast %eq3A_86 : i32 to vector<400x128xi32>
    %eq3A_88 = arith.cmpi eq, %get3A_23, %eq3A_87 : vector<400x128xi32>
    %and3A_89 = arith.andi %eq3A_88, %lt3A_36 : vector<400x128xi1>
    %jit3A_90 = arith.constant 1.000000e+00 : f32
    %jit3A_91 = arith.constant 0.000000e+00 : f32
    %broadcast_in_dim3A_92 = vector.broadcast %jit3A_90 : f32 to vector<400x128xf32>
    %broadcast_in_dim3A_93 = vector.broadcast %jit3A_91 : f32 to vector<400x128xf32>
    %select_n3A_94 = arith.select %and3A_89, %broadcast_in_dim3A_92, %broadcast_in_dim3A_93 : vector<400x128xi1>, vector<400x128xf32>
    %reduce_sum3A_95 = vector.shape_cast %select_n3A_94 : vector<400x128xf32> to vector<1x400x128xf32>
    %reduce_sum3A_96 = arith.constant dense<0.000000e+00> : vector<1xf32>
    %reduce_sum3A_97 = vector.multi_reduction <add>, %reduce_sum3A_95, %reduce_sum3A_96 [1, 2] : vector<1x400x128xf32> to vector<1xf32>
    %reduce_sum3A_98 = vector.shape_cast %reduce_sum3A_97 : vector<1xf32> to vector<1x1x1xf32>
    %reduce_sum3A_99 = vector.extract %reduce_sum3A_98[0, 0, 0] : f32 from vector<1x1x1xf32>
    %swap3A_100 = arith.constant 0 : index
    %swap3A_101 = arith.constant 3 : index
    %swap3A_102 = memref.load %arg6[%swap3A_100, %swap3A_101] : memref<1x16xf32, #tpu.memory_space<smem>>
    memref.store %reduce_sum3A_99, %arg6[%swap3A_100, %swap3A_101] : memref<1x16xf32, #tpu.memory_space<smem>>
    %eq3A_103 = arith.constant 4 : i32
    %eq3A_104 = vector.broadcast %eq3A_103 : i32 to vector<400x128xi32>
    %eq3A_105 = arith.cmpi eq, %get3A_23, %eq3A_104 : vector<400x128xi32>
    %and3A_106 = arith.andi %eq3A_105, %lt3A_36 : vector<400x128xi1>
    %jit3A_107 = arith.constant 1.000000e+00 : f32
    %jit3A_108 = arith.constant 0.000000e+00 : f32
    %broadcast_in_dim3A_109 = vector.broadcast %jit3A_107 : f32 to vector<400x128xf32>
    %broadcast_in_dim3A_110 = vector.broadcast %jit3A_108 : f32 to vector<400x128xf32>
    %select_n3A_111 = arith.select %and3A_106, %broadcast_in_dim3A_109, %broadcast_in_dim3A_110 : vector<400x128xi1>, vector<400x128xf32>
    %reduce_sum3A_112 = vector.shape_cast %select_n3A_111 : vector<400x128xf32> to vector<1x400x128xf32>
    %reduce_sum3A_113 = arith.constant dense<0.000000e+00> : vector<1xf32>
    %reduce_sum3A_114 = vector.multi_reduction <add>, %reduce_sum3A_112, %reduce_sum3A_113 [1, 2] : vector<1x400x128xf32> to vector<1xf32>
    %reduce_sum3A_115 = vector.shape_cast %reduce_sum3A_114 : vector<1xf32> to vector<1x1x1xf32>
    %reduce_sum3A_116 = vector.extract %reduce_sum3A_115[0, 0, 0] : f32 from vector<1x1x1xf32>
    %swap3A_117 = arith.constant 0 : index
    %swap3A_118 = arith.constant 4 : index
    %swap3A_119 = memref.load %arg6[%swap3A_117, %swap3A_118] : memref<1x16xf32, #tpu.memory_space<smem>>
    memref.store %reduce_sum3A_116, %arg6[%swap3A_117, %swap3A_118] : memref<1x16xf32, #tpu.memory_space<smem>>
    %eq3A_120 = arith.constant 5 : i32
    %eq3A_121 = vector.broadcast %eq3A_120 : i32 to vector<400x128xi32>
    %eq3A_122 = arith.cmpi eq, %get3A_23, %eq3A_121 : vector<400x128xi32>
    %and3A_123 = arith.andi %eq3A_122, %lt3A_36 : vector<400x128xi1>
    %jit3A_124 = arith.constant 1.000000e+00 : f32
    %jit3A_125 = arith.constant 0.000000e+00 : f32
    %broadcast_in_dim3A_126 = vector.broadcast %jit3A_124 : f32 to vector<400x128xf32>
    %broadcast_in_dim3A_127 = vector.broadcast %jit3A_125 : f32 to vector<400x128xf32>
    %select_n3A_128 = arith.select %and3A_123, %broadcast_in_dim3A_126, %broadcast_in_dim3A_127 : vector<400x128xi1>, vector<400x128xf32>
    %reduce_sum3A_129 = vector.shape_cast %select_n3A_128 : vector<400x128xf32> to vector<1x400x128xf32>
    %reduce_sum3A_130 = arith.constant dense<0.000000e+00> : vector<1xf32>
    %reduce_sum3A_131 = vector.multi_reduction <add>, %reduce_sum3A_129, %reduce_sum3A_130 [1, 2] : vector<1x400x128xf32> to vector<1xf32>
    %reduce_sum3A_132 = vector.shape_cast %reduce_sum3A_131 : vector<1xf32> to vector<1x1x1xf32>
    %reduce_sum3A_133 = vector.extract %reduce_sum3A_132[0, 0, 0] : f32 from vector<1x1x1xf32>
    %swap3A_134 = arith.constant 0 : index
    %swap3A_135 = arith.constant 5 : index
    %swap3A_136 = memref.load %arg6[%swap3A_134, %swap3A_135] : memref<1x16xf32, #tpu.memory_space<smem>>
    memref.store %reduce_sum3A_133, %arg6[%swap3A_134, %swap3A_135] : memref<1x16xf32, #tpu.memory_space<smem>>
    %eq3A_137 = arith.constant 6 : i32
    %eq3A_138 = vector.broadcast %eq3A_137 : i32 to vector<400x128xi32>
    %eq3A_139 = arith.cmpi eq, %get3A_23, %eq3A_138 : vector<400x128xi32>
    %and3A_140 = arith.andi %eq3A_139, %lt3A_36 : vector<400x128xi1>
    %jit3A_141 = arith.constant 1.000000e+00 : f32
    %jit3A_142 = arith.constant 0.000000e+00 : f32
    %broadcast_in_dim3A_143 = vector.broadcast %jit3A_141 : f32 to vector<400x128xf32>
    %broadcast_in_dim3A_144 = vector.broadcast %jit3A_142 : f32 to vector<400x128xf32>
    %select_n3A_145 = arith.select %and3A_140, %broadcast_in_dim3A_143, %broadcast_in_dim3A_144 : vector<400x128xi1>, vector<400x128xf32>
    %reduce_sum3A_146 = vector.shape_cast %select_n3A_145 : vector<400x128xf32> to vector<1x400x128xf32>
    %reduce_sum3A_147 = arith.constant dense<0.000000e+00> : vector<1xf32>
    %reduce_sum3A_148 = vector.multi_reduction <add>, %reduce_sum3A_146, %reduce_sum3A_147 [1, 2] : vector<1x400x128xf32> to vector<1xf32>
    %reduce_sum3A_149 = vector.shape_cast %reduce_sum3A_148 : vector<1xf32> to vector<1x1x1xf32>
    %reduce_sum3A_150 = vector.extract %reduce_sum3A_149[0, 0, 0] : f32 from vector<1x1x1xf32>
    %swap3A_151 = arith.constant 0 : index
    %swap3A_152 = arith.constant 6 : index
    %swap3A_153 = memref.load %arg6[%swap3A_151, %swap3A_152] : memref<1x16xf32, #tpu.memory_space<smem>>
    memref.store %reduce_sum3A_150, %arg6[%swap3A_151, %swap3A_152] : memref<1x16xf32, #tpu.memory_space<smem>>
    %eq3A_154 = arith.constant 7 : i32
    %eq3A_155 = vector.broadcast %eq3A_154 : i32 to vector<400x128xi32>
    %eq3A_156 = arith.cmpi eq, %get3A_23, %eq3A_155 : vector<400x128xi32>
    %and3A_157 = arith.andi %eq3A_156, %lt3A_36 : vector<400x128xi1>
    %jit3A_158 = arith.constant 1.000000e+00 : f32
    %jit3A_159 = arith.constant 0.000000e+00 : f32
    %broadcast_in_dim3A_160 = vector.broadcast %jit3A_158 : f32 to vector<400x128xf32>
    %broadcast_in_dim3A_161 = vector.broadcast %jit3A_159 : f32 to vector<400x128xf32>
    %select_n3A_162 = arith.select %and3A_157, %broadcast_in_dim3A_160, %broadcast_in_dim3A_161 : vector<400x128xi1>, vector<400x128xf32>
    %reduce_sum3A_163 = vector.shape_cast %select_n3A_162 : vector<400x128xf32> to vector<1x400x128xf32>
    %reduce_sum3A_164 = arith.constant dense<0.000000e+00> : vector<1xf32>
    %reduce_sum3A_165 = vector.multi_reduction <add>, %reduce_sum3A_163, %reduce_sum3A_164 [1, 2] : vector<1x400x128xf32> to vector<1xf32>
    %reduce_sum3A_166 = vector.shape_cast %reduce_sum3A_165 : vector<1xf32> to vector<1x1x1xf32>
    %reduce_sum3A_167 = vector.extract %reduce_sum3A_166[0, 0, 0] : f32 from vector<1x1x1xf32>
    %swap3A_168 = arith.constant 0 : index
    %swap3A_169 = arith.constant 7 : index
    %swap3A_170 = memref.load %arg6[%swap3A_168, %swap3A_169] : memref<1x16xf32, #tpu.memory_space<smem>>
    memref.store %reduce_sum3A_167, %arg6[%swap3A_168, %swap3A_169] : memref<1x16xf32, #tpu.memory_space<smem>>
    %eq3A_171 = arith.constant 8 : i32
    %eq3A_172 = vector.broadcast %eq3A_171 : i32 to vector<400x128xi32>
    %eq3A_173 = arith.cmpi eq, %get3A_23, %eq3A_172 : vector<400x128xi32>
    %and3A_174 = arith.andi %eq3A_173, %lt3A_36 : vector<400x128xi1>
    %jit3A_175 = arith.constant 1.000000e+00 : f32
    %jit3A_176 = arith.constant 0.000000e+00 : f32
    %broadcast_in_dim3A_177 = vector.broadcast %jit3A_175 : f32 to vector<400x128xf32>
    %broadcast_in_dim3A_178 = vector.broadcast %jit3A_176 : f32 to vector<400x128xf32>
    %select_n3A_179 = arith.select %and3A_174, %broadcast_in_dim3A_177, %broadcast_in_dim3A_178 : vector<400x128xi1>, vector<400x128xf32>
    %reduce_sum3A_180 = vector.shape_cast %select_n3A_179 : vector<400x128xf32> to vector<1x400x128xf32>
    %reduce_sum3A_181 = arith.constant dense<0.000000e+00> : vector<1xf32>
    %reduce_sum3A_182 = vector.multi_reduction <add>, %reduce_sum3A_180, %reduce_sum3A_181 [1, 2] : vector<1x400x128xf32> to vector<1xf32>
    %reduce_sum3A_183 = vector.shape_cast %reduce_sum3A_182 : vector<1xf32> to vector<1x1x1xf32>
    %reduce_sum3A_184 = vector.extract %reduce_sum3A_183[0, 0, 0] : f32 from vector<1x1x1xf32>
    %swap3A_185 = arith.constant 0 : index
    %swap3A_186 = arith.constant 8 : index
    %swap3A_187 = memref.load %arg6[%swap3A_185, %swap3A_186] : memref<1x16xf32, #tpu.memory_space<smem>>
    memref.store %reduce_sum3A_184, %arg6[%swap3A_185, %swap3A_186] : memref<1x16xf32, #tpu.memory_space<smem>>
    %eq3A_188 = arith.constant 9 : i32
    %eq3A_189 = vector.broadcast %eq3A_188 : i32 to vector<400x128xi32>
    %eq3A_190 = arith.cmpi eq, %get3A_23, %eq3A_189 : vector<400x128xi32>
    %and3A_191 = arith.andi %eq3A_190, %lt3A_36 : vector<400x128xi1>
    %jit3A_192 = arith.constant 1.000000e+00 : f32
    %jit3A_193 = arith.constant 0.000000e+00 : f32
    %broadcast_in_dim3A_194 = vector.broadcast %jit3A_192 : f32 to vector<400x128xf32>
    %broadcast_in_dim3A_195 = vector.broadcast %jit3A_193 : f32 to vector<400x128xf32>
    %select_n3A_196 = arith.select %and3A_191, %broadcast_in_dim3A_194, %broadcast_in_dim3A_195 : vector<400x128xi1>, vector<400x128xf32>
    %reduce_sum3A_197 = vector.shape_cast %select_n3A_196 : vector<400x128xf32> to vector<1x400x128xf32>
    %reduce_sum3A_198 = arith.constant dense<0.000000e+00> : vector<1xf32>
    %reduce_sum3A_199 = vector.multi_reduction <add>, %reduce_sum3A_197, %reduce_sum3A_198 [1, 2] : vector<1x400x128xf32> to vector<1xf32>
    %reduce_sum3A_200 = vector.shape_cast %reduce_sum3A_199 : vector<1xf32> to vector<1x1x1xf32>
    %reduce_sum3A_201 = vector.extract %reduce_sum3A_200[0, 0, 0] : f32 from vector<1x1x1xf32>
    %swap3A_202 = arith.constant 0 : index
    %swap3A_203 = arith.constant 9 : index
    %swap3A_204 = memref.load %arg6[%swap3A_202, %swap3A_203] : memref<1x16xf32, #tpu.memory_space<smem>>
    memref.store %reduce_sum3A_201, %arg6[%swap3A_202, %swap3A_203] : memref<1x16xf32, #tpu.memory_space<smem>>
    %eq3A_205 = arith.constant 10 : i32
    %eq3A_206 = vector.broadcast %eq3A_205 : i32 to vector<400x128xi32>
    %eq3A_207 = arith.cmpi eq, %get3A_23, %eq3A_206 : vector<400x128xi32>
    %and3A_208 = arith.andi %eq3A_207, %lt3A_36 : vector<400x128xi1>
    %jit3A_209 = arith.constant 1.000000e+00 : f32
    %jit3A_210 = arith.constant 0.000000e+00 : f32
    %broadcast_in_dim3A_211 = vector.broadcast %jit3A_209 : f32 to vector<400x128xf32>
    %broadcast_in_dim3A_212 = vector.broadcast %jit3A_210 : f32 to vector<400x128xf32>
    %select_n3A_213 = arith.select %and3A_208, %broadcast_in_dim3A_211, %broadcast_in_dim3A_212 : vector<400x128xi1>, vector<400x128xf32>
    %reduce_sum3A_214 = vector.shape_cast %select_n3A_213 : vector<400x128xf32> to vector<1x400x128xf32>
    %reduce_sum3A_215 = arith.constant dense<0.000000e+00> : vector<1xf32>
    %reduce_sum3A_216 = vector.multi_reduction <add>, %reduce_sum3A_214, %reduce_sum3A_215 [1, 2] : vector<1x400x128xf32> to vector<1xf32>
    %reduce_sum3A_217 = vector.shape_cast %reduce_sum3A_216 : vector<1xf32> to vector<1x1x1xf32>
    %reduce_sum3A_218 = vector.extract %reduce_sum3A_217[0, 0, 0] : f32 from vector<1x1x1xf32>
    %swap3A_219 = arith.constant 0 : index
    %swap3A_220 = arith.constant 10 : index
    %swap3A_221 = memref.load %arg6[%swap3A_219, %swap3A_220] : memref<1x16xf32, #tpu.memory_space<smem>>
    memref.store %reduce_sum3A_218, %arg6[%swap3A_219, %swap3A_220] : memref<1x16xf32, #tpu.memory_space<smem>>
    %eq3A_222 = arith.constant 11 : i32
    %eq3A_223 = vector.broadcast %eq3A_222 : i32 to vector<400x128xi32>
    %eq3A_224 = arith.cmpi eq, %get3A_23, %eq3A_223 : vector<400x128xi32>
    %and3A_225 = arith.andi %eq3A_224, %lt3A_36 : vector<400x128xi1>
    %jit3A_226 = arith.constant 1.000000e+00 : f32
    %jit3A_227 = arith.constant 0.000000e+00 : f32
    %broadcast_in_dim3A_228 = vector.broadcast %jit3A_226 : f32 to vector<400x128xf32>
    %broadcast_in_dim3A_229 = vector.broadcast %jit3A_227 : f32 to vector<400x128xf32>
    %select_n3A_230 = arith.select %and3A_225, %broadcast_in_dim3A_228, %broadcast_in_dim3A_229 : vector<400x128xi1>, vector<400x128xf32>
    %reduce_sum3A_231 = vector.shape_cast %select_n3A_230 : vector<400x128xf32> to vector<1x400x128xf32>
    %reduce_sum3A_232 = arith.constant dense<0.000000e+00> : vector<1xf32>
    %reduce_sum3A_233 = vector.multi_reduction <add>, %reduce_sum3A_231, %reduce_sum3A_232 [1, 2] : vector<1x400x128xf32> to vector<1xf32>
    %reduce_sum3A_234 = vector.shape_cast %reduce_sum3A_233 : vector<1xf32> to vector<1x1x1xf32>
    %reduce_sum3A_235 = vector.extract %reduce_sum3A_234[0, 0, 0] : f32 from vector<1x1x1xf32>
    %swap3A_236 = arith.constant 0 : index
    %swap3A_237 = arith.constant 11 : index
    %swap3A_238 = memref.load %arg6[%swap3A_236, %swap3A_237] : memref<1x16xf32, #tpu.memory_space<smem>>
    memref.store %reduce_sum3A_235, %arg6[%swap3A_236, %swap3A_237] : memref<1x16xf32, #tpu.memory_space<smem>>
    %eq3A_239 = arith.constant 12 : i32
    %eq3A_240 = vector.broadcast %eq3A_239 : i32 to vector<400x128xi32>
    %eq3A_241 = arith.cmpi eq, %get3A_23, %eq3A_240 : vector<400x128xi32>
    %and3A_242 = arith.andi %eq3A_241, %lt3A_36 : vector<400x128xi1>
    %jit3A_243 = arith.constant 1.000000e+00 : f32
    %jit3A_244 = arith.constant 0.000000e+00 : f32
    %broadcast_in_dim3A_245 = vector.broadcast %jit3A_243 : f32 to vector<400x128xf32>
    %broadcast_in_dim3A_246 = vector.broadcast %jit3A_244 : f32 to vector<400x128xf32>
    %select_n3A_247 = arith.select %and3A_242, %broadcast_in_dim3A_245, %broadcast_in_dim3A_246 : vector<400x128xi1>, vector<400x128xf32>
    %reduce_sum3A_248 = vector.shape_cast %select_n3A_247 : vector<400x128xf32> to vector<1x400x128xf32>
    %reduce_sum3A_249 = arith.constant dense<0.000000e+00> : vector<1xf32>
    %reduce_sum3A_250 = vector.multi_reduction <add>, %reduce_sum3A_248, %reduce_sum3A_249 [1, 2] : vector<1x400x128xf32> to vector<1xf32>
    %reduce_sum3A_251 = vector.shape_cast %reduce_sum3A_250 : vector<1xf32> to vector<1x1x1xf32>
    %reduce_sum3A_252 = vector.extract %reduce_sum3A_251[0, 0, 0] : f32 from vector<1x1x1xf32>
    %swap3A_253 = arith.constant 0 : index
    %swap3A_254 = arith.constant 12 : index
    %swap3A_255 = memref.load %arg6[%swap3A_253, %swap3A_254] : memref<1x16xf32, #tpu.memory_space<smem>>
    memref.store %reduce_sum3A_252, %arg6[%swap3A_253, %swap3A_254] : memref<1x16xf32, #tpu.memory_space<smem>>
    %eq3A_256 = arith.constant 13 : i32
    %eq3A_257 = vector.broadcast %eq3A_256 : i32 to vector<400x128xi32>
    %eq3A_258 = arith.cmpi eq, %get3A_23, %eq3A_257 : vector<400x128xi32>
    %and3A_259 = arith.andi %eq3A_258, %lt3A_36 : vector<400x128xi1>
    %jit3A_260 = arith.constant 1.000000e+00 : f32
    %jit3A_261 = arith.constant 0.000000e+00 : f32
    %broadcast_in_dim3A_262 = vector.broadcast %jit3A_260 : f32 to vector<400x128xf32>
    %broadcast_in_dim3A_263 = vector.broadcast %jit3A_261 : f32 to vector<400x128xf32>
    %select_n3A_264 = arith.select %and3A_259, %broadcast_in_dim3A_262, %broadcast_in_dim3A_263 : vector<400x128xi1>, vector<400x128xf32>
    %reduce_sum3A_265 = vector.shape_cast %select_n3A_264 : vector<400x128xf32> to vector<1x400x128xf32>
    %reduce_sum3A_266 = arith.constant dense<0.000000e+00> : vector<1xf32>
    %reduce_sum3A_267 = vector.multi_reduction <add>, %reduce_sum3A_265, %reduce_sum3A_266 [1, 2] : vector<1x400x128xf32> to vector<1xf32>
    %reduce_sum3A_268 = vector.shape_cast %reduce_sum3A_267 : vector<1xf32> to vector<1x1x1xf32>
    %reduce_sum3A_269 = vector.extract %reduce_sum3A_268[0, 0, 0] : f32 from vector<1x1x1xf32>
    %swap3A_270 = arith.constant 0 : index
    %swap3A_271 = arith.constant 13 : index
    %swap3A_272 = memref.load %arg6[%swap3A_270, %swap3A_271] : memref<1x16xf32, #tpu.memory_space<smem>>
    memref.store %reduce_sum3A_269, %arg6[%swap3A_270, %swap3A_271] : memref<1x16xf32, #tpu.memory_space<smem>>
    %eq3A_273 = arith.constant 14 : i32
    %eq3A_274 = vector.broadcast %eq3A_273 : i32 to vector<400x128xi32>
    %eq3A_275 = arith.cmpi eq, %get3A_23, %eq3A_274 : vector<400x128xi32>
    %and3A_276 = arith.andi %eq3A_275, %lt3A_36 : vector<400x128xi1>
    %jit3A_277 = arith.constant 1.000000e+00 : f32
    %jit3A_278 = arith.constant 0.000000e+00 : f32
    %broadcast_in_dim3A_279 = vector.broadcast %jit3A_277 : f32 to vector<400x128xf32>
    %broadcast_in_dim3A_280 = vector.broadcast %jit3A_278 : f32 to vector<400x128xf32>
    %select_n3A_281 = arith.select %and3A_276, %broadcast_in_dim3A_279, %broadcast_in_dim3A_280 : vector<400x128xi1>, vector<400x128xf32>
    %reduce_sum3A_282 = vector.shape_cast %select_n3A_281 : vector<400x128xf32> to vector<1x400x128xf32>
    %reduce_sum3A_283 = arith.constant dense<0.000000e+00> : vector<1xf32>
    %reduce_sum3A_284 = vector.multi_reduction <add>, %reduce_sum3A_282, %reduce_sum3A_283 [1, 2] : vector<1x400x128xf32> to vector<1xf32>
    %reduce_sum3A_285 = vector.shape_cast %reduce_sum3A_284 : vector<1xf32> to vector<1x1x1xf32>
    %reduce_sum3A_286 = vector.extract %reduce_sum3A_285[0, 0, 0] : f32 from vector<1x1x1xf32>
    %swap3A_287 = arith.constant 0 : index
    %swap3A_288 = arith.constant 14 : index
    %swap3A_289 = memref.load %arg6[%swap3A_287, %swap3A_288] : memref<1x16xf32, #tpu.memory_space<smem>>
    memref.store %reduce_sum3A_286, %arg6[%swap3A_287, %swap3A_288] : memref<1x16xf32, #tpu.memory_space<smem>>
    %eq3A_290 = arith.constant 15 : i32
    %eq3A_291 = vector.broadcast %eq3A_290 : i32 to vector<400x128xi32>
    %eq3A_292 = arith.cmpi eq, %get3A_23, %eq3A_291 : vector<400x128xi32>
    %and3A_293 = arith.andi %eq3A_292, %lt3A_36 : vector<400x128xi1>
    %jit3A_294 = arith.constant 1.000000e+00 : f32
    %jit3A_295 = arith.constant 0.000000e+00 : f32
    %broadcast_in_dim3A_296 = vector.broadcast %jit3A_294 : f32 to vector<400x128xf32>
    %broadcast_in_dim3A_297 = vector.broadcast %jit3A_295 : f32 to vector<400x128xf32>
    %select_n3A_298 = arith.select %and3A_293, %broadcast_in_dim3A_296, %broadcast_in_dim3A_297 : vector<400x128xi1>, vector<400x128xf32>
    %reduce_sum3A_299 = vector.shape_cast %select_n3A_298 : vector<400x128xf32> to vector<1x400x128xf32>
    %reduce_sum3A_300 = arith.constant dense<0.000000e+00> : vector<1xf32>
    %reduce_sum3A_301 = vector.multi_reduction <add>, %reduce_sum3A_299, %reduce_sum3A_300 [1, 2] : vector<1x400x128xf32> to vector<1xf32>
    %reduce_sum3A_302 = vector.shape_cast %reduce_sum3A_301 : vector<1xf32> to vector<1x1x1xf32>
    %reduce_sum3A_303 = vector.extract %reduce_sum3A_302[0, 0, 0] : f32 from vector<1x1x1xf32>
    %swap3A_304 = arith.constant 0 : index
    %swap3A_305 = arith.constant 15 : index
    %swap3A_306 = memref.load %arg6[%swap3A_304, %swap3A_305] : memref<1x16xf32, #tpu.memory_space<smem>>
    memref.store %reduce_sum3A_303, %arg6[%swap3A_304, %swap3A_305] : memref<1x16xf32, #tpu.memory_space<smem>>
    return
  }
}

module attributes {stable_mosaic.version = 14 : i64} {
  func.func @_k4_body(%arg0: i32, %arg1: memref<2x2048x8xf32, #tpu.memory_space<vmem>>, %arg2: memref<2x16x2048xf32, #tpu.memory_space<vmem>>, %arg3: memref<2048x1xf32, #tpu.memory_space<vmem>>, %arg4: memref<8x64xf32, #tpu.memory_space<vmem>>, %arg5: memref<1x64xf32, #tpu.memory_space<vmem>>, %arg6: memref<64x24xf32, #tpu.memory_space<vmem>>, %arg7: memref<1x24xf32, #tpu.memory_space<vmem>>, %arg8: memref<1x16xf32, #tpu.memory_space<smem>>, %arg9: memref<16x24xf32, #tpu.memory_space<vmem>>, %arg10: memref<16x64xf32, #tpu.memory_space<vmem>>) attributes {dimension_semantics = [#tpu.dimension_semantics<arbitrary>], iteration_bounds = array<i64: 25>, scalar_prefetch = 0 : i64, scratch_operands = 1 : i64, tpu.core_type = #tpu.core_type<tc>, window_params = [{transform_indices = @transform_0, window_bounds = array<i64: 2, 2048, 8>}, {transform_indices = @transform_1, window_bounds = array<i64: 2, 16, 2048>}, {transform_indices = @transform_2, window_bounds = array<i64: 2048, 1>}, {pipeline_mode = #tpu.pipeline_mode<synchronous>, transform_indices = @transform_3, window_bounds = array<i64: 8, 64>}, {pipeline_mode = #tpu.pipeline_mode<synchronous>, transform_indices = @transform_4, window_bounds = array<i64: 1, 64>}, {pipeline_mode = #tpu.pipeline_mode<synchronous>, transform_indices = @transform_5, window_bounds = array<i64: 64, 24>}, {pipeline_mode = #tpu.pipeline_mode<synchronous>, transform_indices = @transform_6, window_bounds = array<i64: 1, 24>}, {transform_indices = @transform_7, window_bounds = array<i64: 1, 16>}, {pipeline_mode = #tpu.pipeline_mode<synchronous>, transform_indices = @transform_8, window_bounds = array<i64: 16, 24>}]} {
    %eq3A = arith.constant 0 : i32
    %eq3A_0 = arith.cmpi eq, %arg0, %eq3A : i32
    %convert_element_type3A = arith.extui %eq3A_0 : i1 to i32
    %cond3A = arith.constant 0 : i32
    %cond3A_1 = arith.cmpi ne, %convert_element_type3A, %cond3A : i32
    scf.if %cond3A_1 {
      %broadcast_in_dim3A_60 = arith.constant 0.000000e+00 : f32
      %broadcast_in_dim3A_61 = vector.broadcast %broadcast_in_dim3A_60 : f32 to vector<16x64xf32>
      %swap3A_62 = arith.constant 0 : index
      %swap3A_63 = arith.constant 0 : index
      %swap3A_64 = vector.load %arg10[%swap3A_62, %swap3A_63] : memref<16x64xf32, #tpu.memory_space<vmem>>, vector<16x64xf32>
      tpu.vector_store %arg10[%swap3A_62, %swap3A_63], %broadcast_in_dim3A_61 {strides = array<i32>} : memref<16x64xf32, #tpu.memory_space<vmem>>, vector<16x64xf32>,
    } else {
    }
    %get3A = arith.constant 0 : index
    %get3A_2 = arith.constant 0 : index
    %get3A_3 = arith.constant 0 : index
    %get3A_4 = vector.load %arg1[%get3A, %get3A_2, %get3A_3] : memref<2x2048x8xf32, #tpu.memory_space<vmem>>, vector<1x2048x8xf32>
    %get3A_5 = vector.shape_cast %get3A_4 : vector<1x2048x8xf32> to vector<2048x8xf32>
    %get3A_6 = arith.constant 1 : index
    %get3A_7 = arith.constant 0 : index
    %get3A_8 = arith.constant 0 : index
    %get3A_9 = vector.load %arg1[%get3A_6, %get3A_7, %get3A_8] : memref<2x2048x8xf32, #tpu.memory_space<vmem>>, vector<1x2048x8xf32>
    %get3A_10 = vector.shape_cast %get3A_9 : vector<1x2048x8xf32> to vector<2048x8xf32>
    %add3A = arith.addf %get3A_5, %get3A_10 : vector<2048x8xf32>
    %get3A_11 = arith.constant 0 : index
    %get3A_12 = arith.constant 0 : index
    %get3A_13 = vector.load %arg3[%get3A_11, %get3A_12] : memref<2048x1xf32, #tpu.memory_space<vmem>>, vector<2048x1xf32>
    %mul3A = vector.broadcast %get3A_13 : vector<2048x1xf32> to vector<2048x8xf32>
    %mul3A_14 = arith.mulf %add3A, %mul3A : vector<2048x8xf32>
    %get3A_15 = arith.constant 0 : index
    %get3A_16 = arith.constant 0 : index
    %get3A_17 = vector.load %arg4[%get3A_15, %get3A_16] : memref<8x64xf32, #tpu.memory_space<vmem>>, vector<8x64xf32>
    %dot_general3A = arith.constant dense<0.000000e+00> : vector<2048x64xf32>
    %dot_general3A_18 = tpu.matmul %mul3A_14, %get3A_17, %dot_general3A {dimension_numbers = #tpu.dot_dimension_numbers<[1], [0], [0], [1], [0, 0, 1, 1], [], []>, transpose_lhs_hint = false} : vector<2048x8xf32>, vector<8x64xf32>, vector<2048x64xf32> -> vector<2048x64xf32>
    %get3A_19 = arith.constant 0 : index
    %get3A_20 = arith.constant 0 : index
    %get3A_21 = vector.load %arg5[%get3A_19, %get3A_20] : memref<1x64xf32, #tpu.memory_space<vmem>>, vector<1x64xf32>
    %add3A_22 = vector.broadcast %get3A_21 : vector<1x64xf32> to vector<2048x64xf32>
    %add3A_23 = arith.addf %dot_general3A_18, %add3A_22 : vector<2048x64xf32>
    %max3A = arith.constant 0.000000e+00 : f32
    %max3A_24 = vector.broadcast %max3A : f32 to vector<2048x64xf32>
    %max3A_25 = arith.maximumf %add3A_23, %max3A_24 : vector<2048x64xf32>
    %mul3A_26 = arith.constant 2048 : i32
    %mul3A_27 = arith.muli %arg0, %mul3A_26 : i32
    %iota3A = tpu.iota {dimensions = array<i32: 0>} : vector<2048x1xi32>
    %add3A_28 = vector.broadcast %mul3A_27 : i32 to vector<2048x1xi32>
    %add3A_29 = arith.addi %add3A_28, %iota3A : vector<2048x1xi32>
    %lt3A = arith.constant 50000 : i32
    %lt3A_30 = vector.broadcast %lt3A : i32 to vector<2048x1xi32>
    %lt3A_31 = arith.cmpi slt, %add3A_29, %lt3A_30 : vector<2048x1xi32>
    %mul3A_32 = vector.broadcast %get3A_13 : vector<2048x1xf32> to vector<2048x64xf32>
    %mul3A_33 = arith.mulf %max3A_25, %mul3A_32 : vector<2048x64xf32>
    %jit3A = arith.constant 0.000000e+00 : f32
    %broadcast_in_dim3A = vector.shape_cast %lt3A_31 : vector<2048x1xi1> to vector<2048x1xi1>
    %broadcast_in_dim3A_34 = vector.broadcast %broadcast_in_dim3A : vector<2048x1xi1> to vector<2048x64xi1>
    %broadcast_in_dim3A_35 = vector.broadcast %jit3A : f32 to vector<2048x64xf32>
    %select_n3A = arith.select %broadcast_in_dim3A_34, %mul3A_33, %broadcast_in_dim3A_35 : vector<2048x64xi1>, vector<2048x64xf32>
    %get3A_36 = arith.constant 0 : index
    %get3A_37 = arith.constant 0 : index
    %get3A_38 = arith.constant 0 : index
    %get3A_39 = vector.load %arg2[%get3A_36, %get3A_37, %get3A_38] : memref<2x16x2048xf32, #tpu.memory_space<vmem>>, vector<1x16x2048xf32>
    %get3A_40 = vector.shape_cast %get3A_39 : vector<1x16x2048xf32> to vector<16x2048xf32>
    %get3A_41 = arith.constant 1 : index
    %get3A_42 = arith.constant 0 : index
    %get3A_43 = arith.constant 0 : index
    %get3A_44 = vector.load %arg2[%get3A_41, %get3A_42, %get3A_43] : memref<2x16x2048xf32, #tpu.memory_space<vmem>>, vector<1x16x2048xf32>
    %get3A_45 = vector.shape_cast %get3A_44 : vector<1x16x2048xf32> to vector<16x2048xf32>
    %add3A_46 = arith.addf %get3A_40, %get3A_45 : vector<16x2048xf32>
    %get3A_47 = arith.constant 0 : index
    %get3A_48 = arith.constant 0 : index
    %get3A_49 = vector.load %arg10[%get3A_47, %get3A_48] : memref<16x64xf32, #tpu.memory_space<vmem>>, vector<16x64xf32>
    %dot_general3A_50 = arith.constant dense<0.000000e+00> : vector<16x64xf32>
    %dot_general3A_51 = tpu.matmul %add3A_46, %select_n3A, %dot_general3A_50 {dimension_numbers = #tpu.dot_dimension_numbers<[1], [0], [0], [1], [0, 0, 1, 1], [], []>, transpose_lhs_hint = false} : vector<16x2048xf32>, vector<2048x64xf32>, vector<16x64xf32> -> vector<16x64xf32>
    %add3A_52 = arith.addf %get3A_49, %dot_general3A_51 : vector<16x64xf32>
    %swap3A = arith.constant 0 : index
    %swap3A_53 = arith.constant 0 : index
    %swap3A_54 = vector.load %arg10[%swap3A, %swap3A_53] : memref<16x64xf32, #tpu.memory_space<vmem>>, vector<16x64xf32>
    tpu.vector_store %arg10[%swap3A, %swap3A_53], %add3A_52 {strides = array<i32>} : memref<16x64xf32, #tpu.memory_space<vmem>>, vector<16x64xf32>,
    %eq3A_55 = arith.constant 24 : i32
    %eq3A_56 = arith.cmpi eq, %arg0, %eq3A_55 : i32
    %convert_element_type3A_57 = arith.extui %eq3A_56 : i1 to i32
    %cond3A_58 = arith.constant 0 : i32
    %cond3A_59 = arith.cmpi ne, %convert_element_type3A_57, %cond3A_58 : i32
    scf.if %cond3A_59 {
      %get3A_60 = arith.constant 0 : index
      %get3A_61 = arith.constant 0 : index
      %get3A_62 = vector.load %arg10[%get3A_60, %get3A_61] : memref<16x64xf32, #tpu.memory_space<vmem>>, vector<16x64xf32>
      %get3A_63 = arith.constant 0 : index
      %get3A_64 = arith.constant 0 : index
      %get3A_65 = vector.load %arg6[%get3A_63, %get3A_64] : memref<64x24xf32, #tpu.memory_space<vmem>>, vector<64x24xf32>
      %dot_general3A_66 = arith.constant dense<0.000000e+00> : vector<16x24xf32>
      %dot_general3A_67 = tpu.matmul %get3A_62, %get3A_65, %dot_general3A_66 {dimension_numbers = #tpu.dot_dimension_numbers<[1], [0], [0], [1], [0, 0, 1, 1], [], []>, transpose_lhs_hint = false} : vector<16x64xf32>, vector<64x24xf32>, vector<16x24xf32> -> vector<16x24xf32>
      %iota3A_68 = tpu.iota {dimensions = array<i32: 0>} : vector<16x24xi32>
      %broadcast_in_dim3A_69 = arith.constant 1.000000e+00 : f32
      %broadcast_in_dim3A_70 = vector.broadcast %broadcast_in_dim3A_69 : f32 to vector<16x24xf32>
      %eq3A_71 = arith.constant 0 : i32
      %eq3A_72 = vector.broadcast %eq3A_71 : i32 to vector<16x24xi32>
      %eq3A_73 = arith.cmpi eq, %iota3A_68, %eq3A_72 : vector<16x24xi32>
      %get3A_74 = arith.constant 0 : index
      %get3A_75 = arith.constant 0 : index
      %get3A_76 = memref.load %arg8[%get3A_74, %get3A_75] : memref<1x16xf32, #tpu.memory_space<smem>>
      %max3A_77 = arith.constant 1.000000e+00 : f32
      %max3A_78 = arith.maximumf %get3A_76, %max3A_77 : f32
      %broadcast_in_dim3A_79 = vector.broadcast %max3A_78 : f32 to vector<16x24xf32>
      %select_n3A_80 = arith.select %eq3A_73, %broadcast_in_dim3A_79, %broadcast_in_dim3A_70 : vector<16x24xi1>, vector<16x24xf32>
      %eq3A_81 = arith.constant 1 : i32
      %eq3A_82 = vector.broadcast %eq3A_81 : i32 to vector<16x24xi32>
      %eq3A_83 = arith.cmpi eq, %iota3A_68, %eq3A_82 : vector<16x24xi32>
      %get3A_84 = arith.constant 0 : index
      %get3A_85 = arith.constant 1 : index
      %get3A_86 = memref.load %arg8[%get3A_84, %get3A_85] : memref<1x16xf32, #tpu.memory_space<smem>>
      %max3A_87 = arith.constant 1.000000e+00 : f32
      %max3A_88 = arith.maximumf %get3A_86, %max3A_87 : f32
      %broadcast_in_dim3A_89 = vector.broadcast %max3A_88 : f32 to vector<16x24xf32>
      %select_n3A_90 = arith.select %eq3A_83, %broadcast_in_dim3A_89, %select_n3A_80 : vector<16x24xi1>, vector<16x24xf32>
      %eq3A_91 = arith.constant 2 : i32
      %eq3A_92 = vector.broadcast %eq3A_91 : i32 to vector<16x24xi32>
      %eq3A_93 = arith.cmpi eq, %iota3A_68, %eq3A_92 : vector<16x24xi32>
      %get3A_94 = arith.constant 0 : index
      %get3A_95 = arith.constant 2 : index
      %get3A_96 = memref.load %arg8[%get3A_94, %get3A_95] : memref<1x16xf32, #tpu.memory_space<smem>>
      %max3A_97 = arith.constant 1.000000e+00 : f32
      %max3A_98 = arith.maximumf %get3A_96, %max3A_97 : f32
      %broadcast_in_dim3A_99 = vector.broadcast %max3A_98 : f32 to vector<16x24xf32>
      %select_n3A_100 = arith.select %eq3A_93, %broadcast_in_dim3A_99, %select_n3A_90 : vector<16x24xi1>, vector<16x24xf32>
      %eq3A_101 = arith.constant 3 : i32
      %eq3A_102 = vector.broadcast %eq3A_101 : i32 to vector<16x24xi32>
      %eq3A_103 = arith.cmpi eq, %iota3A_68, %eq3A_102 : vector<16x24xi32>
      %get3A_104 = arith.constant 0 : index
      %get3A_105 = arith.constant 3 : index
      %get3A_106 = memref.load %arg8[%get3A_104, %get3A_105] : memref<1x16xf32, #tpu.memory_space<smem>>
      %max3A_107 = arith.constant 1.000000e+00 : f32
      %max3A_108 = arith.maximumf %get3A_106, %max3A_107 : f32
      %broadcast_in_dim3A_109 = vector.broadcast %max3A_108 : f32 to vector<16x24xf32>
      %select_n3A_110 = arith.select %eq3A_103, %broadcast_in_dim3A_109, %select_n3A_100 : vector<16x24xi1>, vector<16x24xf32>
      %eq3A_111 = arith.constant 4 : i32
      %eq3A_112 = vector.broadcast %eq3A_111 : i32 to vector<16x24xi32>
      %eq3A_113 = arith.cmpi eq, %iota3A_68, %eq3A_112 : vector<16x24xi32>
      %get3A_114 = arith.constant 0 : index
      %get3A_115 = arith.constant 4 : index
      %get3A_116 = memref.load %arg8[%get3A_114, %get3A_115] : memref<1x16xf32, #tpu.memory_space<smem>>
      %max3A_117 = arith.constant 1.000000e+00 : f32
      %max3A_118 = arith.maximumf %get3A_116, %max3A_117 : f32
      %broadcast_in_dim3A_119 = vector.broadcast %max3A_118 : f32 to vector<16x24xf32>
      %select_n3A_120 = arith.select %eq3A_113, %broadcast_in_dim3A_119, %select_n3A_110 : vector<16x24xi1>, vector<16x24xf32>
      %eq3A_121 = arith.constant 5 : i32
      %eq3A_122 = vector.broadcast %eq3A_121 : i32 to vector<16x24xi32>
      %eq3A_123 = arith.cmpi eq, %iota3A_68, %eq3A_122 : vector<16x24xi32>
      %get3A_124 = arith.constant 0 : index
      %get3A_125 = arith.constant 5 : index
      %get3A_126 = memref.load %arg8[%get3A_124, %get3A_125] : memref<1x16xf32, #tpu.memory_space<smem>>
      %max3A_127 = arith.constant 1.000000e+00 : f32
      %max3A_128 = arith.maximumf %get3A_126, %max3A_127 : f32
      %broadcast_in_dim3A_129 = vector.broadcast %max3A_128 : f32 to vector<16x24xf32>
      %select_n3A_130 = arith.select %eq3A_123, %broadcast_in_dim3A_129, %select_n3A_120 : vector<16x24xi1>, vector<16x24xf32>
      %eq3A_131 = arith.constant 6 : i32
      %eq3A_132 = vector.broadcast %eq3A_131 : i32 to vector<16x24xi32>
      %eq3A_133 = arith.cmpi eq, %iota3A_68, %eq3A_132 : vector<16x24xi32>
      %get3A_134 = arith.constant 0 : index
      %get3A_135 = arith.constant 6 : index
      %get3A_136 = memref.load %arg8[%get3A_134, %get3A_135] : memref<1x16xf32, #tpu.memory_space<smem>>
      %max3A_137 = arith.constant 1.000000e+00 : f32
      %max3A_138 = arith.maximumf %get3A_136, %max3A_137 : f32
      %broadcast_in_dim3A_139 = vector.broadcast %max3A_138 : f32 to vector<16x24xf32>
      %select_n3A_140 = arith.select %eq3A_133, %broadcast_in_dim3A_139, %select_n3A_130 : vector<16x24xi1>, vector<16x24xf32>
      %eq3A_141 = arith.constant 7 : i32
      %eq3A_142 = vector.broadcast %eq3A_141 : i32 to vector<16x24xi32>
      %eq3A_143 = arith.cmpi eq, %iota3A_68, %eq3A_142 : vector<16x24xi32>
      %get3A_144 = arith.constant 0 : index
      %get3A_145 = arith.constant 7 : index
      %get3A_146 = memref.load %arg8[%get3A_144, %get3A_145] : memref<1x16xf32, #tpu.memory_space<smem>>
      %max3A_147 = arith.constant 1.000000e+00 : f32
      %max3A_148 = arith.maximumf %get3A_146, %max3A_147 : f32
      %broadcast_in_dim3A_149 = vector.broadcast %max3A_148 : f32 to vector<16x24xf32>
      %select_n3A_150 = arith.select %eq3A_143, %broadcast_in_dim3A_149, %select_n3A_140 : vector<16x24xi1>, vector<16x24xf32>
      %eq3A_151 = arith.constant 8 : i32
      %eq3A_152 = vector.broadcast %eq3A_151 : i32 to vector<16x24xi32>
      %eq3A_153 = arith.cmpi eq, %iota3A_68, %eq3A_152 : vector<16x24xi32>
      %get3A_154 = arith.constant 0 : index
      %get3A_155 = arith.constant 8 : index
      %get3A_156 = memref.load %arg8[%get3A_154, %get3A_155] : memref<1x16xf32, #tpu.memory_space<smem>>
      %max3A_157 = arith.constant 1.000000e+00 : f32
      %max3A_158 = arith.maximumf %get3A_156, %max3A_157 : f32
      %broadcast_in_dim3A_159 = vector.broadcast %max3A_158 : f32 to vector<16x24xf32>
      %select_n3A_160 = arith.select %eq3A_153, %broadcast_in_dim3A_159, %select_n3A_150 : vector<16x24xi1>, vector<16x24xf32>
      %eq3A_161 = arith.constant 9 : i32
      %eq3A_162 = vector.broadcast %eq3A_161 : i32 to vector<16x24xi32>
      %eq3A_163 = arith.cmpi eq, %iota3A_68, %eq3A_162 : vector<16x24xi32>
      %get3A_164 = arith.constant 0 : index
      %get3A_165 = arith.constant 9 : index
      %get3A_166 = memref.load %arg8[%get3A_164, %get3A_165] : memref<1x16xf32, #tpu.memory_space<smem>>
      %max3A_167 = arith.constant 1.000000e+00 : f32
      %max3A_168 = arith.maximumf %get3A_166, %max3A_167 : f32
      %broadcast_in_dim3A_169 = vector.broadcast %max3A_168 : f32 to vector<16x24xf32>
      %select_n3A_170 = arith.select %eq3A_163, %broadcast_in_dim3A_169, %select_n3A_160 : vector<16x24xi1>, vector<16x24xf32>
      %eq3A_171 = arith.constant 10 : i32
      %eq3A_172 = vector.broadcast %eq3A_171 : i32 to vector<16x24xi32>
      %eq3A_173 = arith.cmpi eq, %iota3A_68, %eq3A_172 : vector<16x24xi32>
      %get3A_174 = arith.constant 0 : index
      %get3A_175 = arith.constant 10 : index
      %get3A_176 = memref.load %arg8[%get3A_174, %get3A_175] : memref<1x16xf32, #tpu.memory_space<smem>>
      %max3A_177 = arith.constant 1.000000e+00 : f32
      %max3A_178 = arith.maximumf %get3A_176, %max3A_177 : f32
      %broadcast_in_dim3A_179 = vector.broadcast %max3A_178 : f32 to vector<16x24xf32>
      %select_n3A_180 = arith.select %eq3A_173, %broadcast_in_dim3A_179, %select_n3A_170 : vector<16x24xi1>, vector<16x24xf32>
      %eq3A_181 = arith.constant 11 : i32
      %eq3A_182 = vector.broadcast %eq3A_181 : i32 to vector<16x24xi32>
      %eq3A_183 = arith.cmpi eq, %iota3A_68, %eq3A_182 : vector<16x24xi32>
      %get3A_184 = arith.constant 0 : index
      %get3A_185 = arith.constant 11 : index
      %get3A_186 = memref.load %arg8[%get3A_184, %get3A_185] : memref<1x16xf32, #tpu.memory_space<smem>>
      %max3A_187 = arith.constant 1.000000e+00 : f32
      %max3A_188 = arith.maximumf %get3A_186, %max3A_187 : f32
      %broadcast_in_dim3A_189 = vector.broadcast %max3A_188 : f32 to vector<16x24xf32>
      %select_n3A_190 = arith.select %eq3A_183, %broadcast_in_dim3A_189, %select_n3A_180 : vector<16x24xi1>, vector<16x24xf32>
      %eq3A_191 = arith.constant 12 : i32
      %eq3A_192 = vector.broadcast %eq3A_191 : i32 to vector<16x24xi32>
      %eq3A_193 = arith.cmpi eq, %iota3A_68, %eq3A_192 : vector<16x24xi32>
      %get3A_194 = arith.constant 0 : index
      %get3A_195 = arith.constant 12 : index
      %get3A_196 = memref.load %arg8[%get3A_194, %get3A_195] : memref<1x16xf32, #tpu.memory_space<smem>>
      %max3A_197 = arith.constant 1.000000e+00 : f32
      %max3A_198 = arith.maximumf %get3A_196, %max3A_197 : f32
      %broadcast_in_dim3A_199 = vector.broadcast %max3A_198 : f32 to vector<16x24xf32>
      %select_n3A_200 = arith.select %eq3A_193, %broadcast_in_dim3A_199, %select_n3A_190 : vector<16x24xi1>, vector<16x24xf32>
      %eq3A_201 = arith.constant 13 : i32
      %eq3A_202 = vector.broadcast %eq3A_201 : i32 to vector<16x24xi32>
      %eq3A_203 = arith.cmpi eq, %iota3A_68, %eq3A_202 : vector<16x24xi32>
      %get3A_204 = arith.constant 0 : index
      %get3A_205 = arith.constant 13 : index
      %get3A_206 = memref.load %arg8[%get3A_204, %get3A_205] : memref<1x16xf32, #tpu.memory_space<smem>>
      %max3A_207 = arith.constant 1.000000e+00 : f32
      %max3A_208 = arith.maximumf %get3A_206, %max3A_207 : f32
      %broadcast_in_dim3A_209 = vector.broadcast %max3A_208 : f32 to vector<16x24xf32>
      %select_n3A_210 = arith.select %eq3A_203, %broadcast_in_dim3A_209, %select_n3A_200 : vector<16x24xi1>, vector<16x24xf32>
      %eq3A_211 = arith.constant 14 : i32
      %eq3A_212 = vector.broadcast %eq3A_211 : i32 to vector<16x24xi32>
      %eq3A_213 = arith.cmpi eq, %iota3A_68, %eq3A_212 : vector<16x24xi32>
      %get3A_214 = arith.constant 0 : index
      %get3A_215 = arith.constant 14 : index
      %get3A_216 = memref.load %arg8[%get3A_214, %get3A_215] : memref<1x16xf32, #tpu.memory_space<smem>>
      %max3A_217 = arith.constant 1.000000e+00 : f32
      %max3A_218 = arith.maximumf %get3A_216, %max3A_217 : f32
      %broadcast_in_dim3A_219 = vector.broadcast %max3A_218 : f32 to vector<16x24xf32>
      %select_n3A_220 = arith.select %eq3A_213, %broadcast_in_dim3A_219, %select_n3A_210 : vector<16x24xi1>, vector<16x24xf32>
      %eq3A_221 = arith.constant 15 : i32
      %eq3A_222 = vector.broadcast %eq3A_221 : i32 to vector<16x24xi32>
      %eq3A_223 = arith.cmpi eq, %iota3A_68, %eq3A_222 : vector<16x24xi32>
      %get3A_224 = arith.constant 0 : index
      %get3A_225 = arith.constant 15 : index
      %get3A_226 = memref.load %arg8[%get3A_224, %get3A_225] : memref<1x16xf32, #tpu.memory_space<smem>>
      %max3A_227 = arith.constant 1.000000e+00 : f32
      %max3A_228 = arith.maximumf %get3A_226, %max3A_227 : f32
      %broadcast_in_dim3A_229 = vector.broadcast %max3A_228 : f32 to vector<16x24xf32>
      %select_n3A_230 = arith.select %eq3A_223, %broadcast_in_dim3A_229, %select_n3A_220 : vector<16x24xi1>, vector<16x24xf32>
      %div3A = arith.divf %dot_general3A_67, %select_n3A_230 : vector<16x24xf32>
      %get3A_231 = arith.constant 0 : index
      %get3A_232 = arith.constant 0 : index
      %get3A_233 = vector.load %arg7[%get3A_231, %get3A_232] : memref<1x24xf32, #tpu.memory_space<vmem>>, vector<1x24xf32>
      %add3A_234 = vector.broadcast %get3A_233 : vector<1x24xf32> to vector<16x24xf32>
      %add3A_235 = arith.addf %div3A, %add3A_234 : vector<16x24xf32>
      %swap3A_236 = arith.constant 0 : index
      %swap3A_237 = arith.constant 0 : index
      %swap3A_238 = vector.load %arg9[%swap3A_236, %swap3A_237] : memref<16x24xf32, #tpu.memory_space<vmem>>, vector<16x24xf32>
      tpu.vector_store %arg9[%swap3A_236, %swap3A_237], %add3A_235 {strides = array<i32>} : memref<16x24xf32, #tpu.memory_space<vmem>>, vector<16x24xf32>,
    } else {
    }
    return
  }
  func.func @transform_0(%arg0: i32) -> (i32, i32, i32) {
    %c0_i32 = arith.constant 0 : i32
    %c0_i32_0 = arith.constant 0 : i32
    %c0_i32_1 = arith.constant 0 : i32
    return %c0_i32, %arg0, %c0_i32_0 : i32, i32, i32
  }
  func.func @transform_1(%arg0: i32) -> (i32, i32, i32) {
    %c0_i32 = arith.constant 0 : i32
    %c0_i32_0 = arith.constant 0 : i32
    %c0_i32_1 = arith.constant 0 : i32
    return %c0_i32, %c0_i32_0, %arg0 : i32, i32, i32
  }
  func.func @transform_2(%arg0: i32) -> (i32, i32) {
    %c0_i32 = arith.constant 0 : i32
    %c0_i32_0 = arith.constant 0 : i32
    return %arg0, %c0_i32 : i32, i32
  }
  func.func @transform_3(%arg0: i32) -> (i32, i32) {
    %c0_i32 = arith.constant 0 : i32
    %c0_i32_0 = arith.constant 0 : i32
    %c0_i32_1 = arith.constant 0 : i32
    return %c0_i32, %c0_i32_0 : i32, i32
  }
  func.func @transform_4(%arg0: i32) -> (i32, i32) {
    %c0_i32 = arith.constant 0 : i32
    %c0_i32_0 = arith.constant 0 : i32
    %c0_i32_1 = arith.constant 0 : i32
    return %c0_i32, %c0_i32_0 : i32, i32
  }
  func.func @transform_5(%arg0: i32) -> (i32, i32) {
    %c0_i32 = arith.constant 0 : i32
    %c0_i32_0 = arith.constant 0 : i32
    %c0_i32_1 = arith.constant 0 : i32
    return %c0_i32, %c0_i32_0 : i32, i32
  }
  func.func @transform_6(%arg0: i32) -> (i32, i32) {
    %c0_i32 = arith.constant 0 : i32
    %c0_i32_0 = arith.constant 0 : i32
    %c0_i32_1 = arith.constant 0 : i32
    return %c0_i32, %c0_i32_0 : i32, i32
  }
  func.func @transform_7(%arg0: i32) -> (i32, i32) {
    %c0_i32 = arith.constant 0 : i32
    %c0_i32_0 = arith.constant 0 : i32
    %c0_i32_1 = arith.constant 0 : i32
    return %c0_i32, %c0_i32_0 : i32, i32
  }
  func.func @transform_8(%arg0: i32) -> (i32, i32) {
    %c0_i32 = arith.constant 0 : i32
    %c0_i32_0 = arith.constant 0 : i32
    %c0_i32_1 = arith.constant 0 : i32
    return %c0_i32, %c0_i32_0 : i32, i32
  }
}

</mosaic_0001>

<sc_bundles>
// kernel: kernel.6.cloned.1.call-start
scs
__scs_entry_jumppad:
0x0: {  	(pc) =	sbr.rel $0x88, $3  }
0x1: {  	(tag) =	ssettag $0x0;
	lr =	simm.s32 $0x1  }
0x2: {  	[smem:$0x3F9A] =	sst lr;
	_ =	strace $0xD0000000  }
0x3: {  	_ = 	snop  }
0x4: {  	_ = 	snop  }
0x5: {  	_ = 	snop  }
0x6: {  	_ = 	snop  }
0x7: {  	_ = 	snop  }
__scs_overlays_trampoline_lowered:
0x8: {  	[smem:$0x3FA9] =	sst s0  }
0x9: {  	[smem:$0x3FAA] =	sst s1  }
0xa: {  	[smem:$0x3FAB] =	sst s2  }
0xb: {  	[smem:$0x3FAC] =	sst s3  }
0xc: {  	[smem:$0x3FAD] =	sst s4  }
0xd: {  	[smem:$0x3FAE] =	sst s5  }
0xe: {  	[smem:$0x3FAF] =	sst s6  }
0xf: {  	[smem:$0x3FB0] =	sst s7  }
0x10: {  	[smem:$0x3FB1] =	sst s8  }
0x11: {  	[smem:$0x3FB2] =	sst s9;
	s0 =	simm.s32 @!p0 $0x0  }
0x12: {  	s1 =	sld [smem:$0x3F98];
	s0 =	simm.s32 @p0 $0x1  }
0x13: {  	[smem:$0x3FB3] =	sst s0;
	s0 =	simm.s32 @!p1 $0x0  }
0x14: {  	s2 =	sld [smem:$0x3F97];
	s0 =	simm.s32 @p1 $0x1  }
0x15: {  	[smem:$0x3FB4] =	sst s0;
	s0 =	simm.s32 @!p2 $0x0  }
0x16: {  	s3 =	sld [smem:$0x3FDB];
	s0 =	simm.s32 @p2 $0x1  }
0x17: {  	s4 =	simm.s32 $0x1BF5;
	[smem:$0x3FB6] =	sst s0  }
0x18: {  	s0 =	sld [smem:$0x3F99];
	_ =	swait.ge [sflag:s4], $0x0  }
0x19: {  	s7 =	sld [smem:$0x3F9A]  }
0x1a: {  	s8 =	sadd.s32 $0xFFFFE003, lr  }
0x1b: {  	s9 =	sadd.s32 $0xFFFFFEF7, lr;
	s5 =	simm.s32 $0xFFFFFFFF;
	p2 =	slt.u32 s8, $0xFFFFF086  }
0x1c: {  	p1 =	slt.u32 s9, $0xF7A;
	s5 =	simm.s32 @!p2 $0x0  }
0x1d: {  	s5 =	simm.s32 @p1 $0x1;
	p0 =	seq.s32 s7, s2  }
0x1e: {  	s7 =	smul.u32 @!p0 $0xF7A, s2;
	p2 =	seq.s32 @!p0 s5, $0x0  }
0x1f: {  	s9 =	smul.u32 $0xF7A, s1;
	s8 =	simm.s32 @!p0 $0x1BF5;
	p2 =	por !p2, p0  }
0x20: {  	[sflag:s8] =	ssyncset.s32 @!p0 $0xFFFFF086;
	s6 =	sadd.s32 @!p0 s3, s7;
	s7 =	simm.s32 @!p0 $0x108  }
0x21: {  	s3 =	sadd.s32 s3, s9;
	s6 =	sadd.s32 @!p0 $0x88, s6;
	s7 =	simm.s32 @p2 $0x1082  }
0x22: {  	[simem:s7], [sflag:s8] =	dma.local @!p0 [hbm:s6], $0xF7A  }
0x23: {  	s9 =	sor.u32 $0xD0000000, s2;
	s6 =	simm.s32 $0x108;
	_ =	swait.ge @!p0 [sflag:s8], $0x0  }
0x24: {  	s3 =	sadd.s32 $0x88, s3;
	s6 =	simm.s32 @!p1 $0x1082;
	[sflag:s4] =	ssyncset.s32 $0xFFFFF086  }
0x25: {  	[simem:s6], [sflag:s4] =	dma.local [hbm:s3], $0xF7A  }
0x26: {  	[smem:$0x3F9A] =	sst s1;
	(tag) =	ssettag s2;
	_ =	strace s9  }
0x27: {  	s1 =	sld [smem:$0x3FAA]  }
0x28: {  	s2 =	sld [smem:$0x3FAB]  }
0x29: {  	s4 =	sld [smem:$0x3FAD]  }
0x2a: {  	p0 =	seq.s32 s5, $0x0;
	s5 =	sld [smem:$0x3FAE]  }
0x2b: {  	s6 =	sld [smem:$0x3FAF]  }
0x2c: {  	s7 =	sld [smem:$0x3FB0]  }
0x2d: {  	s3 =	simm.s32 $0x108;
	s8 =	sld [smem:$0x3FB1]  }
0x2e: {  	s3 =	simm.s32 @!p0 $0x1082;
	s9 =	sld [smem:$0x3FB2]  }
0x2f: {  	lr =	sadd.s32 s0, s3;
	s0 =	sld [smem:$0x3FA9]  }
0x30: {  	s3 =	sld [smem:$0x3FAC]  }
0x31: {  	[smem:$0x3FB5] =	sst s10  }
0x32: {  	s10 =	sld [smem:$0x3FB3];
	_ =	sdelay $0x3  }
0x33: {  	p0 =	seq.s32 s10, $0x1;
	s10 =	sld [smem:$0x3FB5];
	_ =	sdelay $0x3  }
0x34: {  	[smem:$0x3FB5] =	sst s10  }
0x35: {  	s10 =	sld [smem:$0x3FB4];
	_ =	sdelay $0x3  }
0x36: {  	p1 =	seq.s32 s10, $0x1;
	s10 =	sld [smem:$0x3FB5];
	_ =	sdelay $0x3  }
0x37: {  	[smem:$0x3FB5] =	sst s10  }
0x38: {  	s10 =	sld [smem:$0x3FB6]  }
0x39: {  	_ = 	snop;
	(pc) =	sbr.ind lr, $3  }
0x3a: {  	_ = 	snop  }
0x3b: {  	_ = 	snop  }
0x3c: {  	p2 =	seq.s32 s10, $0x1;
	s10 =	sld [smem:$0x3FB5]  }
0x3d: {  	_ =	shalt  }
0x3e: {  	_ =	shalt  }
0x3f: {  	_ =	shalt  }
0x40: {  	_ =	shalt  }
0x41: {  	_ =	shalt  }
0x42: {  	_ =	shalt  }
0x43: {  	_ =	shalt  }
0x44: {  	_ =	shalt  }
0x45: {  	_ =	shalt  }
0x46: {  	_ =	shalt  }
0x47: {  	_ =	shalt  }
0x48: {  	_ =	shalt  }
0x49: {  	_ =	shalt  }
0x4a: {  	_ =	shalt  }
0x4b: {  	_ =	shalt  }
0x4c: {  	_ =	shalt  }
0x4d: {  	_ =	shalt  }
0x4e: {  	_ =	shalt  }
0x4f: {  	_ =	shalt  }
0x50: {  	_ =	shalt  }
0x51: {  	_ =	shalt  }
0x52: {  	_ =	shalt  }
0x53: {  	_ =	shalt  }
0x54: {  	_ =	shalt  }
0x55: {  	_ =	shalt  }
0x56: {  	_ =	shalt  }
0x57: {  	_ =	shalt  }
0x58: {  	_ =	shalt  }
0x59: {  	_ =	shalt  }
0x5a: {  	_ =	shalt  }
0x5b: {  	_ =	shalt  }
0x5c: {  	_ =	shalt  }
0x5d: {  	_ =	shalt  }
0x5e: {  	_ =	shalt  }
0x5f: {  	_ =	shalt  }
0x60: {  	_ =	shalt  }
0x61: {  	_ =	shalt  }
0x62: {  	_ =	shalt  }
0x63: {  	_ =	shalt  }
0x64: {  	_ =	shalt  }
0x65: {  	_ =	shalt  }
0x66: {  	_ =	shalt  }
0x67: {  	_ =	shalt  }
0x68: {  	_ =	shalt  }
0x69: {  	_ =	shalt  }
0x6a: {  	_ =	shalt  }
0x6b: {  	_ =	shalt  }
0x6c: {  	_ =	shalt  }
0x6d: {  	_ =	shalt  }
0x6e: {  	_ =	shalt  }
0x6f: {  	_ =	shalt  }
0x70: {  	_ =	shalt  }
0x71: {  	_ =	shalt  }
0x72: {  	_ =	shalt  }
0x73: {  	_ =	shalt  }
0x74: {  	_ =	shalt  }
0x75: {  	_ =	shalt  }
0x76: {  	_ =	shalt  }
0x77: {  	_ =	shalt  }
0x78: {  	_ =	shalt  }
0x79: {  	_ =	shalt  }
0x7a: {  	_ =	shalt  }
0x7b: {  	_ =	shalt  }
0x7c: {  	_ =	shalt  }
0x7d: {  	_ =	shalt  }
0x7e: {  	_ =	shalt  }
0x7f: {  	_ =	shalt  }
0x80: {  	_ =	shalt  }
0x81: {  	_ =	shalt  }
0x82: {  	_ =	shalt  }
0x83: {  	_ =	shalt  }
0x84: {  	_ =	shalt  }
0x85: {  	_ =	shalt  }
0x86: {  	_ =	shalt  }
0x87: {  	_ =	shalt  }
.Lfunc_end0:
.L_simem_size_0:
called_computation_lowered:
.L_overlay_start_0:
0x88: {  	s2 =	sld [smem:$0x3FD9]  }
0x89: {  	s3 =	sld [smem:$0x3FFE];
	_ =	sdelay $0x1  }
0x8a: {  	s1 =	srdreg.scid  }
0x8b: {  	s0 =	sand.u32 $0x1, s1  }
0x8c: {  	s16 =	sshll.u32 s0, $0xA;
	s2 =	sadd.s32 s3, s2  }
0x8d: {  	s2 =	sadd.s32 s2, s16  }
0x8e: {  	[smem:$0x3FC1] =	sst s2  }
0x8f: {  	_ = 	snop  }
0x90: {  	(tm) =	ssettm $0x1  }
0x91: {  	s17 =	sld [smem:$0x3FFB];
	_ =	sdelay $0x3  }
0x92: {  	_ =	strace s17  }
0x93: {  	s2 =	sld [smem:$0x3FFC];
	_ =	sdelay $0x3  }
0x94: {  	_ =	strace s2  }
0x95: {  	s2 =	sld [smem:$0x3FFD];
	_ =	sdelay $0x3  }
0x96: {  	_ =	strace s2  }
0x97: {  	_ =	strace $0x8FFFFFFF  }
0x98: {  	s18 =	sld [smem:$0x3FDB];
	_ =	sdelay $0x1  }
0x99: {  	s19 =	simm.s32 $_scs_section_size  }
0x9a: {  	s4 =	simm.s32 $_size__tile_overlayer_lowered;
	s5 =	simm.s32 $_tile_overlayer_lowered  }
0x9b: {  	s22 =	simm.s32 $0x1BFF;
	s21 =	sshll.u32 s5, $0x1;
	s2 =	sadd.s32 s19, s18  }
0x9c: {  	s6 =	simm.s32 $0x0;
	s20 =	sshll.u32 s4, $0x1;
	s4 =	sadd.s32 s21, s2  }
0x9d: {  	[timem:s6], [sflag:s22] =	dma.local [hbm:s4], s20  }
0x9e: {  	_ =	swait.ge [sflag:s22], s20  }
0x9f: {  	s3 =	ssub.s32 $0x0, s20;
	[sflag:s22] =	ssyncset.done $0x0  }
0xa0: {  	[sflag:s22] =	ssyncadd.s32 s3;
	_ =	sdelay $0x1  }
0xa1: {  	s23 =	simm.s32 $0x1B8B  }
0xa2: {  	_ =	swait.ge [sflag:s23], $0x1  }
0xa3: {  	[sflag:s23] =	ssyncset.done $0x0  }
0xa4: {  	s25 =	simm.s32 $0x1B8E;
	s24 =	sld [smem:$0x3FFE];
	[sflag:s23] =	ssyncadd.s32 $0xFFFFFFFF  }
0xa5: {  	s26 =	simm.s32 $execute0_lowered;
	[smem:$0x3FD2] =	sst s25  }
0xa6: {  	s4 =	sshll.u32 s26, $0x1;
	_ =	strace $0x80000046;
	[dreg:$0x1] =	wrdreg $0xFFFFFFFF  }
0xa7: {  	s28 =	simm.s32 $_size_execute0_lowered;
	s2 =	sadd.s32 s2, s4;
	[dreg:$0x0] =	wrdreg $0x0  }
0xa8: {  	s4 =	sshll.u32 s28, $0x1;
	[dreg:$0x2] =	wrdreg s2  }
0xa9: {  	[dreg:$0x3] =	wrdreg s4  }
0xaa: {  	[dreg:$0x4] =	wrdreg $0xC0  }
0xab: {  	_ =	task [dreg:s6], $0x5FFFF  }
0xac: {  	[dreg:$0x1] =	wrdreg $0xFFFFFFFF  }
0xad: {  	[dreg:$0x0] =	wrdreg $0x60  }
0xae: {  	[dreg:$0x2] =	wrdreg s24  }
0xaf: {  	[dreg:$0x3] =	wrdreg $0xC000  }
0xb0: {  	[dreg:$0x4] =	wrdreg $0x9  }
0xb1: {  	_ =	task.clear_ibuf [dreg:s6], $0x5FFFF;
	_ =	strace $0x90000046  }
0xb2: {  	s29 =	simm.s32 $0x9;
	_ =	strace $0x80000048  }
0xb3: {  	_ =	swait.ge [sflag:s29], $0x1  }
0xb4: {  	[sflag:s29] =	ssyncadd.s32 $0xFFFFFFFF  }
0xb5: {  	_ =	strace $0x90000048  }
0xb6: {  	_ =	sfence  }
0xb7: {  	s30 =	sld [smem:$0x0];
	_ =	sdelay $0x2  }
0xb8: {  	s31 =	sshll.u32 s1, $0xD;
	s1 =	sshrl.u32 s1, $0x2  }
0xb9: {  	s3 =	sand.u32 $0x4000, s31;
	s1 =	sadd.s32 s1, s30  }
0xba: {  	s0 =	sor.u32 s3, s0;
	s1 =	sshll.u32 s1, $0x11  }
0xbb: {  	s0 =	sor.u32 s1, s0  }
0xbc: {  	s0 =	sadd.s32 $0x8F2B, s0  }
0xbd: {  	[sflag:s0] =	ssyncadd.remote.s32 $0x1  }
0xbe: {  	_ =	sfence.sel $0xFFFF  }
0xbf: {  	[dreg:$0x0] =	wrdreg $0xFFFFFFFF;
	(pc) =	sbr.abs _section_cstart, $3  }
0xc0: {  	[dreg:$0x1] =	wrdreg $0xFFFFFFFF  }
0xc1: {  	_ =	task.clear_ibuf [dreg:s6], $0x2FFFF;
	_ =	strace $0x9FFFFFFF  }
0xc2: {  	(tm) =	ssettm $0x7FFFFFFF  }
0xc3: {  	_ =	shalt  }
tec
execute0_lowered:
.L_overlay_start_1:
0x0: {  	(tag) =	ssettag $0x1  }
0x1: {  	s6 =	rddreg [dreg:$0x0]  }
0x2: {  	s2 =	rddreg [dreg:$0x1]  }
0x3: {  	s0 =	rddreg [dreg:$0x2];
	s4 =	srdreg.scid  }
0x4: {  	s3 =	simm.s32 $0x0;
	s1 =	stileid.u32;
	s14 =	simm.s32 $0x1  }
0x5: {  	s15 =	simm.s32 $0x400;
	s16 =	simm.s32 $0x800;
	s17 =	simm.s32 $0x2  }
0x6: {  	s18 =	simm.s32 $0x0;
	s7 =	sand.u32 $0x1, s4;
	s8 =	smul.u32 $0xC80, s1  }
0x7: {  	[smem:$0x7FF] =	sst s3;
	s5 =	sadd.s32 $0x65600, s6;
	s13 =	smul.u32 $0xCC00, s1  }
0x8: {  	s28 =	sshll.u32 s1, $0x6;
	s4 =	sshll.u32 s7, $0x4;
	s9 =	smul.u32 $0xC800, s7  }
0x9: {  	_ =	strace $0x80000047;
	s11 =	ssub.s32 $0x2, s7;
	s7 =	smul.u32 $0xCC000, s7  }
0xa: {  	s10 =	sor.u32 s1, s4;
	s4 =	sadd.s32 $0x32600, s6;
	s12 =	sshrl.u32 s11, $0x1  }
0xb: {  	s26 =	sadd.s32 s8, s2;
	s10 =	smul.u32 $0xCC00, s10;
	s9 =	sadd.s32 s8, s9  }
0xc: {  	s11 =	ssub.s32 s11, s12;
	s30 =	sadd.s32 s13, s7;
	s9 =	sshrl.u32 s9, $0x3  }
0xd: {  	s12 =	sshrl.u32 s26, $0x3;
	s13 =	sadd.s32 $0x400, s30;
	s9 =	sadd.s32 s9, s6  }
0xe: {  	s29 =	sshrl.u32 s10, $0x3;
	s6 =	sor.u32 $0x1C03, s28;
	s31 =	sshrl.u32 s13, $0x3  }
0xf: {  	s10 =	sadd.s32 $0x800, s30;
	s13 =	simm.s32 $0x3;
	s7 =	sadd.s32 s4, s29  }
0x10: {  	v0 =	vimm.f32 $1.000000000e+00;
	s8 =	sadd.s32 $0x67000, s9;
	s9 =	smax.u32 s11, $0x1;
	s11 =	sadd.s32 s31, s4  }
.LBB2_1:
0x11: {  	[tilespmem:$0x800] =	vst v0  }
0x12: {  	[tilespmem:$0x810] =	vst v0  }
0x13: {  	[tilespmem:$0x820] =	vst v0  }
0x14: {  	[tilespmem:$0x830] =	vst v0  }
0x15: {  	[tilespmem:$0x840] =	vst v0  }
0x16: {  	[tilespmem:$0x850] =	vst v0  }
0x17: {  	[tilespmem:$0x860] =	vst v0  }
0x18: {  	[tilespmem:$0x870] =	vst v0  }
0x19: {  	[tilespmem:$0x880] =	vst v0  }
0x1a: {  	[tilespmem:$0x890] =	vst v0  }
0x1b: {  	[tilespmem:$0x8A0] =	vst v0  }
0x1c: {  	[tilespmem:$0x8B0] =	vst v0  }
0x1d: {  	[tilespmem:$0x8C0] =	vst v0  }
0x1e: {  	[tilespmem:$0x8D0] =	vst v0  }
0x1f: {  	[tilespmem:$0x8E0] =	vst v0  }
0x20: {  	[tilespmem:$0x8F0] =	vst v0  }
0x21: {  	[tilespmem:$0x900] =	vst v0  }
0x22: {  	[tilespmem:$0x910] =	vst v0  }
0x23: {  	[tilespmem:$0x920] =	vst v0  }
0x24: {  	[tilespmem:$0x930] =	vst v0  }
0x25: {  	[tilespmem:$0x940] =	vst v0  }
0x26: {  	[tilespmem:$0x950] =	vst v0  }
0x27: {  	[tilespmem:$0x960] =	vst v0  }
0x28: {  	[tilespmem:$0x970] =	vst v0  }
0x29: {  	[tilespmem:$0x980] =	vst v0  }
0x2a: {  	[tilespmem:$0x990] =	vst v0  }
0x2b: {  	[tilespmem:$0x9A0] =	vst v0  }
0x2c: {  	[tilespmem:$0x9B0] =	vst v0  }
0x2d: {  	[tilespmem:$0x9C0] =	vst v0  }
0x2e: {  	[tilespmem:$0x9D0] =	vst v0  }
0x2f: {  	[tilespmem:$0x9E0] =	vst v0  }
0x30: {  	[tilespmem:$0x9F0] =	vst v0  }
0x31: {  	[tilespmem:$0xA00] =	vst v0  }
0x32: {  	[tilespmem:$0xA10] =	vst v0  }
0x33: {  	[tilespmem:$0xA20] =	vst v0  }
0x34: {  	[tilespmem:$0xA30] =	vst v0  }
0x35: {  	[tilespmem:$0xA40] =	vst v0  }
0x36: {  	[tilespmem:$0xA50] =	vst v0  }
0x37: {  	[tilespmem:$0xA60] =	vst v0  }
0x38: {  	[tilespmem:$0xA70] =	vst v0  }
0x39: {  	[tilespmem:$0xA80] =	vst v0  }
0x3a: {  	[tilespmem:$0xA90] =	vst v0  }
0x3b: {  	[tilespmem:$0xAA0] =	vst v0  }
0x3c: {  	[tilespmem:$0xAB0] =	vst v0  }
0x3d: {  	[tilespmem:$0xAC0] =	vst v0  }
0x3e: {  	[tilespmem:$0xAD0] =	vst v0  }
0x3f: {  	[tilespmem:$0xAE0] =	vst v0  }
0x40: {  	[tilespmem:$0xAF0] =	vst v0  }
0x41: {  	[tilespmem:$0xB00] =	vst v0  }
0x42: {  	[tilespmem:$0xB10] =	vst v0  }
0x43: {  	[tilespmem:$0xB20] =	vst v0  }
0x44: {  	[tilespmem:$0xB30] =	vst v0  }
0x45: {  	[tilespmem:$0xB40] =	vst v0  }
0x46: {  	[tilespmem:$0xB50] =	vst v0  }
0x47: {  	[tilespmem:$0xB60] =	vst v0  }
0x48: {  	[tilespmem:$0xB70] =	vst v0  }
0x49: {  	[tilespmem:$0xB80] =	vst v0  }
0x4a: {  	[tilespmem:$0xB90] =	vst v0  }
0x4b: {  	[tilespmem:$0xBA0] =	vst v0  }
0x4c: {  	[tilespmem:$0xBB0] =	vst v0  }
0x4d: {  	[tilespmem:$0xBC0] =	vst v0  }
0x4e: {  	[tilespmem:$0xBD0] =	vst v0  }
0x4f: {  	[tilespmem:$0xBE0] =	vst v0  }
0x50: {  	[tilespmem:$0xBF0] =	vst v0  }
0x51: {  	[spmem:s12], [sflag:s6] =	dma.local [hbm:s5], $0x190  }
0x52: {  	_ =	swait.ge [sflag:s13], $0x190  }
0x53: {  	[sflag:s13] =	ssyncset.done $0x0  }
0x54: {  	[sflag:s13] =	ssyncadd.s32 $0xFFFFFE70  }
0x55: {  	[bflag:$0x0] =	sbarrier.arrive $0xFFFF  }
0x56: {  	[tilespmem:s3], [sflag:$0x1] =	stream.linear.gather [hbm4b:s7+s3], $0x400, $0x38;
	[tilespmem:$0x1880] =	vst v63  }
0x57: {  	_ =	swait.ge [sflag:s14], $0x400  }
0x58: {  	[sflag:s14] =	ssyncset.done $0x0  }
0x59: {  	[sflag:s14] =	ssyncadd.s32 $0xFFFFFC00  }
0x5a: {  	[spmem:s2] =	stream.indirect.scatter.add.f32 [tilespmem:s16], [sflag:$0x1], $0x1, s3, s15, $0xb8;
	[tilespmem:$0x1880] =	vst v63  }
0x5b: {  	s19 =	sadd.s32 $0x0, s11  }
0x5c: {  	[tilespmem:s15], [sflag:$0x2] =	stream.linear.gather [hbm4b:s19+s3], $0x400, $0x38;
	[tilespmem:$0x1880] =	vst v63  }
0x5d: {  	_ =	swait.ge [sflag:s17], $0x400  }
0x5e: {  	[sflag:s17] =	ssyncset.done $0x0  }
0x5f: {  	[sflag:s17] =	ssyncadd.s32 $0xFFFFFC00  }
0x60: {  	[spmem:s2] =	stream.indirect.scatter.add.f32 [tilespmem:s16], [sflag:$0x2], $0x1, s15, s15, $0xb8;
	[tilespmem:$0x1880] =	vst v63  }
0x61: {  	_ =	swait.ge [sflag:s14], $0x400  }
0x62: {  	s31 =	sshrl.u32 s10, $0x3;
	[sflag:s14] =	ssyncset.done $0x0  }
0x63: {  	s19 =	sadd.s32 s4, s31;
	[sflag:s14] =	ssyncadd.s32 $0xFFFFFC00  }
0x64: {  	[tilespmem:s3], [sflag:$0x1] =	stream.linear.gather [hbm4b:s19+s3], $0x400, $0x38;
	[tilespmem:$0x1880] =	vst v63  }
0x65: {  	_ =	swait.ge [sflag:s14], $0x400  }
0x66: {  	[sflag:s14] =	ssyncset.done $0x0  }
0x67: {  	[sflag:s14] =	ssyncadd.s32 $0xFFFFFC00  }
0x68: {  	_ =	swait.ge [sflag:s17], $0x400  }
0x69: {  	s20 =	smov.u32 s10;
	s19 =	simm.s32 $0x100;
	[sflag:s17] =	ssyncset.done $0x0  }
.LBB2_2:
0x6a: {  	p0 =	sne.s32 s19, $0x1800;
	[sflag:s17] =	ssyncadd.s32 $0xFFFFFC00;
	s20 =	sadd.s32 $0x800, s20  }
0x6b: {  	[spmem:s2] =	stream.indirect.scatter.add.f32 [tilespmem:s16], [sflag:$0x1], $0x1, s3, s15, $0xb8;
	[tilespmem:$0x1880] =	vst v63  }
0x6c: {  	s21 =	sadd.s32 s19, s11;
	s19 =	sadd.s32 $0x100, s19  }
0x6d: {  	[tilespmem:s15], [sflag:$0x2] =	stream.linear.gather [hbm4b:s21+s3], $0x400, $0x38;
	[tilespmem:$0x1880] =	vst v63  }
0x6e: {  	_ =	swait.ge [sflag:s17], $0x400  }
0x6f: {  	[sflag:s17] =	ssyncset.done $0x0  }
0x70: {  	[sflag:s17] =	ssyncadd.s32 $0xFFFFFC00  }
0x71: {  	[spmem:s2] =	stream.indirect.scatter.add.f32 [tilespmem:s16], [sflag:$0x2], $0x1, s15, s15, $0xb8;
	[tilespmem:$0x1880] =	vst v63  }
0x72: {  	_ =	swait.ge [sflag:s14], $0x400  }
0x73: {  	s21 =	sshrl.u32 s20, $0x3;
	[sflag:s14] =	ssyncset.done $0x0  }
0x74: {  	s21 =	sadd.s32 s4, s21;
	[sflag:s14] =	ssyncadd.s32 $0xFFFFFC00  }
0x75: {  	[tilespmem:s3], [sflag:$0x1] =	stream.linear.gather [hbm4b:s21+s3], $0x400, $0x38;
	[tilespmem:$0x1880] =	vst v63  }
.Ltmp0:
0x76: {  	_ =	swait.ge [sflag:s14], $0x400;
	(pc) =	sbr.rel @p0 .LBB2_2-.Ltmp0, $4  }
0x77: {  	[sflag:s14] =	ssyncset.done $0x0  }
0x78: {  	[sflag:s14] =	ssyncadd.s32 $0xFFFFFC00  }
0x79: {  	_ =	swait.ge [sflag:s17], $0x400  }
0x7a: {  	[sflag:s17] =	ssyncset.done $0x0  }
0x7b: {  	[sflag:s17] =	ssyncadd.s32 $0xFFFFFC00  }
0x7c: {  	[spmem:s2] =	stream.indirect.scatter.add.f32 [tilespmem:s16], [sflag:$0x3], $0x1, s3, s15, $0xb8;
	[tilespmem:$0x1880] =	vst v63  }
0x7d: {  	_ =	swait.ge [sflag:s13], $0x400  }
0x7e: {  	s18 =	sadd.s32 $0x1, s18;
	[sflag:s13] =	ssyncset.done $0x0  }
0x7f: {  	p0 =	sne.s32 s18, s9;
	[sflag:s13] =	ssyncadd.s32 $0xFFFFFC00  }
.Ltmp1:
0x80: {  	[bflag:$0x0] =	sbarrier.arrive $0xFFFF;
	(pc) =	sbr.rel @p0 .LBB2_1-.Ltmp1, $4  }
0x81: {  	[hbm:s8], [sflag:s6] =	dma.local [spmem:s12], $0x190  }
0x82: {  	_ =	swait.ge [sflag:s13], $0x190  }
0x83: {  	[sflag:s13] =	ssyncset.done $0x0  }
0x84: {  	[sflag:s13] =	ssyncadd.s32 $0xFFFFFE70  }
0x85: {  	_ =	sfence.sel $0x180000  }
0x86: {  	[bflag:$0x0] =	sbarrier.arrive $0xFFFF  }
0x87: {  	p0 =	sne.s32 s1, $0x0;
	_ =	strace $0x90000047  }
0x88: {  	s0 =	sadd.s32 @!p0 $0x100000, s0;
	[bflag:$0x2] =	sbarrier.arrive $0xFFFF  }
0x89: {  	[sflag:s0] =	ssyncadd.tile.s32 @!p0 $0x1;
	_ =	shalt  }
.Lfunc_end2:
_tile_overlayer_lowered:
.L_overlay_start_2:
0x8a: {  	(tag) =	ssettag $0x2  }
0x8b: {  	s0 =	rddreg [dreg:$0x0];
	s2 =	stileid.u32  }
0x8c: {  	s1 =	rddreg [dreg:$0x1];
	p0 =	sne.s32 s2, $0x0  }
0x8d: {  	s3 =	rddreg [dreg:$0x2];
	[bflag:$0x3] =	sbarrier.arrive $0xFFFF;
	s2 =	simm.s32 @!p0 $0x1C03  }
0x8e: {  	[timem:s3], [sflag:s2] =	dma.local @!p0 [hbm:s0], s1  }
0x8f: {  	s0 =	simm.s32 @!p0 $0x3  }
0x90: {  	_ =	swait.ge @!p0 [sflag:s0], s1  }
0x91: {  	s1 =	ssub.s32 @!p0 $0x0, s1;
	[sflag:s0] =	ssyncset.done @!p0 $0x0  }
0x92: {  	[sflag:s0] =	ssyncadd.s32 @!p0 s1  }
0x93: {  	[bflag:$0x3] =	sbarrier.arrive $0xFFFF  }
0x94: {  	_ =	shalt  }

// kernel: kernel.9.cloned.1.call-start
scs
__scs_entry_jumppad:
0x0: {  	(pc) =	sbr.rel $0x88, $3  }
0x1: {  	(tag) =	ssettag $0x0;
	lr =	simm.s32 $0x1  }
0x2: {  	[smem:$0x3F9A] =	sst lr;
	_ =	strace $0xD0000000  }
0x3: {  	_ = 	snop  }
0x4: {  	_ = 	snop  }
0x5: {  	_ = 	snop  }
0x6: {  	_ = 	snop  }
0x7: {  	_ = 	snop  }
__scs_overlays_trampoline_lowered:
0x8: {  	[smem:$0x3FA9] =	sst s0  }
0x9: {  	[smem:$0x3FAA] =	sst s1  }
0xa: {  	[smem:$0x3FAB] =	sst s2  }
0xb: {  	[smem:$0x3FAC] =	sst s3  }
0xc: {  	[smem:$0x3FAD] =	sst s4  }
0xd: {  	[smem:$0x3FAE] =	sst s5  }
0xe: {  	[smem:$0x3FAF] =	sst s6  }
0xf: {  	[smem:$0x3FB0] =	sst s7  }
0x10: {  	[smem:$0x3FB1] =	sst s8  }
0x11: {  	[smem:$0x3FB2] =	sst s9;
	s0 =	simm.s32 @!p0 $0x0  }
0x12: {  	s1 =	sld [smem:$0x3F98];
	s0 =	simm.s32 @p0 $0x1  }
0x13: {  	[smem:$0x3FB3] =	sst s0;
	s0 =	simm.s32 @!p1 $0x0  }
0x14: {  	s2 =	sld [smem:$0x3F97];
	s0 =	simm.s32 @p1 $0x1  }
0x15: {  	[smem:$0x3FB4] =	sst s0;
	s0 =	simm.s32 @!p2 $0x0  }
0x16: {  	s3 =	sld [smem:$0x3FDB];
	s0 =	simm.s32 @p2 $0x1  }
0x17: {  	s4 =	simm.s32 $0x1BF5;
	[smem:$0x3FB6] =	sst s0  }
0x18: {  	s0 =	sld [smem:$0x3F99];
	_ =	swait.ge [sflag:s4], $0x0  }
0x19: {  	s7 =	sld [smem:$0x3F9A]  }
0x1a: {  	s8 =	sadd.s32 $0xFFFFE003, lr  }
0x1b: {  	s9 =	sadd.s32 $0xFFFFFEF7, lr;
	s5 =	simm.s32 $0xFFFFFFFF;
	p2 =	slt.u32 s8, $0xFFFFF086  }
0x1c: {  	p1 =	slt.u32 s9, $0xF7A;
	s5 =	simm.s32 @!p2 $0x0  }
0x1d: {  	s5 =	simm.s32 @p1 $0x1;
	p0 =	seq.s32 s7, s2  }
0x1e: {  	s7 =	smul.u32 @!p0 $0xF7A, s2;
	p2 =	seq.s32 @!p0 s5, $0x0  }
0x1f: {  	s9 =	smul.u32 $0xF7A, s1;
	s8 =	simm.s32 @!p0 $0x1BF5;
	p2 =	por !p2, p0  }
0x20: {  	[sflag:s8] =	ssyncset.s32 @!p0 $0xFFFFF086;
	s6 =	sadd.s32 @!p0 s3, s7;
	s7 =	simm.s32 @!p0 $0x108  }
0x21: {  	s3 =	sadd.s32 s3, s9;
	s6 =	sadd.s32 @!p0 $0x88, s6;
	s7 =	simm.s32 @p2 $0x1082  }
0x22: {  	[simem:s7], [sflag:s8] =	dma.local @!p0 [hbm:s6], $0xF7A  }
0x23: {  	s9 =	sor.u32 $0xD0000000, s2;
	s6 =	simm.s32 $0x108;
	_ =	swait.ge @!p0 [sflag:s8], $0x0  }
0x24: {  	s3 =	sadd.s32 $0x88, s3;
	s6 =	simm.s32 @!p1 $0x1082;
	[sflag:s4] =	ssyncset.s32 $0xFFFFF086  }
0x25: {  	[simem:s6], [sflag:s4] =	dma.local [hbm:s3], $0xF7A  }
0x26: {  	[smem:$0x3F9A] =	sst s1;
	(tag) =	ssettag s2;
	_ =	strace s9  }
0x27: {  	s1 =	sld [smem:$0x3FAA]  }
0x28: {  	s2 =	sld [smem:$0x3FAB]  }
0x29: {  	s4 =	sld [smem:$0x3FAD]  }
0x2a: {  	p0 =	seq.s32 s5, $0x0;
	s5 =	sld [smem:$0x3FAE]  }
0x2b: {  	s6 =	sld [smem:$0x3FAF]  }
0x2c: {  	s7 =	sld [smem:$0x3FB0]  }
0x2d: {  	s3 =	simm.s32 $0x108;
	s8 =	sld [smem:$0x3FB1]  }
0x2e: {  	s3 =	simm.s32 @!p0 $0x1082;
	s9 =	sld [smem:$0x3FB2]  }
0x2f: {  	lr =	sadd.s32 s0, s3;
	s0 =	sld [smem:$0x3FA9]  }
0x30: {  	s3 =	sld [smem:$0x3FAC]  }
0x31: {  	[smem:$0x3FB5] =	sst s10  }
0x32: {  	s10 =	sld [smem:$0x3FB3];
	_ =	sdelay $0x3  }
0x33: {  	p0 =	seq.s32 s10, $0x1;
	s10 =	sld [smem:$0x3FB5];
	_ =	sdelay $0x3  }
0x34: {  	[smem:$0x3FB5] =	sst s10  }
0x35: {  	s10 =	sld [smem:$0x3FB4];
	_ =	sdelay $0x3  }
0x36: {  	p1 =	seq.s32 s10, $0x1;
	s10 =	sld [smem:$0x3FB5];
	_ =	sdelay $0x3  }
0x37: {  	[smem:$0x3FB5] =	sst s10  }
0x38: {  	s10 =	sld [smem:$0x3FB6]  }
0x39: {  	_ = 	snop;
	(pc) =	sbr.ind lr, $3  }
0x3a: {  	_ = 	snop  }
0x3b: {  	_ = 	snop  }
0x3c: {  	p2 =	seq.s32 s10, $0x1;
	s10 =	sld [smem:$0x3FB5]  }
0x3d: {  	_ =	shalt  }
0x3e: {  	_ =	shalt  }
0x3f: {  	_ =	shalt  }
0x40: {  	_ =	shalt  }
0x41: {  	_ =	shalt  }
0x42: {  	_ =	shalt  }
0x43: {  	_ =	shalt  }
0x44: {  	_ =	shalt  }
0x45: {  	_ =	shalt  }
0x46: {  	_ =	shalt  }
0x47: {  	_ =	shalt  }
0x48: {  	_ =	shalt  }
0x49: {  	_ =	shalt  }
0x4a: {  	_ =	shalt  }
0x4b: {  	_ =	shalt  }
0x4c: {  	_ =	shalt  }
0x4d: {  	_ =	shalt  }
0x4e: {  	_ =	shalt  }
0x4f: {  	_ =	shalt  }
0x50: {  	_ =	shalt  }
0x51: {  	_ =	shalt  }
0x52: {  	_ =	shalt  }
0x53: {  	_ =	shalt  }
0x54: {  	_ =	shalt  }
0x55: {  	_ =	shalt  }
0x56: {  	_ =	shalt  }
0x57: {  	_ =	shalt  }
0x58: {  	_ =	shalt  }
0x59: {  	_ =	shalt  }
0x5a: {  	_ =	shalt  }
0x5b: {  	_ =	shalt  }
0x5c: {  	_ =	shalt  }
0x5d: {  	_ =	shalt  }
0x5e: {  	_ =	shalt  }
0x5f: {  	_ =	shalt  }
0x60: {  	_ =	shalt  }
0x61: {  	_ =	shalt  }
0x62: {  	_ =	shalt  }
0x63: {  	_ =	shalt  }
0x64: {  	_ =	shalt  }
0x65: {  	_ =	shalt  }
0x66: {  	_ =	shalt  }
0x67: {  	_ =	shalt  }
0x68: {  	_ =	shalt  }
0x69: {  	_ =	shalt  }
0x6a: {  	_ =	shalt  }
0x6b: {  	_ =	shalt  }
0x6c: {  	_ =	shalt  }
0x6d: {  	_ =	shalt  }
0x6e: {  	_ =	shalt  }
0x6f: {  	_ =	shalt  }
0x70: {  	_ =	shalt  }
0x71: {  	_ =	shalt  }
0x72: {  	_ =	shalt  }
0x73: {  	_ =	shalt  }
0x74: {  	_ =	shalt  }
0x75: {  	_ =	shalt  }
0x76: {  	_ =	shalt  }
0x77: {  	_ =	shalt  }
0x78: {  	_ =	shalt  }
0x79: {  	_ =	shalt  }
0x7a: {  	_ =	shalt  }
0x7b: {  	_ =	shalt  }
0x7c: {  	_ =	shalt  }
0x7d: {  	_ =	shalt  }
0x7e: {  	_ =	shalt  }
0x7f: {  	_ =	shalt  }
0x80: {  	_ =	shalt  }
0x81: {  	_ =	shalt  }
0x82: {  	_ =	shalt  }
0x83: {  	_ =	shalt  }
0x84: {  	_ =	shalt  }
0x85: {  	_ =	shalt  }
0x86: {  	_ =	shalt  }
0x87: {  	_ =	shalt  }
.Lfunc_end0:
.L_simem_size_0:
called_computation.1_lowered:
.L_overlay_start_0:
0x88: {  	s2 =	sld [smem:$0x3FD9]  }
0x89: {  	s3 =	sld [smem:$0x3FFE];
	_ =	sdelay $0x1  }
0x8a: {  	s1 =	srdreg.scid  }
0x8b: {  	s0 =	sand.u32 $0x1, s1  }
0x8c: {  	s16 =	sshll.u32 s0, $0xA;
	s2 =	sadd.s32 s3, s2  }
0x8d: {  	s2 =	sadd.s32 s2, s16  }
0x8e: {  	[smem:$0x3FC1] =	sst s2  }
0x8f: {  	_ = 	snop  }
0x90: {  	(tm) =	ssettm $0x1  }
0x91: {  	s17 =	sld [smem:$0x3FFB];
	_ =	sdelay $0x3  }
0x92: {  	_ =	strace s17  }
0x93: {  	s2 =	sld [smem:$0x3FFC];
	_ =	sdelay $0x3  }
0x94: {  	_ =	strace s2  }
0x95: {  	s2 =	sld [smem:$0x3FFD];
	_ =	sdelay $0x3  }
0x96: {  	_ =	strace s2  }
0x97: {  	_ =	strace $0x8FFFFFFF  }
0x98: {  	s18 =	sld [smem:$0x3FDB];
	_ =	sdelay $0x1  }
0x99: {  	s19 =	simm.s32 $_scs_section_size  }
0x9a: {  	s4 =	simm.s32 $_size__tile_overlayer_lowered;
	s5 =	simm.s32 $_tile_overlayer_lowered  }
0x9b: {  	s22 =	simm.s32 $0x1BFF;
	s21 =	sshll.u32 s5, $0x1;
	s2 =	sadd.s32 s19, s18  }
0x9c: {  	s6 =	simm.s32 $0x0;
	s20 =	sshll.u32 s4, $0x1;
	s4 =	sadd.s32 s21, s2  }
0x9d: {  	[timem:s6], [sflag:s22] =	dma.local [hbm:s4], s20  }
0x9e: {  	_ =	swait.ge [sflag:s22], s20  }
0x9f: {  	s3 =	ssub.s32 $0x0, s20;
	[sflag:s22] =	ssyncset.done $0x0  }
0xa0: {  	[sflag:s22] =	ssyncadd.s32 s3;
	_ =	sdelay $0x1  }
0xa1: {  	s23 =	simm.s32 $0x1B8B  }
0xa2: {  	_ =	swait.ge [sflag:s23], $0x1  }
0xa3: {  	[sflag:s23] =	ssyncset.done $0x0  }
0xa4: {  	s25 =	simm.s32 $0x1B8E;
	s24 =	sld [smem:$0x3FFE];
	[sflag:s23] =	ssyncadd.s32 $0xFFFFFFFF  }
0xa5: {  	s26 =	simm.s32 $execute0_lowered;
	[smem:$0x3FD2] =	sst s25  }
0xa6: {  	s4 =	sshll.u32 s26, $0x1;
	_ =	strace $0x80000049;
	[dreg:$0x1] =	wrdreg $0xFFFFFFFF  }
0xa7: {  	s28 =	simm.s32 $_size_execute0_lowered;
	s2 =	sadd.s32 s2, s4;
	[dreg:$0x0] =	wrdreg $0x0  }
0xa8: {  	s4 =	sshll.u32 s28, $0x1;
	[dreg:$0x2] =	wrdreg s2  }
0xa9: {  	[dreg:$0x3] =	wrdreg s4  }
0xaa: {  	[dreg:$0x4] =	wrdreg $0xC0  }
0xab: {  	_ =	task [dreg:s6], $0x5FFFF  }
0xac: {  	[dreg:$0x1] =	wrdreg $0xFFFFFFFF  }
0xad: {  	[dreg:$0x0] =	wrdreg $0x60  }
0xae: {  	[dreg:$0x2] =	wrdreg s24  }
0xaf: {  	[dreg:$0x3] =	wrdreg $0x34000  }
0xb0: {  	[dreg:$0x4] =	wrdreg $0xFC000  }
0xb1: {  	[dreg:$0x5] =	wrdreg $0x98000  }
0xb2: {  	[dreg:$0x6] =	wrdreg $0x108800  }
0xb3: {  	[dreg:$0x7] =	wrdreg $0x9  }
0xb4: {  	_ =	task.clear_ibuf [dreg:s6], $0x8FFFF;
	_ =	strace $0x90000049  }
0xb5: {  	s29 =	simm.s32 $0x9;
	_ =	strace $0x8000004B  }
0xb6: {  	_ =	swait.ge [sflag:s29], $0x1  }
0xb7: {  	[sflag:s29] =	ssyncadd.s32 $0xFFFFFFFF  }
0xb8: {  	_ =	strace $0x9000004B  }
0xb9: {  	_ =	sfence  }
0xba: {  	s30 =	sld [smem:$0x0];
	_ =	sdelay $0x2  }
0xbb: {  	s31 =	sshll.u32 s1, $0xD;
	s1 =	sshrl.u32 s1, $0x2  }
0xbc: {  	s3 =	sand.u32 $0x4000, s31;
	s1 =	sadd.s32 s1, s30  }
0xbd: {  	s0 =	sor.u32 s3, s0;
	s1 =	sshll.u32 s1, $0x11  }
0xbe: {  	s0 =	sor.u32 s1, s0  }
0xbf: {  	s0 =	sadd.s32 $0x8F2B, s0  }
0xc0: {  	[sflag:s0] =	ssyncadd.remote.s32 $0x1  }
0xc1: {  	_ =	sfence.sel $0xFFFF  }
0xc2: {  	[dreg:$0x0] =	wrdreg $0xFFFFFFFF;
	(pc) =	sbr.abs _section_cstart, $3  }
0xc3: {  	[dreg:$0x1] =	wrdreg $0xFFFFFFFF  }
0xc4: {  	_ =	task.clear_ibuf [dreg:s6], $0x2FFFF;
	_ =	strace $0x9FFFFFFF  }
0xc5: {  	(tm) =	ssettm $0x7FFFFFFF  }
tec
execute0_lowered:
.L_overlay_start_1:
0x0: {  	(tag) =	ssettag $0x1  }
0x1: {  	s1 =	rddreg [dreg:$0x0]  }
0x2: {  	s0 =	rddreg [dreg:$0x1]  }
0x3: {  	s2 =	rddreg [dreg:$0x2];
	s17 =	stileid.u32  }
0x4: {  	s3 =	srdreg.scid;
	s8 =	smul.u32 $0xCC00, s17  }
0x5: {  	s4 =	rddreg [dreg:$0x3];
	s9 =	smul.u32 $0x6400, s17  }
0x6: {  	s5 =	rddreg [dreg:$0x4];
	s26 =	smul.u32 $0xC80, s17  }
0x7: {  	s6 =	simm.s32 $0x0;
	s28 =	simm.s32 $0x2;
	s13 =	smul.u32 $0xC800, s17  }
0x8: {  	s29 =	simm.s32 $0x1400;
	s3 =	sand.u32 $0x1, s3;
	s21 =	smul.u32 $0x19000, s17  }
0x9: {  	s30 =	simm.s32 $0x800;
	s31 =	simm.s32 $0x1000;
	s7 =	smul.u32 $0xCC000, s3  }
0xa: {  	[smem:$0x7FF] =	sst s6;
	s22 =	sshll.u32 s17, $0x6;
	s10 =	smul.u32 $0x64000, s3  }
0xb: {  	_ =	strace $0x8000004A;
	s14 =	smul.u32 $0xC8000, s3;
	s3 =	ssub.s32 $0x2, s3  }
0xc: {  	s15 =	sshrl.u32 s9, $0x3;
	s16 =	sshrl.u32 s26, $0x3;
	s20 =	sshrl.u32 s3, $0x1  }
0xd: {  	s23 =	sshrl.u32 s21, $0x2;
	s7 =	sadd.s32 s8, s7;
	s12 =	sadd.s32 s15, s1  }
0xe: {  	s15 =	sadd.s32 s16, s1;
	s10 =	sadd.s32 s9, s10;
	s16 =	sadd.s32 $0x65600, s1  }
0xf: {  	s14 =	sadd.s32 s13, s14;
	s3 =	ssub.s32 s3, s20;
	s8 =	sadd.s32 s26, s2  }
0x10: {  	s25 =	sadd.s32 s23, s4;
	s13 =	sadd.s32 s13, s5;
	s20 =	simm.s32 $0x3  }
0x11: {  	s7 =	sshrl.u32 s7, $0x3;
	[dreg:$0x6] =	wrdreg s16;
	s10 =	sshrl.u32 s10, $0x3  }
0x12: {  	s19 =	sshrl.u32 s14, $0x3;
	s12 =	sadd.s32 $0x1800, s12;
	s24 =	sadd.s32 $0x67000, s15  }
0x13: {  	s26 =	sadd.s32 $0x1900, s25;
	s23 =	sadd.s32 $0x3200, s25;
	s16 =	smax.u32 s3, $0x1  }
0x14: {  	s21 =	sshrl.u32 s8, $0x3;
	s3 =	simm.s32 $0xC00;
	s11 =	sadd.s32 s7, s1  }
0x15: {  	s7 =	sadd.s32 $0x68A00, s1;
	s18 =	sadd.s32 s10, s1;
	s1 =	sadd.s32 s19, s1  }
0x16: {  	s19 =	sadd.s32 s9, s0;
	[dreg:$0x7] =	wrdreg s12;
	s10 =	sor.u32 $0x1C03, s22  }
0x17: {  	[dreg:$0x8] =	wrdreg s24;
	s9 =	sadd.s32 s9, s4;
	s24 =	sadd.s32 $0x4B00, s25  }
0x18: {  	s22 =	sshrl.u32 s26, $0x3;
	s23 =	sshrl.u32 s23, $0x3;
	s25 =	simm.s32 $0x400  }
0x19: {  	s26 =	simm.s32 $0x1;
	[dreg:$0x9] =	wrdreg s9;
	s14 =	sadd.s32 $0xE000, s18  }
0x1a: {  	s15 =	sadd.s32 $0x9D200, s1;
	s17 =	sadd.s32 $0x32600, s11;
	s18 =	sadd.s32 $0x6A200, s11  }
0x1b: {  	s19 =	sshrl.u32 s19, $0x3;
	s24 =	sshrl.u32 s24, $0x3;
	s1 =	simm.s32 $0x0  }
.LBB2_1:
0x1c: {  	s8 =	rddreg [dreg:$0x7]  }
0x1d: {  	[spmem:s19], [sflag:s10] =	dma.local [hbm:s8], $0xC80  }
0x1e: {  	_ =	swait.ge [sflag:s20], $0xC80  }
0x1f: {  	[sflag:s20] =	ssyncset.done $0x0  }
0x20: {  	s11 =	rddreg [dreg:$0x8];
	[sflag:s20] =	ssyncadd.s32 $0xFFFFF380  }
0x21: {  	[spmem:s21], [sflag:s10] =	dma.local [hbm:s11], $0x190  }
0x22: {  	_ =	swait.ge [sflag:s20], $0x190  }
0x23: {  	[sflag:s20] =	ssyncset.done $0x0;
	s12 =	rddreg [dreg:$0x9]  }
0x24: {  	[sflag:s20] =	ssyncadd.s32 $0xFFFFFE70;
	s8 =	sshrl.u32 s12, $0x3  }
0x25: {  	[spmem:s8], [sflag:s10] =	dma.local [hbm:s7], $0x320  }
0x26: {  	_ =	swait.ge [sflag:s20], $0x320  }
0x27: {  	[sflag:s20] =	ssyncset.done $0x0  }
0x28: {  	[sflag:s20] =	ssyncadd.s32 $0xFFFFFCE0  }
0x29: {  	[spmem:s22], [sflag:s10] =	dma.local [hbm:s7], $0x320  }
0x2a: {  	_ =	swait.ge [sflag:s20], $0x320  }
0x2b: {  	[sflag:s20] =	ssyncset.done $0x0  }
0x2c: {  	[sflag:s20] =	ssyncadd.s32 $0xFFFFFCE0  }
0x2d: {  	[spmem:s23], [sflag:s10] =	dma.local [hbm:s7], $0x320  }
0x2e: {  	_ =	swait.ge [sflag:s20], $0x320  }
0x2f: {  	[sflag:s20] =	ssyncset.done $0x0  }
0x30: {  	[sflag:s20] =	ssyncadd.s32 $0xFFFFFCE0  }
0x31: {  	[spmem:s24], [sflag:s10] =	dma.local [hbm:s7], $0x320  }
0x32: {  	_ =	swait.ge [sflag:s20], $0x320  }
0x33: {  	[sflag:s20] =	ssyncset.done $0x0  }
0x34: {  	s9 =	sshrl.u32 s13, $0x3;
	s11 =	rddreg [dreg:$0x6];
	[sflag:s20] =	ssyncadd.s32 $0xFFFFFCE0  }
0x35: {  	[spmem:s9], [sflag:s10] =	dma.local [hbm:s11], $0x1900  }
0x36: {  	_ =	swait.ge [sflag:s20], $0x1900  }
0x37: {  	[sflag:s20] =	ssyncset.done $0x0  }
0x38: {  	[sflag:s20] =	ssyncadd.s32 $0xFFFFE700  }
0x39: {  	s11 =	simm.s32 $0x0;
	[bflag:$0x0] =	sbarrier.arrive $0xFFFF  }
.LBB2_2:
0x3a: {  	s12 =	sadd.s32 s11, s18  }
0x3b: {  	[tilespmem:s6], [sflag:$0x1] =	stream.linear.gather [hbm4b:s12+s6], $0x400, $0x38;
	[tilespmem:$0x1D080] =	vst v63  }
0x3c: {  	s12 =	sadd.s32 s11, s17  }
0x3d: {  	[tilespmem:s25], [sflag:$0x2] =	stream.linear.gather [hbm4b:s12+s6], $0x400, $0x38;
	[tilespmem:$0x1D080] =	vst v63  }
0x3e: {  	_ =	swait.ge [sflag:s26], $0x400  }
0x3f: {  	[sflag:s26] =	ssyncset.done $0x0  }
0x40: {  	[sflag:s26] =	ssyncadd.s32 $0xFFFFFC00  }
0x41: {  	_ =	swait.ge [sflag:s28], $0x400  }
0x42: {  	[sflag:s28] =	ssyncset.done $0x0  }
0x43: {  	[sflag:s28] =	ssyncadd.s32 $0xFFFFFC00  }
0x44: {  	[tilespmem:s29], [sflag:$0x1] =	stream.indirect.gather [spmem:s0], $0x8, s6, s25, $0xb8;
	[tilespmem:$0x1D080] =	vst v63  }
0x45: {  	_ = 	snop  }
0x46: {  	[tilespmem:s30], [sflag:$0x2] =	stream.indirect.gather [spmem:s2], $0x1, s25, s25, $0xb8;
	[tilespmem:$0x1D080] =	vst v63  }
0x47: {  	_ =	swait.ge [sflag:s28], $0x400  }
0x48: {  	[sflag:s28] =	ssyncset.done $0x0  }
0x49: {  	[sflag:s28] =	ssyncadd.s32 $0xFFFFFC00  }
0x4a: {  	v0 =	vld [tilespmem:$0x800]  }
0x4b: {  	v1 =	vld [tilespmem:$0x810]  }
0x4c: {  	v2 =	vld [tilespmem:$0x0]  }
0x4d: {  	v3 =	vld [tilespmem:$0x820]  }
0x4e: {  	v6 =	vld [tilespmem:$0x830]  }
0x4f: {  	v13 =	vld [tilespmem:$0x840]  }
0x50: {  	v18 =	vld [tilespmem:$0x850];
	v4 =	vand.u32 $0xF, v0;
	v0 =	vand.u32 $0xFFFFFFF0, v0  }
0x51: {  	v24 =	vld [tilespmem:$0x860];
	v14 =	vand.u32 $0xFFFFFFF0, v1;
	[tilespmem:$0xC00] =	vst v0  }
0x52: {  	v30 =	vld [tilespmem:$0x870];
	v19 =	vand.u32 $0xFFFFFFF0, v3;
	[tilespmem:$0xC10] =	vst v14  }
0x53: {  	v36 =	vld [tilespmem:$0x880];
	v25 =	vand.u32 $0xFFFFFFF0, v6;
	[tilespmem:$0xC20] =	vst v19  }
0x54: {  	v42 =	vld [tilespmem:$0x890];
	v31 =	vand.u32 $0xFFFFFFF0, v13;
	[tilespmem:$0xC30] =	vst v25  }
0x55: {  	v48 =	vld [tilespmem:$0x8A0];
	v37 =	vand.u32 $0xFFFFFFF0, v18;
	[tilespmem:$0xC40] =	vst v31  }
0x56: {  	v54 =	vld [tilespmem:$0x8B0];
	v43 =	vand.u32 $0xFFFFFFF0, v24;
	[tilespmem:$0xC50] =	vst v37  }
0x57: {  	v60 =	vld [tilespmem:$0x8C0];
	v49 =	vand.u32 $0xFFFFFFF0, v30;
	[tilespmem:$0xC60] =	vst v43  }
0x58: {  	v5 =	vld [tilespmem:$0x10];
	v55 =	vand.u32 $0xFFFFFFF0, v36;
	[tilespmem:$0xC70] =	vst v49  }
0x59: {  	v8 =	vld [tilespmem:$0x20];
	v61 =	vand.u32 $0xFFFFFFF0, v42;
	[tilespmem:$0xC80] =	vst v55  }
0x5a: {  	v16 =	vld [tilespmem:$0x30];
	v26 =	vand.u32 $0xF, v13;
	v13 =	vand.u32 $0xFFFFFFF0, v48;
	[tilespmem:$0xC90] =	vst v61  }
0x5b: {  	v21 =	vld [tilespmem:$0x40];
	v7 =	vand.u32 $0xF, v1;
	v4 =	vmul.u32 $0xC800, v4;
	[tilespmem:$0xCA0] =	vst v13;
	v19 =	vand.u32 $0xFFFFFFF0, v54  }
0x5c: {  	v27 =	vld [tilespmem:$0x50];
	v15 =	vand.u32 $0xF, v3;
	v12 =	vmul.u32 $0xC800, v7;
	v25 =	vand.u32 $0xFFFFFFF0, v60;
	[tilespmem:$0xCB0] =	vst v19  }
0x5d: {  	v33 =	vld [tilespmem:$0x60];
	v20 =	vand.u32 $0xF, v6;
	v1 =	vmul.u32 $0xC800, v15;
	[tilespmem:$0xCC0] =	vst v25;
	v11 =	vadd.s32 v2, v4  }
0x5e: {  	v39 =	vld [tilespmem:$0x70];
	v23 =	vmul.u32 $0xC800, v20;
	v17 =	vadd.s32 v5, v12;
	[tilespmem:$0x1000] =	vst v11  }
0x5f: {  	v45 =	vld [tilespmem:$0x80];
	v32 =	vand.u32 $0xF, v18;
	v29 =	vmul.u32 $0xC800, v26;
	v22 =	vadd.s32 v8, v1;
	[tilespmem:$0x1010] =	vst v17  }
0x60: {  	v51 =	vld [tilespmem:$0x90];
	v38 =	vand.u32 $0xF, v24;
	v35 =	vmul.u32 $0xC800, v32;
	v28 =	vadd.s32 v16, v23;
	[tilespmem:$0x1020] =	vst v22  }
0x61: {  	v57 =	vld [tilespmem:$0xA0];
	v44 =	vand.u32 $0xF, v30;
	v41 =	vmul.u32 $0xC800, v38;
	v34 =	vadd.s32 v21, v29;
	[tilespmem:$0x1030] =	vst v28  }
0x62: {  	v50 =	vand.u32 $0xF, v36;
	v18 =	vld [tilespmem:$0x8E0];
	v47 =	vmul.u32 $0xC800, v44;
	v40 =	vadd.s32 v27, v35;
	[tilespmem:$0x1040] =	vst v34  }
0x63: {  	v56 =	vand.u32 $0xF, v42;
	v24 =	vld [tilespmem:$0x8F0];
	v53 =	vmul.u32 $0xC800, v50;
	v46 =	vadd.s32 v33, v41;
	[tilespmem:$0x1050] =	vst v40  }
0x64: {  	v30 =	vld [tilespmem:$0x900];
	v59 =	vmul.u32 $0xC800, v56;
	v52 =	vadd.s32 v39, v47;
	[tilespmem:$0x1060] =	vst v46  }
0x65: {  	v36 =	vld [tilespmem:$0x910];
	v58 =	vadd.s32 v45, v53;
	[tilespmem:$0x1070] =	vst v52  }
0x66: {  	v42 =	vld [tilespmem:$0x920];
	v10 =	vadd.s32 v51, v59;
	[tilespmem:$0x1080] =	vst v58  }
0x67: {  	v62 =	vand.u32 $0xF, v48;
	v48 =	vld [tilespmem:$0x930];
	[tilespmem:$0x1090] =	vst v10;
	v37 =	vand.u32 $0xFFFFFFF0, v18  }
0x68: {  	v63 =	vld [tilespmem:$0xB0];
	v43 =	vand.u32 $0xFFFFFFF0, v24;
	[tilespmem:$0xCE0] =	vst v37  }
0x69: {  	v15 =	vld [tilespmem:$0xC0];
	v49 =	vand.u32 $0xFFFFFFF0, v30;
	[tilespmem:$0xCF0] =	vst v43  }
0x6a: {  	v14 =	vand.u32 $0xF, v54;
	v54 =	vld [tilespmem:$0x940];
	v55 =	vand.u32 $0xFFFFFFF0, v36;
	[tilespmem:$0xD00] =	vst v49  }
0x6b: {  	v20 =	vand.u32 $0xF, v60;
	v60 =	vld [tilespmem:$0x950];
	v11 =	vmul.u32 $0xC800, v62;
	v61 =	vand.u32 $0xFFFFFFF0, v42;
	[tilespmem:$0xD10] =	vst v55  }
0x6c: {  	v12 =	vld [tilespmem:$0x8D0];
	v17 =	vmul.u32 $0xC800, v14;
	v13 =	vand.u32 $0xFFFFFFF0, v48;
	[tilespmem:$0xD20] =	vst v61  }
0x6d: {  	v21 =	vld [tilespmem:$0xD0];
	v23 =	vmul.u32 $0xC800, v20;
	v16 =	vadd.s32 v57, v11;
	[tilespmem:$0xD30] =	vst v13  }
0x6e: {  	v27 =	vld [tilespmem:$0xE0];
	v22 =	vadd.s32 v63, v17;
	[tilespmem:$0x10A0] =	vst v16  }
0x6f: {  	v33 =	vld [tilespmem:$0xF0];
	v28 =	vadd.s32 v15, v23;
	[tilespmem:$0x10B0] =	vst v22  }
0x70: {  	v39 =	vld [tilespmem:$0x100];
	v32 =	vand.u32 $0xF, v18;
	v19 =	vand.u32 $0xFFFFFFF0, v54;
	[tilespmem:$0x10C0] =	vst v28  }
0x71: {  	v45 =	vld [tilespmem:$0x110];
	v38 =	vand.u32 $0xF, v24;
	v35 =	vmul.u32 $0xC800, v32;
	v25 =	vand.u32 $0xFFFFFFF0, v60;
	[tilespmem:$0xD40] =	vst v19  }
0x72: {  	v51 =	vld [tilespmem:$0x120];
	v44 =	vand.u32 $0xF, v30;
	v41 =	vmul.u32 $0xC800, v38;
	[tilespmem:$0xD50] =	vst v25;
	v31 =	vand.u32 $0xFFFFFFF0, v12  }
0x73: {  	v50 =	vand.u32 $0xF, v36;
	v18 =	vld [tilespmem:$0x970];
	v47 =	vmul.u32 $0xC800, v44;
	v40 =	vadd.s32 v27, v35;
	[tilespmem:$0xCD0] =	vst v31  }
0x74: {  	v56 =	vand.u32 $0xF, v42;
	v24 =	vld [tilespmem:$0x980];
	v53 =	vmul.u32 $0xC800, v50;
	v46 =	vadd.s32 v33, v41;
	[tilespmem:$0x10E0] =	vst v40  }
0x75: {  	v30 =	vld [tilespmem:$0x990];
	v59 =	vmul.u32 $0xC800, v56;
	v52 =	vadd.s32 v39, v47;
	[tilespmem:$0x10F0] =	vst v46  }
0x76: {  	v36 =	vld [tilespmem:$0x9A0];
	v58 =	vadd.s32 v45, v53;
	[tilespmem:$0x1100] =	vst v52  }
0x77: {  	v42 =	vld [tilespmem:$0x9B0];
	v10 =	vadd.s32 v51, v59;
	[tilespmem:$0x1110] =	vst v58  }
0x78: {  	v62 =	vand.u32 $0xF, v48;
	v48 =	vld [tilespmem:$0x9C0];
	[tilespmem:$0x1120] =	vst v10;
	v37 =	vand.u32 $0xFFFFFFF0, v18  }
0x79: {  	v57 =	vld [tilespmem:$0x130];
	v43 =	vand.u32 $0xFFFFFFF0, v24;
	[tilespmem:$0xD70] =	vst v37  }
0x7a: {  	v63 =	vld [tilespmem:$0x140];
	v49 =	vand.u32 $0xFFFFFFF0, v30;
	[tilespmem:$0xD80] =	vst v43  }
0x7b: {  	v15 =	vld [tilespmem:$0x150];
	v26 =	vand.u32 $0xF, v12;
	v55 =	vand.u32 $0xFFFFFFF0, v36;
	[tilespmem:$0xD90] =	vst v49  }
0x7c: {  	v14 =	vand.u32 $0xF, v54;
	v54 =	vld [tilespmem:$0x9D0];
	v29 =	vmul.u32 $0xC800, v26;
	v61 =	vand.u32 $0xFFFFFFF0, v42;
	[tilespmem:$0xDA0] =	vst v55  }
0x7d: {  	v11 =	vmul.u32 $0xC800, v62;
	v20 =	vand.u32 $0xF, v60;
	v60 =	vld [tilespmem:$0x9E0];
	v13 =	vand.u32 $0xFFFFFFF0, v48;
	[tilespmem:$0xDB0] =	vst v61  }
0x7e: {  	v17 =	vmul.u32 $0xC800, v14;
	v12 =	vld [tilespmem:$0x960];
	v34 =	vadd.s32 v21, v29;
	[tilespmem:$0xDC0] =	vst v13  }
0x7f: {  	v23 =	vmul.u32 $0xC800, v20;
	v27 =	vld [tilespmem:$0x170];
	v16 =	vadd.s32 v57, v11;
	[tilespmem:$0x10D0] =	vst v34  }
0x80: {  	v33 =	vld [tilespmem:$0x180];
	v22 =	vadd.s32 v63, v17;
	[tilespmem:$0x1130] =	vst v16  }
0x81: {  	v39 =	vld [tilespmem:$0x190];
	v28 =	vadd.s32 v15, v23;
	[tilespmem:$0x1140] =	vst v22  }
0x82: {  	v45 =	vld [tilespmem:$0x1A0];
	v32 =	vand.u32 $0xF, v18;
	v19 =	vand.u32 $0xFFFFFFF0, v54;
	[tilespmem:$0x1150] =	vst v28  }
0x83: {  	v51 =	vld [tilespmem:$0x1B0];
	v38 =	vand.u32 $0xF, v24;
	v35 =	vmul.u32 $0xC800, v32;
	v25 =	vand.u32 $0xFFFFFFF0, v60;
	[tilespmem:$0xDD0] =	vst v19  }
0x84: {  	v44 =	vand.u32 $0xF, v30;
	v18 =	vld [tilespmem:$0xA00];
	v41 =	vmul.u32 $0xC800, v38;
	[tilespmem:$0xDE0] =	vst v25;
	v31 =	vand.u32 $0xFFFFFFF0, v12  }
0x85: {  	v50 =	vand.u32 $0xF, v36;
	v24 =	vld [tilespmem:$0xA10];
	v47 =	vmul.u32 $0xC800, v44;
	v40 =	vadd.s32 v27, v35;
	[tilespmem:$0xD60] =	vst v31  }
0x86: {  	v56 =	vand.u32 $0xF, v42;
	v30 =	vld [tilespmem:$0xA20];
	v53 =	vmul.u32 $0xC800, v50;
	v46 =	vadd.s32 v33, v41;
	[tilespmem:$0x1170] =	vst v40  }
0x87: {  	v36 =	vld [tilespmem:$0xA30];
	v59 =	vmul.u32 $0xC800, v56;
	v52 =	vadd.s32 v39, v47;
	[tilespmem:$0x1180] =	vst v46  }
0x88: {  	v42 =	vld [tilespmem:$0xA40];
	v58 =	vadd.s32 v45, v53;
	[tilespmem:$0x1190] =	vst v52  }
0x89: {  	v62 =	vand.u32 $0xF, v48;
	v48 =	vld [tilespmem:$0xA50];
	v10 =	vadd.s32 v51, v59;
	[tilespmem:$0x11A0] =	vst v58  }
0x8a: {  	v21 =	vld [tilespmem:$0x160];
	[tilespmem:$0x11B0] =	vst v10;
	v37 =	vand.u32 $0xFFFFFFF0, v18  }
0x8b: {  	v57 =	vld [tilespmem:$0x1C0];
	v43 =	vand.u32 $0xFFFFFFF0, v24;
	[tilespmem:$0xE00] =	vst v37  }
0x8c: {  	v63 =	vld [tilespmem:$0x1D0];
	v49 =	vand.u32 $0xFFFFFFF0, v30;
	[tilespmem:$0xE10] =	vst v43  }
0x8d: {  	v11 =	vmul.u32 $0xC800, v62;
	v15 =	vld [tilespmem:$0x1E0];
	v26 =	vand.u32 $0xF, v12;
	v55 =	vand.u32 $0xFFFFFFF0, v36;
	[tilespmem:$0xE20] =	vst v49  }
0x8e: {  	v14 =	vand.u32 $0xF, v54;
	v54 =	vld [tilespmem:$0xA60];
	v29 =	vmul.u32 $0xC800, v26;
	v61 =	vand.u32 $0xFFFFFFF0, v42;
	[tilespmem:$0xE30] =	vst v55  }
0x8f: {  	v20 =	vand.u32 $0xF, v60;
	v60 =	vld [tilespmem:$0xA70];
	v17 =	vmul.u32 $0xC800, v14;
	v14 =	vand.u32 $0xFFFFFFF0, v48;
	[tilespmem:$0xE40] =	vst v61  }
0x90: {  	v13 =	vld [tilespmem:$0xA80];
	v34 =	vadd.s32 v21, v29;
	[tilespmem:$0xE50] =	vst v14  }
0x91: {  	v23 =	vmul.u32 $0xC800, v20;
	v19 =	vld [tilespmem:$0xA90];
	v16 =	vadd.s32 v57, v11;
	[tilespmem:$0x1160] =	vst v34  }
0x92: {  	v25 =	vld [tilespmem:$0xAA0];
	v22 =	vadd.s32 v63, v17;
	[tilespmem:$0x11C0] =	vst v16  }
0x93: {  	v12 =	vld [tilespmem:$0x9F0];
	v28 =	vadd.s32 v15, v23;
	[tilespmem:$0x11D0] =	vst v22  }
0x94: {  	v27 =	vld [tilespmem:$0x200];
	v32 =	vand.u32 $0xF, v18;
	v20 =	vand.u32 $0xFFFFFFF0, v54;
	[tilespmem:$0x11E0] =	vst v28  }
0x95: {  	v33 =	vld [tilespmem:$0x210];
	v38 =	vand.u32 $0xF, v24;
	v35 =	vmul.u32 $0xC800, v32;
	v32 =	vand.u32 $0xFFFFFFF0, v13;
	[tilespmem:$0xE60] =	vst v20  }
0x96: {  	v39 =	vld [tilespmem:$0x220];
	v44 =	vand.u32 $0xF, v30;
	v41 =	vmul.u32 $0xC800, v38;
	[tilespmem:$0xE80] =	vst v32;
	v38 =	vand.u32 $0xFFFFFFF0, v19  }
0x97: {  	v45 =	vld [tilespmem:$0x230];
	v47 =	vmul.u32 $0xC800, v44;
	v44 =	vand.u32 $0xFFFFFFF0, v25;
	[tilespmem:$0xE90] =	vst v38  }
0x98: {  	v51 =	vld [tilespmem:$0x240];
	v31 =	vand.u32 $0xFFFFFFF0, v12;
	[tilespmem:$0xEA0] =	vst v44  }
0x99: {  	v50 =	vand.u32 $0xF, v36;
	v21 =	vld [tilespmem:$0x1F0];
	v40 =	vadd.s32 v27, v35;
	[tilespmem:$0xDF0] =	vst v31  }
0x9a: {  	v56 =	vand.u32 $0xF, v42;
	v53 =	vmul.u32 $0xC800, v50;
	v57 =	vld [tilespmem:$0x250];
	v46 =	vadd.s32 v33, v41;
	[tilespmem:$0x1200] =	vst v40  }
0x9b: {  	v59 =	vmul.u32 $0xC800, v56;
	v63 =	vld [tilespmem:$0x260];
	v52 =	vadd.s32 v39, v47;
	[tilespmem:$0x1210] =	vst v46  }
0x9c: {  	v37 =	vld [tilespmem:$0xAC0];
	v26 =	vand.u32 $0xF, v12;
	v58 =	vadd.s32 v45, v53;
	[tilespmem:$0x1220] =	vst v52  }
0x9d: {  	v62 =	vand.u32 $0xF, v48;
	v43 =	vld [tilespmem:$0xAD0];
	v11 =	vadd.s32 v51, v59;
	v29 =	vmul.u32 $0xC800, v26;
	[tilespmem:$0x1230] =	vst v58  }
0x9e: {  	v15 =	vand.u32 $0xF, v54;
	v49 =	vld [tilespmem:$0xAE0];
	v12 =	vmul.u32 $0xC800, v62;
	[tilespmem:$0x1240] =	vst v11;
	v26 =	vand.u32 $0xFFFFFFF0, v60  }
0x9f: {  	v18 =	vmul.u32 $0xC800, v15;
	v22 =	vld [tilespmem:$0x280];
	[tilespmem:$0xE70] =	vst v26;
	v34 =	vadd.s32 v21, v29  }
0xa0: {  	v28 =	vld [tilespmem:$0x290];
	v17 =	vadd.s32 v57, v12;
	[tilespmem:$0x11F0] =	vst v34  }
0xa1: {  	v55 =	vld [tilespmem:$0xAF0];
	v27 =	vand.u32 $0xF, v13;
	v23 =	vadd.s32 v63, v18;
	[tilespmem:$0x1250] =	vst v17  }
0xa2: {  	v61 =	vld [tilespmem:$0xB00];
	v33 =	vand.u32 $0xF, v19;
	v30 =	vmul.u32 $0xC800, v27;
	v56 =	vand.u32 $0xFFFFFFF0, v37;
	[tilespmem:$0x1260] =	vst v23  }
0xa3: {  	v16 =	vld [tilespmem:$0x270];
	v36 =	vmul.u32 $0xC800, v33;
	v62 =	vand.u32 $0xFFFFFFF0, v43;
	[tilespmem:$0xEC0] =	vst v56  }
0xa4: {  	v31 =	vld [tilespmem:$0xAB0];
	v35 =	vadd.s32 v22, v30;
	[tilespmem:$0xED0] =	vst v62  }
0xa5: {  	v46 =	vld [tilespmem:$0x2C0];
	v21 =	vand.u32 $0xF, v60;
	v41 =	vadd.s32 v28, v36;
	[tilespmem:$0x1280] =	vst v35  }
0xa6: {  	v52 =	vld [tilespmem:$0x2D0];
	v24 =	vmul.u32 $0xC800, v21;
	v22 =	vand.u32 $0xFFFFFFF0, v55;
	[tilespmem:$0x1290] =	vst v41  }
0xa7: {  	v15 =	vld [tilespmem:$0xB10];
	v51 =	vand.u32 $0xF, v37;
	v28 =	vand.u32 $0xFFFFFFF0, v61;
	[tilespmem:$0xEF0] =	vst v22  }
0xa8: {  	v58 =	vld [tilespmem:$0x2E0];
	v57 =	vand.u32 $0xF, v43;
	v54 =	vmul.u32 $0xC800, v51;
	[tilespmem:$0xF00] =	vst v28;
	v29 =	vadd.s32 v16, v24  }
0xa9: {  	v27 =	vld [tilespmem:$0xB30];
	v60 =	vmul.u32 $0xC800, v57;
	v50 =	vand.u32 $0xFFFFFFF0, v31;
	[tilespmem:$0x1270] =	vst v29  }
0xaa: {  	v39 =	vand.u32 $0xF, v25;
	v33 =	vld [tilespmem:$0xB40];
	v63 =	vand.u32 $0xF, v49;
	v59 =	vadd.s32 v46, v54;
	[tilespmem:$0xEB0] =	vst v50  }
0xab: {  	v42 =	vmul.u32 $0xC800, v39;
	v39 =	vld [tilespmem:$0xB50];
	v14 =	vmul.u32 $0xC800, v63;
	v13 =	vadd.s32 v52, v60;
	[tilespmem:$0x12C0] =	vst v59  }
0xac: {  	v12 =	vld [tilespmem:$0x2F0];
	v16 =	vand.u32 $0xFFFFFFF0, v49;
	[tilespmem:$0x12D0] =	vst v13  }
0xad: {  	v18 =	vld [tilespmem:$0x300];
	v19 =	vadd.s32 v58, v14;
	[tilespmem:$0xEE0] =	vst v16  }
0xae: {  	v34 =	vld [tilespmem:$0x2A0];
	v17 =	vand.u32 $0xF, v55;
	v46 =	vand.u32 $0xFFFFFFF0, v27;
	[tilespmem:$0x12E0] =	vst v19  }
0xaf: {  	v40 =	vld [tilespmem:$0x2B0];
	v23 =	vand.u32 $0xF, v61;
	v20 =	vmul.u32 $0xC800, v17;
	v52 =	vand.u32 $0xFFFFFFF0, v33;
	[tilespmem:$0xF30] =	vst v46  }
0xb0: {  	v21 =	vld [tilespmem:$0xB20];
	v26 =	vmul.u32 $0xC800, v23;
	v58 =	vand.u32 $0xFFFFFFF0, v39;
	[tilespmem:$0xF40] =	vst v52  }
0xb1: {  	v30 =	vld [tilespmem:$0x320];
	v45 =	vand.u32 $0xF, v31;
	[tilespmem:$0xF50] =	vst v58;
	v25 =	vadd.s32 v12, v20  }
0xb2: {  	v36 =	vld [tilespmem:$0x330];
	v48 =	vmul.u32 $0xC800, v45;
	v31 =	vadd.s32 v18, v26;
	[tilespmem:$0x12F0] =	vst v25  }
0xb3: {  	v51 =	vld [tilespmem:$0xB70];
	v47 =	vadd.s32 v34, v42;
	[tilespmem:$0x1300] =	vst v31  }
0xb4: {  	v17 =	vld [tilespmem:$0xBA0];
	v41 =	vand.u32 $0xF, v27;
	v53 =	vadd.s32 v40, v48;
	[tilespmem:$0x12A0] =	vst v47  }
0xb5: {  	v24 =	vld [tilespmem:$0x310];
	v44 =	vmul.u32 $0xC800, v41;
	v34 =	vand.u32 $0xFFFFFFF0, v15;
	[tilespmem:$0x12B0] =	vst v53  }
0xb6: {  	v57 =	vld [tilespmem:$0xB80];
	v40 =	vand.u32 $0xFFFFFFF0, v21;
	[tilespmem:$0xF10] =	vst v34  }
0xb7: {  	v63 =	vld [tilespmem:$0xB90];
	v29 =	vand.u32 $0xF, v15;
	v49 =	vadd.s32 v36, v44;
	[tilespmem:$0xF20] =	vst v40  }
0xb8: {  	v45 =	vld [tilespmem:$0xB60];
	v32 =	vmul.u32 $0xC800, v29;
	v18 =	vand.u32 $0xFFFFFFF0, v51;
	[tilespmem:$0x1330] =	vst v49  }
0xb9: {  	v60 =	vld [tilespmem:$0x370];
	v35 =	vand.u32 $0xF, v21;
	[tilespmem:$0xF70] =	vst v18;
	v36 =	vand.u32 $0xFFFFFFF0, v17  }
0xba: {  	v14 =	vld [tilespmem:$0x380];
	v38 =	vmul.u32 $0xC800, v35;
	v37 =	vadd.s32 v24, v32;
	[tilespmem:$0xFA0] =	vst v36  }
0xbb: {  	v13 =	vand.u32 $0xF, v51;
	v24 =	vand.u32 $0xFFFFFFF0, v57;
	[tilespmem:$0x1310] =	vst v37  }
0xbc: {  	v41 =	vld [tilespmem:$0xBE0];
	v19 =	vand.u32 $0xF, v57;
	v16 =	vmul.u32 $0xC800, v13;
	v43 =	vadd.s32 v30, v38;
	[tilespmem:$0xF80] =	vst v24  }
0xbd: {  	v20 =	vld [tilespmem:$0x390];
	v22 =	vmul.u32 $0xC800, v19;
	v12 =	vand.u32 $0xFFFFFFF0, v45;
	[tilespmem:$0x1320] =	vst v43  }
0xbe: {  	v26 =	vld [tilespmem:$0x3A0];
	v21 =	vadd.s32 v60, v16;
	[tilespmem:$0xF60] =	vst v12  }
0xbf: {  	v42 =	vld [tilespmem:$0x340];
	v25 =	vand.u32 $0xF, v63;
	v27 =	vadd.s32 v14, v22;
	[tilespmem:$0x1370] =	vst v21  }
0xc0: {  	v48 =	vld [tilespmem:$0x350];
	v28 =	vmul.u32 $0xC800, v25;
	v31 =	vand.u32 $0xF, v17;
	v30 =	vand.u32 $0xFFFFFFF0, v63;
	[tilespmem:$0x1380] =	vst v27  }
0xc1: {  	v23 =	vld [tilespmem:$0xBB0];
	v47 =	vand.u32 $0xF, v33;
	v34 =	vmul.u32 $0xC800, v31;
	v58 =	vand.u32 $0xFFFFFFF0, v41;
	[tilespmem:$0xF90] =	vst v30  }
0xc2: {  	v29 =	vld [tilespmem:$0xBC0];
	v53 =	vand.u32 $0xF, v39;
	v50 =	vmul.u32 $0xC800, v47;
	v33 =	vadd.s32 v20, v28;
	[tilespmem:$0xFE0] =	vst v58  }
0xc3: {  	v54 =	vld [tilespmem:$0x360];
	v56 =	vmul.u32 $0xC800, v53;
	v39 =	vadd.s32 v26, v34;
	[tilespmem:$0x1390] =	vst v33  }
0xc4: {  	v35 =	vld [tilespmem:$0xBD0];
	v55 =	vadd.s32 v42, v50;
	[tilespmem:$0x13A0] =	vst v39  }
0xc5: {  	v32 =	vld [tilespmem:$0x3B0];
	v59 =	vand.u32 $0xF, v45;
	v61 =	vadd.s32 v48, v56;
	[tilespmem:$0x1340] =	vst v55  }
0xc6: {  	v47 =	vld [tilespmem:$0xBF0];
	v62 =	vmul.u32 $0xC800, v59;
	v42 =	vand.u32 $0xFFFFFFF0, v23;
	[tilespmem:$0x1350] =	vst v61  }
0xc7: {  	v37 =	vand.u32 $0xF, v23;
	v38 =	vld [tilespmem:$0x3C0];
	v48 =	vand.u32 $0xFFFFFFF0, v29;
	[tilespmem:$0xFB0] =	vst v42  }
0xc8: {  	v44 =	vld [tilespmem:$0x3D0];
	v40 =	vmul.u32 $0xC800, v37;
	v15 =	vadd.s32 v54, v62;
	[tilespmem:$0xFC0] =	vst v48  }
0xc9: {  	v43 =	vand.u32 $0xF, v29;
	v50 =	vld [tilespmem:$0x3E0];
	v53 =	vand.u32 $0xFFFFFFF0, v35;
	[tilespmem:$0x1360] =	vst v15  }
0xca: {  	v46 =	vmul.u32 $0xC800, v43;
	v49 =	vand.u32 $0xF, v35;
	v55 =	vld [tilespmem:$0x3F0];
	v45 =	vadd.s32 v32, v40;
	[tilespmem:$0xFD0] =	vst v53  }
0xcb: {  	v54 =	vand.u32 $0xF, v41;
	v52 =	vmul.u32 $0xC800, v49;
	v62 =	vand.u32 $0xFFFFFFF0, v47;
	[tilespmem:$0x13B0] =	vst v45  }
0xcc: {  	v57 =	vmul.u32 $0xC800, v54;
	v59 =	vand.u32 $0xF, v47;
	v51 =	vadd.s32 v38, v46;
	[tilespmem:$0xFF0] =	vst v62  }
0xcd: {  	v61 =	vmul.u32 $0xC800, v59;
	[tilespmem:$0x13C0] =	vst v51;
	v56 =	vadd.s32 v44, v52  }
0xce: {  	[tilespmem:$0x13D0] =	vst v56;
	v60 =	vadd.s32 v50, v57  }
0xcf: {  	[tilespmem:$0x13E0] =	vst v60;
	v63 =	vadd.s32 v55, v61  }
0xd0: {  	[tilespmem:$0x13F0] =	vst v63  }
0xd1: {  	_ =	swait.ge [sflag:s26], $0x2000  }
0xd2: {  	[sflag:s26] =	ssyncset.done $0x0  }
0xd3: {  	[sflag:s26] =	ssyncadd.s32 $0xFFFFE000  }
0xd4: {  	[spmem:s4] =	stream.indirect.scatter.add.f32 [tilespmem:s29], [sflag:$0x1], $0x8, s25, s25, $0xb8;
	[tilespmem:$0x1D080] =	vst v63  }
0xd5: {  	_ = 	snop  }
0xd6: {  	[spmem:s5] =	stream.indirect.scatter.add.f32 [tilespmem:s3], [sflag:$0x2], $0x1, s31, s25, $0xb8;
	[tilespmem:$0x1D080] =	vst v63  }
0xd7: {  	p0 =	sne.s32 s11, $0x1900;
	_ =	swait.ge [sflag:s26], $0x2000  }
.Ltmp0:
0xd8: {  	[sflag:s26] =	ssyncset.done $0x0;
	(pc) =	sbr.rel @p0 .LBB2_2-.Ltmp0, $4  }
0xd9: {  	[sflag:s26] =	ssyncadd.s32 $0xFFFFE000  }
0xda: {  	_ =	swait.ge [sflag:s28], $0x400  }
0xdb: {  	[sflag:s28] =	ssyncset.done $0x0  }
0xdc: {  	s11 =	sadd.s32 $0x80, s11;
	[sflag:s28] =	ssyncadd.s32 $0xFFFFFC00  }
0xdd: {  	[bflag:$0x0] =	sbarrier.arrive $0xFFFF  }
0xde: {  	[hbm:s14], [sflag:s10] =	dma.local [spmem:s8], $0xC80  }
0xdf: {  	s1 =	sadd.s32 $0x1, s1;
	_ =	swait.ge [sflag:s20], $0xC80  }
0xe0: {  	p0 =	sne.s32 s1, s16;
	[sflag:s20] =	ssyncset.done $0x0  }
.Ltmp1:
0xe1: {  	[sflag:s20] =	ssyncadd.s32 $0xFFFFF380;
	(pc) =	sbr.rel @p0 .LBB2_1-.Ltmp1, $4  }
0xe2: {  	[hbm:s15], [sflag:s10] =	dma.local [spmem:s9], $0x1900  }
0xe3: {  	_ =	swait.ge [sflag:s20], $0x1900  }
0xe4: {  	[sflag:s20] =	ssyncset.done $0x0  }
0xe5: {  	[sflag:s20] =	ssyncadd.s32 $0xFFFFE700  }
0xe6: {  	_ =	sfence.sel $0x180000  }
0xe7: {  	[bflag:$0x0] =	sbarrier.arrive $0xFFFF  }
0xe8: {  	_ =	strace $0x9000004A  }
0xe9: {  	s0 =	stileid.u32;
	[bflag:$0x2] =	sbarrier.arrive $0xFFFF  }
0xea: {  	p0 =	sne.s32 s0, $0x0;
	s0 =	rddreg [dreg:$0x5]  }
0xeb: {  	s0 =	sadd.s32 @!p0 $0x100000, s0  }
0xec: {  	[sflag:s0] =	ssyncadd.tile.s32 @!p0 $0x1;
	_ =	shalt  }
.Lfunc_end2:
_tile_overlayer_lowered:
.L_overlay_start_2:
0xed: {  	(tag) =	ssettag $0x2  }
0xee: {  	s0 =	rddreg [dreg:$0x0];
	s2 =	stileid.u32  }
0xef: {  	s1 =	rddreg [dreg:$0x1];
	p0 =	sne.s32 s2, $0x0  }
0xf0: {  	s3 =	rddreg [dreg:$0x2];
	[bflag:$0x3] =	sbarrier.arrive $0xFFFF;
	s2 =	simm.s32 @!p0 $0x1C03  }
0xf1: {  	[timem:s3], [sflag:s2] =	dma.local @!p0 [hbm:s0], s1  }
0xf2: {  	s0 =	simm.s32 @!p0 $0x3  }
0xf3: {  	_ =	swait.ge @!p0 [sflag:s0], s1  }
0xf4: {  	s1 =	ssub.s32 @!p0 $0x0, s1;
	[sflag:s0] =	ssyncset.done @!p0 $0x0  }
0xf5: {  	[sflag:s0] =	ssyncadd.s32 @!p0 s1  }
0xf6: {  	[bflag:$0x3] =	sbarrier.arrive $0xFFFF  }
0xf7: {  	_ =	shalt  }

</sc_bundles>
